<compile_context>
chip_gen: v7x
topology: tpu7x:2x2x1
jax: 0.10.2.dev20260603
libtpu: 0.0.44.dev20260713+nightly
codegen_flags: <defaults>
</compile_context>

<pallas_src>
import functools

import jax
import jax.numpy as jnp
from jax import lax
from jax.experimental import pallas as pl
from jax.experimental.pallas import tpu as pltpu
from jax.experimental.pallas import tpu_sc as plsc


def _gelu_exact(x):
    return 0.5 * x * (1.0 + jax.lax.erf(x * 0.7071067811865476))


def _expert_mlp_body(x_ref, wg_ref, wu_ref, wd_ref, w_ref, y_ref):
    j = pl.program_id(1)
    x = x_ref[0].astype(jnp.bfloat16)
    g = jax.lax.dot_general(x, wg_ref[0].astype(jnp.bfloat16),
                            (((1,), (1,)), ((), ())),
                            preferred_element_type=jnp.float32)
    u = jax.lax.dot_general(x, wu_ref[0].astype(jnp.bfloat16),
                            (((1,), (1,)), ((), ())),
                            preferred_element_type=jnp.float32)
    h = (_gelu_exact(g) * u).astype(jnp.bfloat16)
    y = jax.lax.dot_general(h, wd_ref[0].astype(jnp.bfloat16),
                            (((1,), (1,)), ((), ())),
                            preferred_element_type=jnp.float32)

    @pl.when(j == 0)
    def _init():
        y_ref[0] = y

    @pl.when(j > 0)
    def _acc():
        y_ref[0] += y

    @pl.when(j == pl.num_programs(1) - 1)
    def _scale():
        y_ref[0] = y_ref[0] * w_ref[0, 0][:, None]


def _expert_mlp(xg, exp_gate, exp_up, exp_down, topk_w, *, jb=512):
    E, C, d = xg.shape
    ff = exp_gate.shape[1]
    nj = ff // jb
    return pl.pallas_call(
        _expert_mlp_body,
        grid=(E, nj),
        in_specs=[
            pl.BlockSpec((1, C, d), lambda e, j: (e, 0, 0)),
            pl.BlockSpec((1, jb, d), lambda e, j: (e, j, 0)),
            pl.BlockSpec((1, jb, d), lambda e, j: (e, j, 0)),
            pl.BlockSpec((1, d, jb), lambda e, j: (e, 0, j)),
            pl.BlockSpec((1, 1, C), lambda e, j: (e, 0, 0)),
        ],
        out_specs=pl.BlockSpec((1, C, d), lambda e, j: (e, 0, 0)),
        out_shape=jax.ShapeDtypeStruct((E, C, d), jnp.float32),
        compiler_params=pltpu.CompilerParams(
            dimension_semantics=("parallel", "arbitrary")),
    )(xg, exp_gate, exp_up, exp_down, topk_w.reshape(E, 1, C))


def _shared_mlp_body(x_ref, g_ref, u_ref, d_ref, o_ref):
    x = x_ref[...].astype(jnp.bfloat16)
    g = jax.lax.dot_general(x, g_ref[...].astype(jnp.bfloat16),
                            (((1,), (1,)), ((), ())),
                            preferred_element_type=jnp.float32)
    u = jax.lax.dot_general(x, u_ref[...].astype(jnp.bfloat16),
                            (((1,), (1,)), ((), ())),
                            preferred_element_type=jnp.float32)
    h = (_gelu_exact(g) * u).astype(jnp.bfloat16)
    o_ref[...] = jax.lax.dot_general(h, d_ref[...].astype(jnp.bfloat16),
                                     (((1,), (1,)), ((), ())),
                                     preferred_element_type=jnp.float32)


def _shared_mlp(x, sh_gate, sh_up, sh_down, *, tb=512):
    N, d = x.shape
    sh = sh_gate.shape[0]
    nt = N // tb
    return pl.pallas_call(
        _shared_mlp_body,
        grid=(nt,),
        in_specs=[
            pl.BlockSpec((tb, d), lambda t: (t, 0)),
            pl.BlockSpec((sh, d), lambda t: (0, 0)),
            pl.BlockSpec((sh, d), lambda t: (0, 0)),
            pl.BlockSpec((d, sh), lambda t: (0, 0)),
        ],
        out_specs=pl.BlockSpec((tb, d), lambda t: (t, 0)),
        out_shape=jax.ShapeDtypeStruct((N, d), jnp.float32),
        compiler_params=pltpu.CompilerParams(
            dimension_semantics=("parallel",)),
    )(x, sh_gate, sh_up, sh_down)


def _routing_body(C, x_ref, g_ref, st_ref, thr_ref):
    lt = jax.lax.dot_general(g_ref[...], x_ref[...], (((1,), (1,)), ((), ())),
                             preferred_element_type=jnp.float32)
    m = jnp.max(lt, axis=0, keepdims=True)
    ex = jnp.exp(lt - m)
    sc = ex / jnp.sum(ex, axis=0, keepdims=True)
    st_ref[...] = sc
    bits = jax.lax.bitcast_convert_type(sc, jnp.int32)
    E = sc.shape[0]

    def body(_, carry):
        lo, hi = carry
        mid = jax.lax.div(lo + hi, 2)
        cnt = jnp.sum((bits >= mid).astype(jnp.int32), axis=1, keepdims=True)
        ge = cnt >= C
        return jnp.where(ge, mid, lo), jnp.where(ge, hi, mid)

    lo0 = jnp.zeros((E, 1), jnp.int32)
    hi0 = jnp.full((E, 1), 0x7F800000, jnp.int32)
    lo, _ = jax.lax.fori_loop(0, 31, body, (lo0, hi0))
    thr = jax.lax.bitcast_convert_type(lo, jnp.float32)
    thr_ref[...] = jnp.broadcast_to(thr, thr_ref.shape)


def _routing(x, gate_w, C):
    N, d = x.shape
    E = gate_w.shape[0]
    return pl.pallas_call(
        functools.partial(_routing_body, C),
        grid=(1,),
        in_specs=[pl.BlockSpec((N, d), lambda i: (0, 0)),
                  pl.BlockSpec((E, d), lambda i: (0, 0))],
        out_specs=[pl.BlockSpec((E, N), lambda i: (0, 0)),
                   pl.BlockSpec((E, 128), lambda i: (0, 0))],
        out_shape=[jax.ShapeDtypeStruct((E, N), jnp.float32),
                   jax.ShapeDtypeStruct((E, 128), jnp.float32)],
    )(x, gate_w)


def _compact_gather(scores_t, thr, x, C):
    E, N = scores_t.shape
    _, d = x.shape
    L = 16
    nv = N // L
    CH = 64
    mesh = plsc.VectorSubcoreMesh(core_axis_name="c", subcore_axis_name="s")

    @functools.partial(
        pl.kernel, mesh=mesh,
        compiler_params=pltpu.CompilerParams(needs_layout_passes=False),
        out_type=[jax.ShapeDtypeStruct((E, C), jnp.int32),
                  jax.ShapeDtypeStruct((E, C), jnp.float32),
                  jax.ShapeDtypeStruct((E * C, d), jnp.float32)],
        scratch_types=[pltpu.VMEM((N,), jnp.float32),
                       pltpu.VMEM((L,), jnp.float32),
                       pltpu.VMEM((C,), jnp.int32),
                       pltpu.VMEM((C,), jnp.float32),
                       pltpu.VMEM((CH, d), jnp.float32),
                       pltpu.SemaphoreType.DMA],
    )
    def k(scores_hbm, thr_hbm, x_hbm, idx_hbm, w_hbm, xg_hbm,
          s_v, t_v, idx_v, w_v, rows_v, sem):
        wid = lax.axis_index("s") * 2 + lax.axis_index("c")

        @pl.when(wid < E)
        def _():
            e = wid
            pltpu.sync_copy(scores_hbm.at[e], s_v)
            pltpu.sync_copy(thr_hbm.at[e, pl.ds(0, L)], t_v)
            t = t_v[...]

            def body(i, off):
                s = s_v[pl.ds(i * L, L)]
                msk = s >= t
                pos = off + plsc.cumsum(msk.astype(jnp.int32)) - 1
                m2 = jnp.logical_and(msk, pos < C)
                tok = lax.iota(jnp.int32, L) + i * L
                plsc.store_scatter(idx_v, [pos], tok, mask=m2)
                plsc.store_scatter(w_v, [pos], s, mask=m2)
                return off + plsc.all_reduce_population_count(msk)

            lax.fori_loop(0, nv, body, jnp.zeros((L,), jnp.int32))
            pltpu.sync_copy(idx_v, idx_hbm.at[e])
            pltpu.sync_copy(w_v, w_hbm.at[e])
            for c in range(C // CH):
                pltpu.async_copy(
                    x_hbm.at[idx_v.at[pl.ds(c * CH, CH)]], rows_v, sem).wait()
                pltpu.sync_copy(
                    rows_v, xg_hbm.at[pl.ds(e * C + c * CH, CH)])

    return k(scores_t, thr, x)


def _scatter_add(shared_out4, y4, idx2):
    N = shared_out4.shape[0]
    NCH = shared_out4.shape[1]
    CW = shared_out4.shape[2]
    R = y4.shape[0]
    RT = R // 16
    RB = 128
    NB = RT // RB
    mesh = plsc.VectorSubcoreMesh(core_axis_name="c", subcore_axis_name="s")

    @functools.partial(
        pl.kernel, mesh=mesh,
        compiler_params=pltpu.CompilerParams(needs_layout_passes=False),
        out_type=jax.ShapeDtypeStruct((N, NCH, CW), jnp.float32),
        scratch_types=[pltpu.VMEM_SHARED((N, CW), jnp.float32),
                       pltpu.VMEM((RB, CW), jnp.float32),
                       pltpu.VMEM((RB, CW), jnp.float32),
                       pltpu.VMEM((NB, RB), jnp.int32),
                       pltpu.SemaphoreType.DMA,
                       pltpu.SemaphoreType.DMA],
    )
    def k(sh_hbm, y_hbm, idx_hbm, out_hbm, acc, buf0, buf1, idx_v, s0, s1):
        c = lax.axis_index("c")
        s = lax.axis_index("s")
        rows0 = s * (N // 16)
        bufs, sems = (buf0, buf1), (s0, s1)
        pltpu.sync_copy(idx_hbm.at[pl.ds(s * NB, NB)], idx_v)
        for cc in range(NCH // 2):
            cidx = c * (NCH // 2) + cc
            pltpu.sync_copy(sh_hbm.at[pl.ds(rows0, N // 16), cidx],
                            acc.at[pl.ds(rows0, N // 16)])
            plsc.subcore_barrier()
            cp = pltpu.async_copy(
                y_hbm.at[pl.ds(s * RT, RB), cidx], bufs[0], sems[0])
            for ch in range(NB):
                cp.wait()
                if ch + 1 < NB:
                    cp = pltpu.async_copy(
                        y_hbm.at[pl.ds(s * RT + (ch + 1) * RB, RB), cidx],
                        bufs[(ch + 1) % 2], sems[(ch + 1) % 2])
                pltpu.sync_copy(bufs[ch % 2], acc.at[idx_v.at[ch]], add=True)
            plsc.subcore_barrier()
            pltpu.sync_copy(acc.at[pl.ds(rows0, N // 16)],
                            out_hbm.at[pl.ds(rows0, N // 16), cidx])
            plsc.subcore_barrier()

    return k(shared_out4, y4, idx2)


def kernel(hidden_states, gate_w, exp_gate, exp_up, exp_down,
           sh_gate, sh_up, sh_down):
    B, S, d = hidden_states.shape
    E = gate_w.shape[0]
    N = B * S
    C = int(N * 2.0 / E)
    x = hidden_states.reshape(N, d)

    scores_t, thr = _routing(x, gate_w, C)
    topk_idx, topk_w, xg_flat = _compact_gather(scores_t, thr, x, C)

    flat_idx = topk_idx.reshape(-1)
    y = _expert_mlp(xg_flat.reshape(E, C, d), exp_gate, exp_up, exp_down,
                    topk_w)

    shared = _shared_mlp(x, sh_gate, sh_up, sh_down)
    out = _scatter_add(shared.reshape(N, 8, d // 8),
                       y.reshape(N * 2, 8, d // 8), flat_idx.reshape(64, 128))
    return out.reshape(B, S, d)

# --- scband reference (transcript-rebuilt; emitter-appended) ---
"""Pipeline reference for scband-sparse-moe-block-68719476736412 (READ-ONLY COPY).

The authoritative reference and input builder live on the scoring server;
editing this copy changes nothing except your own understanding.
"""

import jax, jax.numpy as jnp
import numpy as np

EMBED_DIM = 1024
NUM_EXPERTS = 16
F_C = 2.0
MLP_RATIO = 4
N_SHARED = 2


def setup_inputs(seed: int = 0) -> dict:
    key = jax.random.key(seed)
    ks = jax.random.split(key, 8)
    d = EMBED_DIM
    ff = MLP_RATIO * d
    sh = N_SHARED * d
    return {
        "hidden_states": jax.random.normal(ks[0], (2, 2048, d), dtype=jnp.float32),
        "gate_w": jax.random.normal(ks[1], (NUM_EXPERTS, d), dtype=jnp.float32) * 0.02,
        "exp_gate": jax.random.normal(ks[2], (NUM_EXPERTS, ff, d), dtype=jnp.float32) * 0.02,
        "exp_up": jax.random.normal(ks[3], (NUM_EXPERTS, ff, d), dtype=jnp.float32) * 0.02,
        "exp_down": jax.random.normal(ks[4], (NUM_EXPERTS, d, ff), dtype=jnp.float32) * 0.02,
        "sh_gate": jax.random.normal(ks[5], (sh, d), dtype=jnp.float32) * 0.02,
        "sh_up": jax.random.normal(ks[6], (sh, d), dtype=jnp.float32) * 0.02,
        "sh_down": jax.random.normal(ks[7], (d, sh), dtype=jnp.float32) * 0.02,
    }


def _mlp(x, gw, uw, dw):
    # MoeMLP: down_proj(gelu(gate_proj(x)) * up_proj(x)); the pretraining_tp
    # column/row split in the torch code is mathematically identical to the
    # full matmuls (cat of output slices / sum of down slices).
    g = x @ gw.T
    u = x @ uw.T
    return (jax.nn.gelu(g, approximate=False) * u) @ dw.T


def reference(hidden_states, gate_w, exp_gate, exp_up, exp_down, sh_gate, sh_up, sh_down):
    B, S, d = hidden_states.shape
    flat_x = hidden_states.reshape(-1, d)
    # EC_DiTMoEGate
    logits = flat_x @ gate_w.T                      # (N, E)
    scores = jax.nn.softmax(logits, axis=-1)
    scores_t = scores.T                             # (E, N)
    capacity = int(B * S * F_C / NUM_EXPERTS)
    topk_weight, topk_idx = jax.lax.top_k(scores_t, capacity)  # (E, C)
    flat_out = jnp.zeros_like(flat_x)
    for e in range(NUM_EXPERTS):
        idx = topk_idx[e]                           # (C,)
        expert_tokens = jnp.take(flat_x, idx, axis=0)
        expert_out = _mlp(expert_tokens, exp_gate[e], exp_up[e], exp_down[e])
        expert_out = expert_out * topk_weight[e][:, None]
        flat_out = flat_out.at[idx].add(expert_out)
    out = flat_out.reshape(B, S, d)
    # shared experts
    out = out + _mlp(hidden_states, sh_gate, sh_up, sh_down)
    return out


if False:  # reference __main__ guard neutralized (emitter)
    inp = setup_inputs()
    o = reference(**inp)
    print(o.shape, o.dtype)

if __name__ == "__main__":
    import jax
    _d = setup_inputs()
    print(jax.jit(kernel)(*tuple(_d.values())))

</pallas_src>

<mosaic_0001>
#map = affine_map<(d0, d1) -> (0, 0)>
module attributes {stable_mosaic.version = 14 : i64} {
  func.func @k(%arg0: i32, %arg1: i32, %arg2: memref<16x4096xf32, #tpu.memory_space<hbm>>, %arg3: memref<16x128xf32, #tpu.memory_space<hbm>>, %arg4: memref<4096x1024xf32, #tpu.memory_space<hbm>>, %arg5: memref<16x512xi32, #tpu.memory_space<hbm>>, %arg6: memref<16x512xf32, #tpu.memory_space<hbm>>, %arg7: memref<8192x1024xf32, #tpu.memory_space<hbm>>, %arg8: memref<4096xf32, #tpu.memory_space<vmem>>, %arg9: memref<16xf32, #tpu.memory_space<vmem>>, %arg10: memref<512xi32, #tpu.memory_space<vmem>>, %arg11: memref<512xf32, #tpu.memory_space<vmem>>, %arg12: memref<64x1024xf32, #tpu.memory_space<vmem>>, %arg13: memref<!tpu.dma_semaphore, #tpu.memory_space<semaphore_mem>>) attributes {dimension_semantics = [#tpu.dimension_semantics<core_parallel>, #tpu.dimension_semantics<subcore_parallel>], iteration_bounds = array<i64: 2, 16>, scalar_prefetch = 0 : i64, scratch_operands = 6 : i64, tpu.core_type = #tpu.core_type<sc_vector_subcore>, window_params = [{transform_indices = #map}, {transform_indices = #map}, {transform_indices = #map}, {transform_indices = #map}, {transform_indices = #map}, {transform_indices = #map}]} {
    %mul3A = arith.constant 2 : i32
    %mul3A_0 = arith.muli %arg1, %mul3A : i32
    %add3A = arith.addi %mul3A_0, %arg0 : i32
    %lt3A = arith.constant 16 : i32
    %lt3A_1 = arith.cmpi slt, %add3A, %lt3A : i32
    %convert_element_type3A = arith.extui %lt3A_1 : i1 to i32
    %cond3A = arith.constant 0 : i32
    %cond3A_2 = arith.cmpi ne, %convert_element_type3A, %cond3A : i32
    scf.if %cond3A_2 {
      "tpu.region"() ({
        %run_scoped3A = tpu.sem_alloc : memref<!tpu.dma_semaphore, #tpu.memory_space<semaphore_mem>>
        %dma_start3A_120 = arith.constant 0 : i32
        %dma_start3A_121 = tpu.memref_slice %arg2[%add3A, %dma_start3A_120] : memref<16x4096xf32, #tpu.memory_space<hbm>> -> memref<1x4096xf32, #tpu.memory_space<hbm>>
        %dma_start3A_122 = tpu.memref_squeeze %dma_start3A_121 : memref<1x4096xf32, #tpu.memory_space<hbm>> -> memref<4096xf32, #tpu.memory_space<hbm>>
        %dma_start3A_123 = arith.constant 0 : i32
        %dma_start3A_124 = tpu.memref_slice %arg2[%add3A, %dma_start3A_123] : memref<16x4096xf32, #tpu.memory_space<hbm>> -> memref<1x4096xf32, #tpu.memory_space<hbm>>
        %dma_start3A_125 = tpu.memref_squeeze %dma_start3A_124 : memref<1x4096xf32, #tpu.memory_space<hbm>> -> memref<4096xf32, #tpu.memory_space<hbm>>
        tpu.enqueue_dma source(%dma_start3A_125 : memref<4096xf32, #tpu.memory_space<hbm>>) target(%arg8 : memref<4096xf32, #tpu.memory_space<vmem>>) target_semaphore(%run_scoped3A : memref<!tpu.dma_semaphore, #tpu.memory_space<semaphore_mem>>)
        %dma_wait3A_126 = arith.constant 0 : i32
        %dma_wait3A_127 = tpu.memref_slice %arg2[%add3A, %dma_wait3A_126] : memref<16x4096xf32, #tpu.memory_space<hbm>> -> memref<1x4096xf32, #tpu.memory_space<hbm>>
        %dma_wait3A_128 = tpu.memref_squeeze %dma_wait3A_127 : memref<1x4096xf32, #tpu.memory_space<hbm>> -> memref<4096xf32, #tpu.memory_space<hbm>>
        %dma_wait3A_129 = arith.constant 0 : i32
        %dma_wait3A_130 = tpu.memref_slice %arg2[%add3A, %dma_wait3A_129] : memref<16x4096xf32, #tpu.memory_space<hbm>> -> memref<1x4096xf32, #tpu.memory_space<hbm>>
        %dma_wait3A_131 = tpu.memref_squeeze %dma_wait3A_130 : memref<1x4096xf32, #tpu.memory_space<hbm>> -> memref<4096xf32, #tpu.memory_space<hbm>>
        tpu.wait_dma2 semaphore(%run_scoped3A : memref<!tpu.dma_semaphore, #tpu.memory_space<semaphore_mem>>) src(%dma_wait3A_131 : memref<4096xf32, #tpu.memory_space<hbm>>) dst(%arg8 : memref<4096xf32, #tpu.memory_space<vmem>>)
        tpu.yield
      }) : () -> ()
      "tpu.region"() ({
        %run_scoped3A = tpu.sem_alloc : memref<!tpu.dma_semaphore, #tpu.memory_space<semaphore_mem>>
        %dma_start3A_120 = arith.constant 0 : i32
        %dma_start3A_121 = tpu.memref_slice %arg3[%add3A, %dma_start3A_120] : memref<16x128xf32, #tpu.memory_space<hbm>> -> memref<1x16xf32, #tpu.memory_space<hbm>>
        %dma_start3A_122 = tpu.memref_squeeze %dma_start3A_121 : memref<1x16xf32, #tpu.memory_space<hbm>> -> memref<16xf32, #tpu.memory_space<hbm>>
        %dma_start3A_123 = arith.constant 0 : i32
        %dma_start3A_124 = tpu.memref_slice %arg3[%add3A, %dma_start3A_123] : memref<16x128xf32, #tpu.memory_space<hbm>> -> memref<1x16xf32, #tpu.memory_space<hbm>>
        %dma_start3A_125 = tpu.memref_squeeze %dma_start3A_124 : memref<1x16xf32, #tpu.memory_space<hbm>> -> memref<16xf32, #tpu.memory_space<hbm>>
        tpu.enqueue_dma source(%dma_start3A_125 : memref<16xf32, #tpu.memory_space<hbm>>) target(%arg9 : memref<16xf32, #tpu.memory_space<vmem>>) target_semaphore(%run_scoped3A : memref<!tpu.dma_semaphore, #tpu.memory_space<semaphore_mem>>)
        %dma_wait3A_126 = arith.constant 0 : i32
        %dma_wait3A_127 = tpu.memref_slice %arg3[%add3A, %dma_wait3A_126] : memref<16x128xf32, #tpu.memory_space<hbm>> -> memref<1x16xf32, #tpu.memory_space<hbm>>
        %dma_wait3A_128 = tpu.memref_squeeze %dma_wait3A_127 : memref<1x16xf32, #tpu.memory_space<hbm>> -> memref<16xf32, #tpu.memory_space<hbm>>
        %dma_wait3A_129 = arith.constant 0 : i32
        %dma_wait3A_130 = tpu.memref_slice %arg3[%add3A, %dma_wait3A_129] : memref<16x128xf32, #tpu.memory_space<hbm>> -> memref<1x16xf32, #tpu.memory_space<hbm>>
        %dma_wait3A_131 = tpu.memref_squeeze %dma_wait3A_130 : memref<1x16xf32, #tpu.memory_space<hbm>> -> memref<16xf32, #tpu.memory_space<hbm>>
        tpu.wait_dma2 semaphore(%run_scoped3A : memref<!tpu.dma_semaphore, #tpu.memory_space<semaphore_mem>>) src(%dma_wait3A_131 : memref<16xf32, #tpu.memory_space<hbm>>) dst(%arg9 : memref<16xf32, #tpu.memory_space<vmem>>)
        tpu.yield
      }) : () -> ()
      %get3A = arith.constant 0 : index
      %get3A_3 = tpu.vector_load %arg9[%get3A] {strides = array<i32>} : memref<16xf32, #tpu.memory_space<vmem>>, vector<16xf32>,
      %broadcast_in_dim3A = arith.constant 0 : i32
      %broadcast_in_dim3A_4 = vector.broadcast %broadcast_in_dim3A : i32 to vector<16xi32>
      %scan3A = arith.constant 0 : i32
      %scan3A_5 = arith.constant 256 : i32
      %scan3A_6 = arith.addi %scan3A, %scan3A_5 : i32
      %scan3A_7 = arith.constant 1 : i32
      %scan3A_8 = scf.for %scan3A_120 = %scan3A to %scan3A_6 step %scan3A_7 iter_args(%scan3A_121 = %broadcast_in_dim3A_4) -> (vector<16xi32>)  : i32 {
        %mul3A_122 = arith.constant 16 : i32
        %mul3A_123 = arith.muli %scan3A_120, %mul3A_122 : i32
        %get3A_124 = arith.index_cast %mul3A_123 : i32 to index
        %get3A_125 = tpu.vector_load %arg8[%get3A_124] {strides = array<i32>} : memref<4096xf32, #tpu.memory_space<vmem>>, vector<16xf32>,
        %ge3A = arith.cmpf oge, %get3A_125, %get3A_3 : vector<16xf32>
        %convert_element_type3A_126 = arith.extui %ge3A : vector<16xi1> to vector<16xi32>
        %broadcast_in_dim3A_127 = arith.constant true
        %broadcast_in_dim3A_128 = vector.broadcast %broadcast_in_dim3A_127 : i1 to vector<16xi1>
        %masked_cumsum3A = tpu.scan <sum>, %convert_element_type3A_126 masked %broadcast_in_dim3A_128 : vector<16xi32>, vector<16xi1> -> vector<16xi32>
        %add3A_129 = arith.addi %scan3A_121, %masked_cumsum3A : vector<16xi32>
        %sub3A = arith.constant 1 : i32
        %sub3A_130 = vector.broadcast %sub3A : i32 to vector<16xi32>
        %sub3A_131 = arith.subi %add3A_129, %sub3A_130 : vector<16xi32>
        %lt3A_132 = arith.constant 512 : i32
        %lt3A_133 = vector.broadcast %lt3A_132 : i32 to vector<16xi32>
        %lt3A_134 = arith.cmpi slt, %sub3A_131, %lt3A_133 : vector<16xi32>
        %and3A = arith.andi %ge3A, %lt3A_134 : vector<16xi1>
        %iota3A = tpu.iota {dimensions = array<i32: 0>} : vector<16xi32>
        %mul3A_135 = arith.constant 16 : i32
        %mul3A_136 = arith.muli %scan3A_120, %mul3A_135 : i32
        %add3A_137 = vector.broadcast %mul3A_136 : i32 to vector<16xi32>
        %add3A_138 = arith.addi %iota3A, %add3A_137 : vector<16xi32>
        tpu.vector_store_idx %arg10[%sub3A_131], %add3A_138 masked %and3A : memref<512xi32, #tpu.memory_space<vmem>>[vector<16xi32>], vector<16xi32>, vector<16xi1>
        tpu.vector_store_idx %arg11[%sub3A_131], %get3A_125 masked %and3A : memref<512xf32, #tpu.memory_space<vmem>>[vector<16xi32>], vector<16xf32>, vector<16xi1>
        %all_reduce_population_count3A = tpu.all_reduce %ge3A {dim = 0 : i64, kind = #tpu.reduction_kind<sum>} : vector<16xi1> -> vector<16xi32>
        %add3A_139 = arith.addi %scan3A_121, %all_reduce_population_count3A : vector<16xi32>
        scf.yield %add3A_139 : vector<16xi32>
      }
      %scan3A_9 = arith.constant 256 : i32
      "tpu.region"() ({
        %run_scoped3A = tpu.sem_alloc : memref<!tpu.dma_semaphore, #tpu.memory_space<semaphore_mem>>
        %dma_start3A_120 = arith.constant 0 : i32
        %dma_start3A_121 = tpu.memref_slice %arg5[%add3A, %dma_start3A_120] : memref<16x512xi32, #tpu.memory_space<hbm>> -> memref<1x512xi32, #tpu.memory_space<hbm>>
        %dma_start3A_122 = tpu.memref_squeeze %dma_start3A_121 : memref<1x512xi32, #tpu.memory_space<hbm>> -> memref<512xi32, #tpu.memory_space<hbm>>
        %dma_start3A_123 = arith.constant 0 : i32
        %dma_start3A_124 = tpu.memref_slice %arg5[%add3A, %dma_start3A_123] : memref<16x512xi32, #tpu.memory_space<hbm>> -> memref<1x512xi32, #tpu.memory_space<hbm>>
        %dma_start3A_125 = tpu.memref_squeeze %dma_start3A_124 : memref<1x512xi32, #tpu.memory_space<hbm>> -> memref<512xi32, #tpu.memory_space<hbm>>
        tpu.enqueue_dma source(%arg10 : memref<512xi32, #tpu.memory_space<vmem>>) target(%dma_start3A_125 : memref<512xi32, #tpu.memory_space<hbm>>) target_semaphore(%run_scoped3A : memref<!tpu.dma_semaphore, #tpu.memory_space<semaphore_mem>>)
        %dma_wait3A_126 = arith.constant 0 : i32
        %dma_wait3A_127 = tpu.memref_slice %arg5[%add3A, %dma_wait3A_126] : memref<16x512xi32, #tpu.memory_space<hbm>> -> memref<1x512xi32, #tpu.memory_space<hbm>>
        %dma_wait3A_128 = tpu.memref_squeeze %dma_wait3A_127 : memref<1x512xi32, #tpu.memory_space<hbm>> -> memref<512xi32, #tpu.memory_space<hbm>>
        %dma_wait3A_129 = arith.constant 0 : i32
        %dma_wait3A_130 = tpu.memref_slice %arg5[%add3A, %dma_wait3A_129] : memref<16x512xi32, #tpu.memory_space<hbm>> -> memref<1x512xi32, #tpu.memory_space<hbm>>
        %dma_wait3A_131 = tpu.memref_squeeze %dma_wait3A_130 : memref<1x512xi32, #tpu.memory_space<hbm>> -> memref<512xi32, #tpu.memory_space<hbm>>
        tpu.wait_dma2 semaphore(%run_scoped3A : memref<!tpu.dma_semaphore, #tpu.memory_space<semaphore_mem>>) src(%arg10 : memref<512xi32, #tpu.memory_space<vmem>>) dst(%dma_wait3A_131 : memref<512xi32, #tpu.memory_space<hbm>>)
        tpu.yield
      }) : () -> ()
      "tpu.region"() ({
        %run_scoped3A = tpu.sem_alloc : memref<!tpu.dma_semaphore, #tpu.memory_space<semaphore_mem>>
        %dma_start3A_120 = arith.constant 0 : i32
        %dma_start3A_121 = tpu.memref_slice %arg6[%add3A, %dma_start3A_120] : memref<16x512xf32, #tpu.memory_space<hbm>> -> memref<1x512xf32, #tpu.memory_space<hbm>>
        %dma_start3A_122 = tpu.memref_squeeze %dma_start3A_121 : memref<1x512xf32, #tpu.memory_space<hbm>> -> memref<512xf32, #tpu.memory_space<hbm>>
        %dma_start3A_123 = arith.constant 0 : i32
        %dma_start3A_124 = tpu.memref_slice %arg6[%add3A, %dma_start3A_123] : memref<16x512xf32, #tpu.memory_space<hbm>> -> memref<1x512xf32, #tpu.memory_space<hbm>>
        %dma_start3A_125 = tpu.memref_squeeze %dma_start3A_124 : memref<1x512xf32, #tpu.memory_space<hbm>> -> memref<512xf32, #tpu.memory_space<hbm>>
        tpu.enqueue_dma source(%arg11 : memref<512xf32, #tpu.memory_space<vmem>>) target(%dma_start3A_125 : memref<512xf32, #tpu.memory_space<hbm>>) target_semaphore(%run_scoped3A : memref<!tpu.dma_semaphore, #tpu.memory_space<semaphore_mem>>)
        %dma_wait3A_126 = arith.constant 0 : i32
        %dma_wait3A_127 = tpu.memref_slice %arg6[%add3A, %dma_wait3A_126] : memref<16x512xf32, #tpu.memory_space<hbm>> -> memref<1x512xf32, #tpu.memory_space<hbm>>
        %dma_wait3A_128 = tpu.memref_squeeze %dma_wait3A_127 : memref<1x512xf32, #tpu.memory_space<hbm>> -> memref<512xf32, #tpu.memory_space<hbm>>
        %dma_wait3A_129 = arith.constant 0 : i32
        %dma_wait3A_130 = tpu.memref_slice %arg6[%add3A, %dma_wait3A_129] : memref<16x512xf32, #tpu.memory_space<hbm>> -> memref<1x512xf32, #tpu.memory_space<hbm>>
        %dma_wait3A_131 = tpu.memref_squeeze %dma_wait3A_130 : memref<1x512xf32, #tpu.memory_space<hbm>> -> memref<512xf32, #tpu.memory_space<hbm>>
        tpu.wait_dma2 semaphore(%run_scoped3A : memref<!tpu.dma_semaphore, #tpu.memory_space<semaphore_mem>>) src(%arg11 : memref<512xf32, #tpu.memory_space<vmem>>) dst(%dma_wait3A_131 : memref<512xf32, #tpu.memory_space<hbm>>)
        tpu.yield
      }) : () -> ()
      %dma_start3A = arith.constant 0 : i32
      %dma_start3A_10 = tpu.memref_slice %arg10[%dma_start3A] : memref<512xi32, #tpu.memory_space<vmem>> -> memref<64xi32, #tpu.memory_space<vmem>>
      %dma_start3A_11 = arith.constant 0 : i32
      %dma_start3A_12 = arith.constant 0 : i32
      %dma_start3A_13 = tpu.memref_slice %arg4[%dma_start3A_11, %dma_start3A_12] : memref<4096x1024xf32, #tpu.memory_space<hbm>> -> memref<4096x1024xf32, #tpu.memory_space<hbm>>
      tpu.enqueue_indirect_dma source(%dma_start3A_13 : memref<4096x1024xf32, #tpu.memory_space<hbm>>) target(%arg12 : memref<64x1024xf32, #tpu.memory_space<vmem>>) offsets(%dma_start3A_10 : memref<64xi32, #tpu.memory_space<vmem>>) semaphore(%arg13 : memref<!tpu.dma_semaphore, #tpu.memory_space<semaphore_mem>>)
      %dma_wait3A = arith.constant 0 : i32
      %dma_wait3A_14 = tpu.memref_slice %arg10[%dma_wait3A] : memref<512xi32, #tpu.memory_space<vmem>> -> memref<64xi32, #tpu.memory_space<vmem>>
      %dma_wait3A_15 = arith.constant 0 : i32
      %dma_wait3A_16 = arith.constant 0 : i32
      %dma_wait3A_17 = tpu.memref_slice %arg4[%dma_wait3A_15, %dma_wait3A_16] : memref<4096x1024xf32, #tpu.memory_space<hbm>> -> memref<4096x1024xf32, #tpu.memory_space<hbm>>
      tpu.wait_indirect_dma semaphore(%arg13 : memref<!tpu.dma_semaphore, #tpu.memory_space<semaphore_mem>>) src(%dma_wait3A_17 : memref<4096x1024xf32, #tpu.memory_space<hbm>>) dst(%arg12 : memref<64x1024xf32, #tpu.memory_space<vmem>>)
      %mul3A_18 = arith.constant 512 : i32
      %mul3A_19 = arith.muli %add3A, %mul3A_18 : i32
      %add3A_20 = arith.constant 0 : i32
      %add3A_21 = arith.addi %mul3A_19, %add3A_20 : i32
      "tpu.region"() ({
        %run_scoped3A = tpu.sem_alloc : memref<!tpu.dma_semaphore, #tpu.memory_space<semaphore_mem>>
        %dma_start3A_120 = arith.constant 0 : i32
        %dma_start3A_121 = tpu.memref_slice %arg7[%add3A_21, %dma_start3A_120] : memref<8192x1024xf32, #tpu.memory_space<hbm>> -> memref<64x1024xf32, #tpu.memory_space<hbm>>
        %dma_start3A_122 = arith.constant 0 : i32
        %dma_start3A_123 = tpu.memref_slice %arg7[%add3A_21, %dma_start3A_122] : memref<8192x1024xf32, #tpu.memory_space<hbm>> -> memref<64x1024xf32, #tpu.memory_space<hbm>>
        tpu.enqueue_dma source(%arg12 : memref<64x1024xf32, #tpu.memory_space<vmem>>) target(%dma_start3A_123 : memref<64x1024xf32, #tpu.memory_space<hbm>>) target_semaphore(%run_scoped3A : memref<!tpu.dma_semaphore, #tpu.memory_space<semaphore_mem>>)
        %dma_wait3A_124 = arith.constant 0 : i32
        %dma_wait3A_125 = tpu.memref_slice %arg7[%add3A_21, %dma_wait3A_124] : memref<8192x1024xf32, #tpu.memory_space<hbm>> -> memref<64x1024xf32, #tpu.memory_space<hbm>>
        %dma_wait3A_126 = arith.constant 0 : i32
        %dma_wait3A_127 = tpu.memref_slice %arg7[%add3A_21, %dma_wait3A_126] : memref<8192x1024xf32, #tpu.memory_space<hbm>> -> memref<64x1024xf32, #tpu.memory_space<hbm>>
        tpu.wait_dma2 semaphore(%run_scoped3A : memref<!tpu.dma_semaphore, #tpu.memory_space<semaphore_mem>>) src(%arg12 : memref<64x1024xf32, #tpu.memory_space<vmem>>) dst(%dma_wait3A_127 : memref<64x1024xf32, #tpu.memory_space<hbm>>)
        tpu.yield
      }) : () -> ()
      %dma_start3A_22 = arith.constant 64 : i32
      %dma_start3A_23 = tpu.memref_slice %arg10[%dma_start3A_22] : memref<512xi32, #tpu.memory_space<vmem>> -> memref<64xi32, #tpu.memory_space<vmem>>
      %dma_start3A_24 = arith.constant 0 : i32
      %dma_start3A_25 = arith.constant 0 : i32
      %dma_start3A_26 = tpu.memref_slice %arg4[%dma_start3A_24, %dma_start3A_25] : memref<4096x1024xf32, #tpu.memory_space<hbm>> -> memref<4096x1024xf32, #tpu.memory_space<hbm>>
      tpu.enqueue_indirect_dma source(%dma_start3A_26 : memref<4096x1024xf32, #tpu.memory_space<hbm>>) target(%arg12 : memref<64x1024xf32, #tpu.memory_space<vmem>>) offsets(%dma_start3A_23 : memref<64xi32, #tpu.memory_space<vmem>>) semaphore(%arg13 : memref<!tpu.dma_semaphore, #tpu.memory_space<semaphore_mem>>)
      %dma_wait3A_27 = arith.constant 64 : i32
      %dma_wait3A_28 = tpu.memref_slice %arg10[%dma_wait3A_27] : memref<512xi32, #tpu.memory_space<vmem>> -> memref<64xi32, #tpu.memory_space<vmem>>
      %dma_wait3A_29 = arith.constant 0 : i32
      %dma_wait3A_30 = arith.constant 0 : i32
      %dma_wait3A_31 = tpu.memref_slice %arg4[%dma_wait3A_29, %dma_wait3A_30] : memref<4096x1024xf32, #tpu.memory_space<hbm>> -> memref<4096x1024xf32, #tpu.memory_space<hbm>>
      tpu.wait_indirect_dma semaphore(%arg13 : memref<!tpu.dma_semaphore, #tpu.memory_space<semaphore_mem>>) src(%dma_wait3A_31 : memref<4096x1024xf32, #tpu.memory_space<hbm>>) dst(%arg12 : memref<64x1024xf32, #tpu.memory_space<vmem>>)
      %mul3A_32 = arith.constant 512 : i32
      %mul3A_33 = arith.muli %add3A, %mul3A_32 : i32
      %add3A_34 = arith.constant 64 : i32
      %add3A_35 = arith.addi %mul3A_33, %add3A_34 : i32
      "tpu.region"() ({
        %run_scoped3A = tpu.sem_alloc : memref<!tpu.dma_semaphore, #tpu.memory_space<semaphore_mem>>
        %dma_start3A_120 = arith.constant 0 : i32
        %dma_start3A_121 = tpu.memref_slice %arg7[%add3A_35, %dma_start3A_120] : memref<8192x1024xf32, #tpu.memory_space<hbm>> -> memref<64x1024xf32, #tpu.memory_space<hbm>>
        %dma_start3A_122 = arith.constant 0 : i32
        %dma_start3A_123 = tpu.memref_slice %arg7[%add3A_35, %dma_start3A_122] : memref<8192x1024xf32, #tpu.memory_space<hbm>> -> memref<64x1024xf32, #tpu.memory_space<hbm>>
        tpu.enqueue_dma source(%arg12 : memref<64x1024xf32, #tpu.memory_space<vmem>>) target(%dma_start3A_123 : memref<64x1024xf32, #tpu.memory_space<hbm>>) target_semaphore(%run_scoped3A : memref<!tpu.dma_semaphore, #tpu.memory_space<semaphore_mem>>)
        %dma_wait3A_124 = arith.constant 0 : i32
        %dma_wait3A_125 = tpu.memref_slice %arg7[%add3A_35, %dma_wait3A_124] : memref<8192x1024xf32, #tpu.memory_space<hbm>> -> memref<64x1024xf32, #tpu.memory_space<hbm>>
        %dma_wait3A_126 = arith.constant 0 : i32
        %dma_wait3A_127 = tpu.memref_slice %arg7[%add3A_35, %dma_wait3A_126] : memref<8192x1024xf32, #tpu.memory_space<hbm>> -> memref<64x1024xf32, #tpu.memory_space<hbm>>
        tpu.wait_dma2 semaphore(%run_scoped3A : memref<!tpu.dma_semaphore, #tpu.memory_space<semaphore_mem>>) src(%arg12 : memref<64x1024xf32, #tpu.memory_space<vmem>>) dst(%dma_wait3A_127 : memref<64x1024xf32, #tpu.memory_space<hbm>>)
        tpu.yield
      }) : () -> ()
      %dma_start3A_36 = arith.constant 128 : i32
      %dma_start3A_37 = tpu.memref_slice %arg10[%dma_start3A_36] : memref<512xi32, #tpu.memory_space<vmem>> -> memref<64xi32, #tpu.memory_space<vmem>>
      %dma_start3A_38 = arith.constant 0 : i32
      %dma_start3A_39 = arith.constant 0 : i32
      %dma_start3A_40 = tpu.memref_slice %arg4[%dma_start3A_38, %dma_start3A_39] : memref<4096x1024xf32, #tpu.memory_space<hbm>> -> memref<4096x1024xf32, #tpu.memory_space<hbm>>
      tpu.enqueue_indirect_dma source(%dma_start3A_40 : memref<4096x1024xf32, #tpu.memory_space<hbm>>) target(%arg12 : memref<64x1024xf32, #tpu.memory_space<vmem>>) offsets(%dma_start3A_37 : memref<64xi32, #tpu.memory_space<vmem>>) semaphore(%arg13 : memref<!tpu.dma_semaphore, #tpu.memory_space<semaphore_mem>>)
      %dma_wait3A_41 = arith.constant 128 : i32
      %dma_wait3A_42 = tpu.memref_slice %arg10[%dma_wait3A_41] : memref<512xi32, #tpu.memory_space<vmem>> -> memref<64xi32, #tpu.memory_space<vmem>>
      %dma_wait3A_43 = arith.constant 0 : i32
      %dma_wait3A_44 = arith.constant 0 : i32
      %dma_wait3A_45 = tpu.memref_slice %arg4[%dma_wait3A_43, %dma_wait3A_44] : memref<4096x1024xf32, #tpu.memory_space<hbm>> -> memref<4096x1024xf32, #tpu.memory_space<hbm>>
      tpu.wait_indirect_dma semaphore(%arg13 : memref<!tpu.dma_semaphore, #tpu.memory_space<semaphore_mem>>) src(%dma_wait3A_45 : memref<4096x1024xf32, #tpu.memory_space<hbm>>) dst(%arg12 : memref<64x1024xf32, #tpu.memory_space<vmem>>)
      %mul3A_46 = arith.constant 512 : i32
      %mul3A_47 = arith.muli %add3A, %mul3A_46 : i32
      %add3A_48 = arith.constant 128 : i32
      %add3A_49 = arith.addi %mul3A_47, %add3A_48 : i32
      "tpu.region"() ({
        %run_scoped3A = tpu.sem_alloc : memref<!tpu.dma_semaphore, #tpu.memory_space<semaphore_mem>>
        %dma_start3A_120 = arith.constant 0 : i32
        %dma_start3A_121 = tpu.memref_slice %arg7[%add3A_49, %dma_start3A_120] : memref<8192x1024xf32, #tpu.memory_space<hbm>> -> memref<64x1024xf32, #tpu.memory_space<hbm>>
        %dma_start3A_122 = arith.constant 0 : i32
        %dma_start3A_123 = tpu.memref_slice %arg7[%add3A_49, %dma_start3A_122] : memref<8192x1024xf32, #tpu.memory_space<hbm>> -> memref<64x1024xf32, #tpu.memory_space<hbm>>
        tpu.enqueue_dma source(%arg12 : memref<64x1024xf32, #tpu.memory_space<vmem>>) target(%dma_start3A_123 : memref<64x1024xf32, #tpu.memory_space<hbm>>) target_semaphore(%run_scoped3A : memref<!tpu.dma_semaphore, #tpu.memory_space<semaphore_mem>>)
        %dma_wait3A_124 = arith.constant 0 : i32
        %dma_wait3A_125 = tpu.memref_slice %arg7[%add3A_49, %dma_wait3A_124] : memref<8192x1024xf32, #tpu.memory_space<hbm>> -> memref<64x1024xf32, #tpu.memory_space<hbm>>
        %dma_wait3A_126 = arith.constant 0 : i32
        %dma_wait3A_127 = tpu.memref_slice %arg7[%add3A_49, %dma_wait3A_126] : memref<8192x1024xf32, #tpu.memory_space<hbm>> -> memref<64x1024xf32, #tpu.memory_space<hbm>>
        tpu.wait_dma2 semaphore(%run_scoped3A : memref<!tpu.dma_semaphore, #tpu.memory_space<semaphore_mem>>) src(%arg12 : memref<64x1024xf32, #tpu.memory_space<vmem>>) dst(%dma_wait3A_127 : memref<64x1024xf32, #tpu.memory_space<hbm>>)
        tpu.yield
      }) : () -> ()
      %dma_start3A_50 = arith.constant 192 : i32
      %dma_start3A_51 = tpu.memref_slice %arg10[%dma_start3A_50] : memref<512xi32, #tpu.memory_space<vmem>> -> memref<64xi32, #tpu.memory_space<vmem>>
      %dma_start3A_52 = arith.constant 0 : i32
      %dma_start3A_53 = arith.constant 0 : i32
      %dma_start3A_54 = tpu.memref_slice %arg4[%dma_start3A_52, %dma_start3A_53] : memref<4096x1024xf32, #tpu.memory_space<hbm>> -> memref<4096x1024xf32, #tpu.memory_space<hbm>>
      tpu.enqueue_indirect_dma source(%dma_start3A_54 : memref<4096x1024xf32, #tpu.memory_space<hbm>>) target(%arg12 : memref<64x1024xf32, #tpu.memory_space<vmem>>) offsets(%dma_start3A_51 : memref<64xi32, #tpu.memory_space<vmem>>) semaphore(%arg13 : memref<!tpu.dma_semaphore, #tpu.memory_space<semaphore_mem>>)
      %dma_wait3A_55 = arith.constant 192 : i32
      %dma_wait3A_56 = tpu.memref_slice %arg10[%dma_wait3A_55] : memref<512xi32, #tpu.memory_space<vmem>> -> memref<64xi32, #tpu.memory_space<vmem>>
      %dma_wait3A_57 = arith.constant 0 : i32
      %dma_wait3A_58 = arith.constant 0 : i32
      %dma_wait3A_59 = tpu.memref_slice %arg4[%dma_wait3A_57, %dma_wait3A_58] : memref<4096x1024xf32, #tpu.memory_space<hbm>> -> memref<4096x1024xf32, #tpu.memory_space<hbm>>
      tpu.wait_indirect_dma semaphore(%arg13 : memref<!tpu.dma_semaphore, #tpu.memory_space<semaphore_mem>>) src(%dma_wait3A_59 : memref<4096x1024xf32, #tpu.memory_space<hbm>>) dst(%arg12 : memref<64x1024xf32, #tpu.memory_space<vmem>>)
      %mul3A_60 = arith.constant 512 : i32
      %mul3A_61 = arith.muli %add3A, %mul3A_60 : i32
      %add3A_62 = arith.constant 192 : i32
      %add3A_63 = arith.addi %mul3A_61, %add3A_62 : i32
      "tpu.region"() ({
        %run_scoped3A = tpu.sem_alloc : memref<!tpu.dma_semaphore, #tpu.memory_space<semaphore_mem>>
        %dma_start3A_120 = arith.constant 0 : i32
        %dma_start3A_121 = tpu.memref_slice %arg7[%add3A_63, %dma_start3A_120] : memref<8192x1024xf32, #tpu.memory_space<hbm>> -> memref<64x1024xf32, #tpu.memory_space<hbm>>
        %dma_start3A_122 = arith.constant 0 : i32
        %dma_start3A_123 = tpu.memref_slice %arg7[%add3A_63, %dma_start3A_122] : memref<8192x1024xf32, #tpu.memory_space<hbm>> -> memref<64x1024xf32, #tpu.memory_space<hbm>>
        tpu.enqueue_dma source(%arg12 : memref<64x1024xf32, #tpu.memory_space<vmem>>) target(%dma_start3A_123 : memref<64x1024xf32, #tpu.memory_space<hbm>>) target_semaphore(%run_scoped3A : memref<!tpu.dma_semaphore, #tpu.memory_space<semaphore_mem>>)
        %dma_wait3A_124 = arith.constant 0 : i32
        %dma_wait3A_125 = tpu.memref_slice %arg7[%add3A_63, %dma_wait3A_124] : memref<8192x1024xf32, #tpu.memory_space<hbm>> -> memref<64x1024xf32, #tpu.memory_space<hbm>>
        %dma_wait3A_126 = arith.constant 0 : i32
        %dma_wait3A_127 = tpu.memref_slice %arg7[%add3A_63, %dma_wait3A_126] : memref<8192x1024xf32, #tpu.memory_space<hbm>> -> memref<64x1024xf32, #tpu.memory_space<hbm>>
        tpu.wait_dma2 semaphore(%run_scoped3A : memref<!tpu.dma_semaphore, #tpu.memory_space<semaphore_mem>>) src(%arg12 : memref<64x1024xf32, #tpu.memory_space<vmem>>) dst(%dma_wait3A_127 : memref<64x1024xf32, #tpu.memory_space<hbm>>)
        tpu.yield
      }) : () -> ()
      %dma_start3A_64 = arith.constant 256 : i32
      %dma_start3A_65 = tpu.memref_slice %arg10[%dma_start3A_64] : memref<512xi32, #tpu.memory_space<vmem>> -> memref<64xi32, #tpu.memory_space<vmem>>
      %dma_start3A_66 = arith.constant 0 : i32
      %dma_start3A_67 = arith.constant 0 : i32
      %dma_start3A_68 = tpu.memref_slice %arg4[%dma_start3A_66, %dma_start3A_67] : memref<4096x1024xf32, #tpu.memory_space<hbm>> -> memref<4096x1024xf32, #tpu.memory_space<hbm>>
      tpu.enqueue_indirect_dma source(%dma_start3A_68 : memref<4096x1024xf32, #tpu.memory_space<hbm>>) target(%arg12 : memref<64x1024xf32, #tpu.memory_space<vmem>>) offsets(%dma_start3A_65 : memref<64xi32, #tpu.memory_space<vmem>>) semaphore(%arg13 : memref<!tpu.dma_semaphore, #tpu.memory_space<semaphore_mem>>)
      %dma_wait3A_69 = arith.constant 256 : i32
      %dma_wait3A_70 = tpu.memref_slice %arg10[%dma_wait3A_69] : memref<512xi32, #tpu.memory_space<vmem>> -> memref<64xi32, #tpu.memory_space<vmem>>
      %dma_wait3A_71 = arith.constant 0 : i32
      %dma_wait3A_72 = arith.constant 0 : i32
      %dma_wait3A_73 = tpu.memref_slice %arg4[%dma_wait3A_71, %dma_wait3A_72] : memref<4096x1024xf32, #tpu.memory_space<hbm>> -> memref<4096x1024xf32, #tpu.memory_space<hbm>>
      tpu.wait_indirect_dma semaphore(%arg13 : memref<!tpu.dma_semaphore, #tpu.memory_space<semaphore_mem>>) src(%dma_wait3A_73 : memref<4096x1024xf32, #tpu.memory_space<hbm>>) dst(%arg12 : memref<64x1024xf32, #tpu.memory_space<vmem>>)
      %mul3A_74 = arith.constant 512 : i32
      %mul3A_75 = arith.muli %add3A, %mul3A_74 : i32
      %add3A_76 = arith.constant 256 : i32
      %add3A_77 = arith.addi %mul3A_75, %add3A_76 : i32
      "tpu.region"() ({
        %run_scoped3A = tpu.sem_alloc : memref<!tpu.dma_semaphore, #tpu.memory_space<semaphore_mem>>
        %dma_start3A_120 = arith.constant 0 : i32
        %dma_start3A_121 = tpu.memref_slice %arg7[%add3A_77, %dma_start3A_120] : memref<8192x1024xf32, #tpu.memory_space<hbm>> -> memref<64x1024xf32, #tpu.memory_space<hbm>>
        %dma_start3A_122 = arith.constant 0 : i32
        %dma_start3A_123 = tpu.memref_slice %arg7[%add3A_77, %dma_start3A_122] : memref<8192x1024xf32, #tpu.memory_space<hbm>> -> memref<64x1024xf32, #tpu.memory_space<hbm>>
        tpu.enqueue_dma source(%arg12 : memref<64x1024xf32, #tpu.memory_space<vmem>>) target(%dma_start3A_123 : memref<64x1024xf32, #tpu.memory_space<hbm>>) target_semaphore(%run_scoped3A : memref<!tpu.dma_semaphore, #tpu.memory_space<semaphore_mem>>)
        %dma_wait3A_124 = arith.constant 0 : i32
        %dma_wait3A_125 = tpu.memref_slice %arg7[%add3A_77, %dma_wait3A_124] : memref<8192x1024xf32, #tpu.memory_space<hbm>> -> memref<64x1024xf32, #tpu.memory_space<hbm>>
        %dma_wait3A_126 = arith.constant 0 : i32
        %dma_wait3A_127 = tpu.memref_slice %arg7[%add3A_77, %dma_wait3A_126] : memref<8192x1024xf32, #tpu.memory_space<hbm>> -> memref<64x1024xf32, #tpu.memory_space<hbm>>
        tpu.wait_dma2 semaphore(%run_scoped3A : memref<!tpu.dma_semaphore, #tpu.memory_space<semaphore_mem>>) src(%arg12 : memref<64x1024xf32, #tpu.memory_space<vmem>>) dst(%dma_wait3A_127 : memref<64x1024xf32, #tpu.memory_space<hbm>>)
        tpu.yield
      }) : () -> ()
      %dma_start3A_78 = arith.constant 320 : i32
      %dma_start3A_79 = tpu.memref_slice %arg10[%dma_start3A_78] : memref<512xi32, #tpu.memory_space<vmem>> -> memref<64xi32, #tpu.memory_space<vmem>>
      %dma_start3A_80 = arith.constant 0 : i32
      %dma_start3A_81 = arith.constant 0 : i32
      %dma_start3A_82 = tpu.memref_slice %arg4[%dma_start3A_80, %dma_start3A_81] : memref<4096x1024xf32, #tpu.memory_space<hbm>> -> memref<4096x1024xf32, #tpu.memory_space<hbm>>
      tpu.enqueue_indirect_dma source(%dma_start3A_82 : memref<4096x1024xf32, #tpu.memory_space<hbm>>) target(%arg12 : memref<64x1024xf32, #tpu.memory_space<vmem>>) offsets(%dma_start3A_79 : memref<64xi32, #tpu.memory_space<vmem>>) semaphore(%arg13 : memref<!tpu.dma_semaphore, #tpu.memory_space<semaphore_mem>>)
      %dma_wait3A_83 = arith.constant 320 : i32
      %dma_wait3A_84 = tpu.memref_slice %arg10[%dma_wait3A_83] : memref<512xi32, #tpu.memory_space<vmem>> -> memref<64xi32, #tpu.memory_space<vmem>>
      %dma_wait3A_85 = arith.constant 0 : i32
      %dma_wait3A_86 = arith.constant 0 : i32
      %dma_wait3A_87 = tpu.memref_slice %arg4[%dma_wait3A_85, %dma_wait3A_86] : memref<4096x1024xf32, #tpu.memory_space<hbm>> -> memref<4096x1024xf32, #tpu.memory_space<hbm>>
      tpu.wait_indirect_dma semaphore(%arg13 : memref<!tpu.dma_semaphore, #tpu.memory_space<semaphore_mem>>) src(%dma_wait3A_87 : memref<4096x1024xf32, #tpu.memory_space<hbm>>) dst(%arg12 : memref<64x1024xf32, #tpu.memory_space<vmem>>)
      %mul3A_88 = arith.constant 512 : i32
      %mul3A_89 = arith.muli %add3A, %mul3A_88 : i32
      %add3A_90 = arith.constant 320 : i32
      %add3A_91 = arith.addi %mul3A_89, %add3A_90 : i32
      "tpu.region"() ({
        %run_scoped3A = tpu.sem_alloc : memref<!tpu.dma_semaphore, #tpu.memory_space<semaphore_mem>>
        %dma_start3A_120 = arith.constant 0 : i32
        %dma_start3A_121 = tpu.memref_slice %arg7[%add3A_91, %dma_start3A_120] : memref<8192x1024xf32, #tpu.memory_space<hbm>> -> memref<64x1024xf32, #tpu.memory_space<hbm>>
        %dma_start3A_122 = arith.constant 0 : i32
        %dma_start3A_123 = tpu.memref_slice %arg7[%add3A_91, %dma_start3A_122] : memref<8192x1024xf32, #tpu.memory_space<hbm>> -> memref<64x1024xf32, #tpu.memory_space<hbm>>
        tpu.enqueue_dma source(%arg12 : memref<64x1024xf32, #tpu.memory_space<vmem>>) target(%dma_start3A_123 : memref<64x1024xf32, #tpu.memory_space<hbm>>) target_semaphore(%run_scoped3A : memref<!tpu.dma_semaphore, #tpu.memory_space<semaphore_mem>>)
        %dma_wait3A_124 = arith.constant 0 : i32
        %dma_wait3A_125 = tpu.memref_slice %arg7[%add3A_91, %dma_wait3A_124] : memref<8192x1024xf32, #tpu.memory_space<hbm>> -> memref<64x1024xf32, #tpu.memory_space<hbm>>
        %dma_wait3A_126 = arith.constant 0 : i32
        %dma_wait3A_127 = tpu.memref_slice %arg7[%add3A_91, %dma_wait3A_126] : memref<8192x1024xf32, #tpu.memory_space<hbm>> -> memref<64x1024xf32, #tpu.memory_space<hbm>>
        tpu.wait_dma2 semaphore(%run_scoped3A : memref<!tpu.dma_semaphore, #tpu.memory_space<semaphore_mem>>) src(%arg12 : memref<64x1024xf32, #tpu.memory_space<vmem>>) dst(%dma_wait3A_127 : memref<64x1024xf32, #tpu.memory_space<hbm>>)
        tpu.yield
      }) : () -> ()
      %dma_start3A_92 = arith.constant 384 : i32
      %dma_start3A_93 = tpu.memref_slice %arg10[%dma_start3A_92] : memref<512xi32, #tpu.memory_space<vmem>> -> memref<64xi32, #tpu.memory_space<vmem>>
      %dma_start3A_94 = arith.constant 0 : i32
      %dma_start3A_95 = arith.constant 0 : i32
      %dma_start3A_96 = tpu.memref_slice %arg4[%dma_start3A_94, %dma_start3A_95] : memref<4096x1024xf32, #tpu.memory_space<hbm>> -> memref<4096x1024xf32, #tpu.memory_space<hbm>>
      tpu.enqueue_indirect_dma source(%dma_start3A_96 : memref<4096x1024xf32, #tpu.memory_space<hbm>>) target(%arg12 : memref<64x1024xf32, #tpu.memory_space<vmem>>) offsets(%dma_start3A_93 : memref<64xi32, #tpu.memory_space<vmem>>) semaphore(%arg13 : memref<!tpu.dma_semaphore, #tpu.memory_space<semaphore_mem>>)
      %dma_wait3A_97 = arith.constant 384 : i32
      %dma_wait3A_98 = tpu.memref_slice %arg10[%dma_wait3A_97] : memref<512xi32, #tpu.memory_space<vmem>> -> memref<64xi32, #tpu.memory_space<vmem>>
      %dma_wait3A_99 = arith.constant 0 : i32
      %dma_wait3A_100 = arith.constant 0 : i32
      %dma_wait3A_101 = tpu.memref_slice %arg4[%dma_wait3A_99, %dma_wait3A_100] : memref<4096x1024xf32, #tpu.memory_space<hbm>> -> memref<4096x1024xf32, #tpu.memory_space<hbm>>
      tpu.wait_indirect_dma semaphore(%arg13 : memref<!tpu.dma_semaphore, #tpu.memory_space<semaphore_mem>>) src(%dma_wait3A_101 : memref<4096x1024xf32, #tpu.memory_space<hbm>>) dst(%arg12 : memref<64x1024xf32, #tpu.memory_space<vmem>>)
      %mul3A_102 = arith.constant 512 : i32
      %mul3A_103 = arith.muli %add3A, %mul3A_102 : i32
      %add3A_104 = arith.constant 384 : i32
      %add3A_105 = arith.addi %mul3A_103, %add3A_104 : i32
      "tpu.region"() ({
        %run_scoped3A = tpu.sem_alloc : memref<!tpu.dma_semaphore, #tpu.memory_space<semaphore_mem>>
        %dma_start3A_120 = arith.constant 0 : i32
        %dma_start3A_121 = tpu.memref_slice %arg7[%add3A_105, %dma_start3A_120] : memref<8192x1024xf32, #tpu.memory_space<hbm>> -> memref<64x1024xf32, #tpu.memory_space<hbm>>
        %dma_start3A_122 = arith.constant 0 : i32
        %dma_start3A_123 = tpu.memref_slice %arg7[%add3A_105, %dma_start3A_122] : memref<8192x1024xf32, #tpu.memory_space<hbm>> -> memref<64x1024xf32, #tpu.memory_space<hbm>>
        tpu.enqueue_dma source(%arg12 : memref<64x1024xf32, #tpu.memory_space<vmem>>) target(%dma_start3A_123 : memref<64x1024xf32, #tpu.memory_space<hbm>>) target_semaphore(%run_scoped3A : memref<!tpu.dma_semaphore, #tpu.memory_space<semaphore_mem>>)
        %dma_wait3A_124 = arith.constant 0 : i32
        %dma_wait3A_125 = tpu.memref_slice %arg7[%add3A_105, %dma_wait3A_124] : memref<8192x1024xf32, #tpu.memory_space<hbm>> -> memref<64x1024xf32, #tpu.memory_space<hbm>>
        %dma_wait3A_126 = arith.constant 0 : i32
        %dma_wait3A_127 = tpu.memref_slice %arg7[%add3A_105, %dma_wait3A_126] : memref<8192x1024xf32, #tpu.memory_space<hbm>> -> memref<64x1024xf32, #tpu.memory_space<hbm>>
        tpu.wait_dma2 semaphore(%run_scoped3A : memref<!tpu.dma_semaphore, #tpu.memory_space<semaphore_mem>>) src(%arg12 : memref<64x1024xf32, #tpu.memory_space<vmem>>) dst(%dma_wait3A_127 : memref<64x1024xf32, #tpu.memory_space<hbm>>)
        tpu.yield
      }) : () -> ()
      %dma_start3A_106 = arith.constant 448 : i32
      %dma_start3A_107 = tpu.memref_slice %arg10[%dma_start3A_106] : memref<512xi32, #tpu.memory_space<vmem>> -> memref<64xi32, #tpu.memory_space<vmem>>
      %dma_start3A_108 = arith.constant 0 : i32
      %dma_start3A_109 = arith.constant 0 : i32
      %dma_start3A_110 = tpu.memref_slice %arg4[%dma_start3A_108, %dma_start3A_109] : memref<4096x1024xf32, #tpu.memory_space<hbm>> -> memref<4096x1024xf32, #tpu.memory_space<hbm>>
      tpu.enqueue_indirect_dma source(%dma_start3A_110 : memref<4096x1024xf32, #tpu.memory_space<hbm>>) target(%arg12 : memref<64x1024xf32, #tpu.memory_space<vmem>>) offsets(%dma_start3A_107 : memref<64xi32, #tpu.memory_space<vmem>>) semaphore(%arg13 : memref<!tpu.dma_semaphore, #tpu.memory_space<semaphore_mem>>)
      %dma_wait3A_111 = arith.constant 448 : i32
      %dma_wait3A_112 = tpu.memref_slice %arg10[%dma_wait3A_111] : memref<512xi32, #tpu.memory_space<vmem>> -> memref<64xi32, #tpu.memory_space<vmem>>
      %dma_wait3A_113 = arith.constant 0 : i32
      %dma_wait3A_114 = arith.constant 0 : i32
      %dma_wait3A_115 = tpu.memref_slice %arg4[%dma_wait3A_113, %dma_wait3A_114] : memref<4096x1024xf32, #tpu.memory_space<hbm>> -> memref<4096x1024xf32, #tpu.memory_space<hbm>>
      tpu.wait_indirect_dma semaphore(%arg13 : memref<!tpu.dma_semaphore, #tpu.memory_space<semaphore_mem>>) src(%dma_wait3A_115 : memref<4096x1024xf32, #tpu.memory_space<hbm>>) dst(%arg12 : memref<64x1024xf32, #tpu.memory_space<vmem>>)
      %mul3A_116 = arith.constant 512 : i32
      %mul3A_117 = arith.muli %add3A, %mul3A_116 : i32
      %add3A_118 = arith.constant 448 : i32
      %add3A_119 = arith.addi %mul3A_117, %add3A_118 : i32
      "tpu.region"() ({
        %run_scoped3A = tpu.sem_alloc : memref<!tpu.dma_semaphore, #tpu.memory_space<semaphore_mem>>
        %dma_start3A_120 = arith.constant 0 : i32
        %dma_start3A_121 = tpu.memref_slice %arg7[%add3A_119, %dma_start3A_120] : memref<8192x1024xf32, #tpu.memory_space<hbm>> -> memref<64x1024xf32, #tpu.memory_space<hbm>>
        %dma_start3A_122 = arith.constant 0 : i32
        %dma_start3A_123 = tpu.memref_slice %arg7[%add3A_119, %dma_start3A_122] : memref<8192x1024xf32, #tpu.memory_space<hbm>> -> memref<64x1024xf32, #tpu.memory_space<hbm>>
        tpu.enqueue_dma source(%arg12 : memref<64x1024xf32, #tpu.memory_space<vmem>>) target(%dma_start3A_123 : memref<64x1024xf32, #tpu.memory_space<hbm>>) target_semaphore(%run_scoped3A : memref<!tpu.dma_semaphore, #tpu.memory_space<semaphore_mem>>)
        %dma_wait3A_124 = arith.constant 0 : i32
        %dma_wait3A_125 = tpu.memref_slice %arg7[%add3A_119, %dma_wait3A_124] : memref<8192x1024xf32, #tpu.memory_space<hbm>> -> memref<64x1024xf32, #tpu.memory_space<hbm>>
        %dma_wait3A_126 = arith.constant 0 : i32
        %dma_wait3A_127 = tpu.memref_slice %arg7[%add3A_119, %dma_wait3A_126] : memref<8192x1024xf32, #tpu.memory_space<hbm>> -> memref<64x1024xf32, #tpu.memory_space<hbm>>
        tpu.wait_dma2 semaphore(%run_scoped3A : memref<!tpu.dma_semaphore, #tpu.memory_space<semaphore_mem>>) src(%arg12 : memref<64x1024xf32, #tpu.memory_space<vmem>>) dst(%dma_wait3A_127 : memref<64x1024xf32, #tpu.memory_space<hbm>>)
        tpu.yield
      }) : () -> ()
    } else {
    }
    return
  }
}

#map = affine_map<(d0, d1) -> (0, 0, 0)>
#map1 = affine_map<(d0, d1) -> (0, 0)>
module attributes {stable_mosaic.version = 14 : i64} {
  func.func @k(%arg0: i32, %arg1: i32, %arg2: memref<4096x8x128xf32, #tpu.memory_space<hbm>>, %arg3: memref<8192x8x128xf32, #tpu.memory_space<hbm>>, %arg4: memref<64x128xi32, #tpu.memory_space<hbm>>, %arg5: memref<4096x8x128xf32, #tpu.memory_space<hbm>>, %arg6: memref<4096x128xf32, #tpu.memory_space<vmem_shared>>, %arg7: memref<128x128xf32, #tpu.memory_space<vmem>>, %arg8: memref<128x128xf32, #tpu.memory_space<vmem>>, %arg9: memref<4x128xi32, #tpu.memory_space<vmem>>, %arg10: memref<!tpu.dma_semaphore, #tpu.memory_space<semaphore_mem>>, %arg11: memref<!tpu.dma_semaphore, #tpu.memory_space<semaphore_mem>>) attributes {dimension_semantics = [#tpu.dimension_semantics<core_parallel>, #tpu.dimension_semantics<subcore_parallel>], iteration_bounds = array<i64: 2, 16>, scalar_prefetch = 0 : i64, scratch_operands = 6 : i64, tpu.core_type = #tpu.core_type<sc_vector_subcore>, window_params = [{transform_indices = #map}, {transform_indices = #map}, {transform_indices = #map1}, {transform_indices = #map}]} {
    %mul3A = arith.constant 256 : i32
    %mul3A_0 = arith.muli %arg1, %mul3A : i32
    %mul3A_1 = arith.constant 4 : i32
    %mul3A_2 = arith.muli %arg1, %mul3A_1 : i32
    "tpu.region"() ({
      %run_scoped3A_290 = tpu.sem_alloc : memref<!tpu.dma_semaphore, #tpu.memory_space<semaphore_mem>>
      %dma_start3A_291 = arith.constant 0 : i32
      %dma_start3A_292 = tpu.memref_slice %arg4[%mul3A_2, %dma_start3A_291] : memref<64x128xi32, #tpu.memory_space<hbm>> -> memref<4x128xi32, #tpu.memory_space<hbm>>
      %dma_start3A_293 = arith.constant 0 : i32
      %dma_start3A_294 = tpu.memref_slice %arg4[%mul3A_2, %dma_start3A_293] : memref<64x128xi32, #tpu.memory_space<hbm>> -> memref<4x128xi32, #tpu.memory_space<hbm>>
      tpu.enqueue_dma source(%dma_start3A_294 : memref<4x128xi32, #tpu.memory_space<hbm>>) target(%arg9 : memref<4x128xi32, #tpu.memory_space<vmem>>) target_semaphore(%run_scoped3A_290 : memref<!tpu.dma_semaphore, #tpu.memory_space<semaphore_mem>>)
      %dma_wait3A_295 = arith.constant 0 : i32
      %dma_wait3A_296 = tpu.memref_slice %arg4[%mul3A_2, %dma_wait3A_295] : memref<64x128xi32, #tpu.memory_space<hbm>> -> memref<4x128xi32, #tpu.memory_space<hbm>>
      %dma_wait3A_297 = arith.constant 0 : i32
      %dma_wait3A_298 = tpu.memref_slice %arg4[%mul3A_2, %dma_wait3A_297] : memref<64x128xi32, #tpu.memory_space<hbm>> -> memref<4x128xi32, #tpu.memory_space<hbm>>
      tpu.wait_dma2 semaphore(%run_scoped3A_290 : memref<!tpu.dma_semaphore, #tpu.memory_space<semaphore_mem>>) src(%dma_wait3A_298 : memref<4x128xi32, #tpu.memory_space<hbm>>) dst(%arg9 : memref<4x128xi32, #tpu.memory_space<vmem>>)
      tpu.yield
    }) : () -> ()
    %mul3A_3 = arith.constant 4 : i32
    %mul3A_4 = arith.muli %arg0, %mul3A_3 : i32
    %add3A = arith.constant 0 : i32
    %add3A_5 = arith.addi %mul3A_4, %add3A : i32
    "tpu.region"() ({
      %run_scoped3A_290 = tpu.sem_alloc : memref<!tpu.dma_semaphore, #tpu.memory_space<semaphore_mem>>
      %dma_start3A_291 = arith.constant 0 : i32
      %dma_start3A_292 = tpu.memref_slice %arg6[%mul3A_0, %dma_start3A_291] : memref<4096x128xf32, #tpu.memory_space<vmem_shared>> -> memref<256x128xf32, #tpu.memory_space<vmem_shared>>
      %dma_start3A_293 = arith.constant 0 : i32
      %dma_start3A_294 = tpu.memref_slice %arg2[%mul3A_0, %add3A_5, %dma_start3A_293] : memref<4096x8x128xf32, #tpu.memory_space<hbm>> -> memref<256x1x128xf32, #tpu.memory_space<hbm>>
      %dma_start3A_295 = tpu.memref_squeeze %dma_start3A_294 : memref<256x1x128xf32, #tpu.memory_space<hbm>> -> memref<256x128xf32, #tpu.memory_space<hbm>>
      tpu.enqueue_dma source(%dma_start3A_295 : memref<256x128xf32, #tpu.memory_space<hbm>>) target(%dma_start3A_292 : memref<256x128xf32, #tpu.memory_space<vmem_shared>>) target_semaphore(%run_scoped3A_290 : memref<!tpu.dma_semaphore, #tpu.memory_space<semaphore_mem>>)
      %dma_wait3A_296 = arith.constant 0 : i32
      %dma_wait3A_297 = tpu.memref_slice %arg6[%mul3A_0, %dma_wait3A_296] : memref<4096x128xf32, #tpu.memory_space<vmem_shared>> -> memref<256x128xf32, #tpu.memory_space<vmem_shared>>
      %dma_wait3A_298 = arith.constant 0 : i32
      %dma_wait3A_299 = tpu.memref_slice %arg2[%mul3A_0, %add3A_5, %dma_wait3A_298] : memref<4096x8x128xf32, #tpu.memory_space<hbm>> -> memref<256x1x128xf32, #tpu.memory_space<hbm>>
      %dma_wait3A_300 = tpu.memref_squeeze %dma_wait3A_299 : memref<256x1x128xf32, #tpu.memory_space<hbm>> -> memref<256x128xf32, #tpu.memory_space<hbm>>
      tpu.wait_dma2 semaphore(%run_scoped3A_290 : memref<!tpu.dma_semaphore, #tpu.memory_space<semaphore_mem>>) src(%dma_wait3A_300 : memref<256x128xf32, #tpu.memory_space<hbm>>) dst(%dma_wait3A_297 : memref<256x128xf32, #tpu.memory_space<vmem_shared>>)
      tpu.yield
    }) : () -> ()
    %barrier3A = arith.constant 0 : index
    tpu.barrier barrier_id(%barrier3A)
    %mul3A_6 = arith.constant 512 : i32
    %mul3A_7 = arith.muli %arg1, %mul3A_6 : i32
    %dma_start3A = arith.constant 0 : i32
    %dma_start3A_8 = tpu.memref_slice %arg3[%mul3A_7, %add3A_5, %dma_start3A] : memref<8192x8x128xf32, #tpu.memory_space<hbm>> -> memref<128x1x128xf32, #tpu.memory_space<hbm>>
    %dma_start3A_9 = tpu.memref_squeeze %dma_start3A_8 : memref<128x1x128xf32, #tpu.memory_space<hbm>> -> memref<128x128xf32, #tpu.memory_space<hbm>>
    %dma_start3A_10 = arith.constant 0 : i32
    %dma_start3A_11 = tpu.memref_slice %arg3[%mul3A_7, %add3A_5, %dma_start3A_10] : memref<8192x8x128xf32, #tpu.memory_space<hbm>> -> memref<128x1x128xf32, #tpu.memory_space<hbm>>
    %dma_start3A_12 = tpu.memref_squeeze %dma_start3A_11 : memref<128x1x128xf32, #tpu.memory_space<hbm>> -> memref<128x128xf32, #tpu.memory_space<hbm>>
    tpu.enqueue_dma source(%dma_start3A_12 : memref<128x128xf32, #tpu.memory_space<hbm>>) target(%arg7 : memref<128x128xf32, #tpu.memory_space<vmem>>) target_semaphore(%arg10 : memref<!tpu.dma_semaphore, #tpu.memory_space<semaphore_mem>>)
    %dma_wait3A = arith.constant 0 : i32
    %dma_wait3A_13 = tpu.memref_slice %arg3[%mul3A_7, %add3A_5, %dma_wait3A] : memref<8192x8x128xf32, #tpu.memory_space<hbm>> -> memref<128x1x128xf32, #tpu.memory_space<hbm>>
    %dma_wait3A_14 = tpu.memref_squeeze %dma_wait3A_13 : memref<128x1x128xf32, #tpu.memory_space<hbm>> -> memref<128x128xf32, #tpu.memory_space<hbm>>
    %dma_wait3A_15 = arith.constant 0 : i32
    %dma_wait3A_16 = tpu.memref_slice %arg3[%mul3A_7, %add3A_5, %dma_wait3A_15] : memref<8192x8x128xf32, #tpu.memory_space<hbm>> -> memref<128x1x128xf32, #tpu.memory_space<hbm>>
    %dma_wait3A_17 = tpu.memref_squeeze %dma_wait3A_16 : memref<128x1x128xf32, #tpu.memory_space<hbm>> -> memref<128x128xf32, #tpu.memory_space<hbm>>
    tpu.wait_dma2 semaphore(%arg10 : memref<!tpu.dma_semaphore, #tpu.memory_space<semaphore_mem>>) src(%dma_wait3A_17 : memref<128x128xf32, #tpu.memory_space<hbm>>) dst(%arg7 : memref<128x128xf32, #tpu.memory_space<vmem>>)
    %mul3A_18 = arith.constant 512 : i32
    %mul3A_19 = arith.muli %arg1, %mul3A_18 : i32
    %add3A_20 = arith.constant 128 : i32
    %add3A_21 = arith.addi %mul3A_19, %add3A_20 : i32
    %dma_start3A_22 = arith.constant 0 : i32
    %dma_start3A_23 = tpu.memref_slice %arg3[%add3A_21, %add3A_5, %dma_start3A_22] : memref<8192x8x128xf32, #tpu.memory_space<hbm>> -> memref<128x1x128xf32, #tpu.memory_space<hbm>>
    %dma_start3A_24 = tpu.memref_squeeze %dma_start3A_23 : memref<128x1x128xf32, #tpu.memory_space<hbm>> -> memref<128x128xf32, #tpu.memory_space<hbm>>
    %dma_start3A_25 = arith.constant 0 : i32
    %dma_start3A_26 = tpu.memref_slice %arg3[%add3A_21, %add3A_5, %dma_start3A_25] : memref<8192x8x128xf32, #tpu.memory_space<hbm>> -> memref<128x1x128xf32, #tpu.memory_space<hbm>>
    %dma_start3A_27 = tpu.memref_squeeze %dma_start3A_26 : memref<128x1x128xf32, #tpu.memory_space<hbm>> -> memref<128x128xf32, #tpu.memory_space<hbm>>
    tpu.enqueue_dma source(%dma_start3A_27 : memref<128x128xf32, #tpu.memory_space<hbm>>) target(%arg8 : memref<128x128xf32, #tpu.memory_space<vmem>>) target_semaphore(%arg11 : memref<!tpu.dma_semaphore, #tpu.memory_space<semaphore_mem>>)
    %run_scoped3A = arith.constant 0 : i32
    "tpu.region"() ({
      %run_scoped3A_290 = tpu.sem_alloc : memref<!tpu.dma_semaphore, #tpu.memory_space<semaphore_mem>>
      %dma_start3A_291 = arith.constant 0 : i32
      %dma_start3A_292 = tpu.memref_slice %arg9[%run_scoped3A, %dma_start3A_291] : memref<4x128xi32, #tpu.memory_space<vmem>> -> memref<1x128xi32, #tpu.memory_space<vmem>>
      %dma_start3A_293 = tpu.memref_squeeze %dma_start3A_292 : memref<1x128xi32, #tpu.memory_space<vmem>> -> memref<128xi32, #tpu.memory_space<vmem>>
      %dma_start3A_294 = arith.constant 0 : i32
      %dma_start3A_295 = arith.constant 0 : i32
      %dma_start3A_296 = tpu.memref_slice %arg6[%dma_start3A_294, %dma_start3A_295] : memref<4096x128xf32, #tpu.memory_space<vmem_shared>> -> memref<4096x128xf32, #tpu.memory_space<vmem_shared>>
      tpu.enqueue_indirect_dma source(%arg7 : memref<128x128xf32, #tpu.memory_space<vmem>>) target(%dma_start3A_296 : memref<4096x128xf32, #tpu.memory_space<vmem_shared>>) offsets(%dma_start3A_293 : memref<128xi32, #tpu.memory_space<vmem>>) semaphore(%run_scoped3A_290 : memref<!tpu.dma_semaphore, #tpu.memory_space<semaphore_mem>>) {add = true}
      %dma_wait3A_297 = arith.constant 0 : i32
      %dma_wait3A_298 = tpu.memref_slice %arg9[%run_scoped3A, %dma_wait3A_297] : memref<4x128xi32, #tpu.memory_space<vmem>> -> memref<1x128xi32, #tpu.memory_space<vmem>>
      %dma_wait3A_299 = tpu.memref_squeeze %dma_wait3A_298 : memref<1x128xi32, #tpu.memory_space<vmem>> -> memref<128xi32, #tpu.memory_space<vmem>>
      %dma_wait3A_300 = arith.constant 0 : i32
      %dma_wait3A_301 = arith.constant 0 : i32
      %dma_wait3A_302 = tpu.memref_slice %arg6[%dma_wait3A_300, %dma_wait3A_301] : memref<4096x128xf32, #tpu.memory_space<vmem_shared>> -> memref<4096x128xf32, #tpu.memory_space<vmem_shared>>
      tpu.wait_indirect_dma semaphore(%run_scoped3A_290 : memref<!tpu.dma_semaphore, #tpu.memory_space<semaphore_mem>>) src(%arg7 : memref<128x128xf32, #tpu.memory_space<vmem>>) dst(%dma_wait3A_302 : memref<4096x128xf32, #tpu.memory_space<vmem_shared>>)
      tpu.yield
    }) : () -> ()
    %dma_wait3A_28 = arith.constant 0 : i32
    %dma_wait3A_29 = tpu.memref_slice %arg3[%add3A_21, %add3A_5, %dma_wait3A_28] : memref<8192x8x128xf32, #tpu.memory_space<hbm>> -> memref<128x1x128xf32, #tpu.memory_space<hbm>>
    %dma_wait3A_30 = tpu.memref_squeeze %dma_wait3A_29 : memref<128x1x128xf32, #tpu.memory_space<hbm>> -> memref<128x128xf32, #tpu.memory_space<hbm>>
    %dma_wait3A_31 = arith.constant 0 : i32
    %dma_wait3A_32 = tpu.memref_slice %arg3[%add3A_21, %add3A_5, %dma_wait3A_31] : memref<8192x8x128xf32, #tpu.memory_space<hbm>> -> memref<128x1x128xf32, #tpu.memory_space<hbm>>
    %dma_wait3A_33 = tpu.memref_squeeze %dma_wait3A_32 : memref<128x1x128xf32, #tpu.memory_space<hbm>> -> memref<128x128xf32, #tpu.memory_space<hbm>>
    tpu.wait_dma2 semaphore(%arg11 : memref<!tpu.dma_semaphore, #tpu.memory_space<semaphore_mem>>) src(%dma_wait3A_33 : memref<128x128xf32, #tpu.memory_space<hbm>>) dst(%arg8 : memref<128x128xf32, #tpu.memory_space<vmem>>)
    %mul3A_34 = arith.constant 512 : i32
    %mul3A_35 = arith.muli %arg1, %mul3A_34 : i32
    %add3A_36 = arith.constant 256 : i32
    %add3A_37 = arith.addi %mul3A_35, %add3A_36 : i32
    %dma_start3A_38 = arith.constant 0 : i32
    %dma_start3A_39 = tpu.memref_slice %arg3[%add3A_37, %add3A_5, %dma_start3A_38] : memref<8192x8x128xf32, #tpu.memory_space<hbm>> -> memref<128x1x128xf32, #tpu.memory_space<hbm>>
    %dma_start3A_40 = tpu.memref_squeeze %dma_start3A_39 : memref<128x1x128xf32, #tpu.memory_space<hbm>> -> memref<128x128xf32, #tpu.memory_space<hbm>>
    %dma_start3A_41 = arith.constant 0 : i32
    %dma_start3A_42 = tpu.memref_slice %arg3[%add3A_37, %add3A_5, %dma_start3A_41] : memref<8192x8x128xf32, #tpu.memory_space<hbm>> -> memref<128x1x128xf32, #tpu.memory_space<hbm>>
    %dma_start3A_43 = tpu.memref_squeeze %dma_start3A_42 : memref<128x1x128xf32, #tpu.memory_space<hbm>> -> memref<128x128xf32, #tpu.memory_space<hbm>>
    tpu.enqueue_dma source(%dma_start3A_43 : memref<128x128xf32, #tpu.memory_space<hbm>>) target(%arg7 : memref<128x128xf32, #tpu.memory_space<vmem>>) target_semaphore(%arg10 : memref<!tpu.dma_semaphore, #tpu.memory_space<semaphore_mem>>)
    %run_scoped3A_44 = arith.constant 1 : i32
    "tpu.region"() ({
      %run_scoped3A_290 = tpu.sem_alloc : memref<!tpu.dma_semaphore, #tpu.memory_space<semaphore_mem>>
      %dma_start3A_291 = arith.constant 0 : i32
      %dma_start3A_292 = tpu.memref_slice %arg9[%run_scoped3A_44, %dma_start3A_291] : memref<4x128xi32, #tpu.memory_space<vmem>> -> memref<1x128xi32, #tpu.memory_space<vmem>>
      %dma_start3A_293 = tpu.memref_squeeze %dma_start3A_292 : memref<1x128xi32, #tpu.memory_space<vmem>> -> memref<128xi32, #tpu.memory_space<vmem>>
      %dma_start3A_294 = arith.constant 0 : i32
      %dma_start3A_295 = arith.constant 0 : i32
      %dma_start3A_296 = tpu.memref_slice %arg6[%dma_start3A_294, %dma_start3A_295] : memref<4096x128xf32, #tpu.memory_space<vmem_shared>> -> memref<4096x128xf32, #tpu.memory_space<vmem_shared>>
      tpu.enqueue_indirect_dma source(%arg8 : memref<128x128xf32, #tpu.memory_space<vmem>>) target(%dma_start3A_296 : memref<4096x128xf32, #tpu.memory_space<vmem_shared>>) offsets(%dma_start3A_293 : memref<128xi32, #tpu.memory_space<vmem>>) semaphore(%run_scoped3A_290 : memref<!tpu.dma_semaphore, #tpu.memory_space<semaphore_mem>>) {add = true}
      %dma_wait3A_297 = arith.constant 0 : i32
      %dma_wait3A_298 = tpu.memref_slice %arg9[%run_scoped3A_44, %dma_wait3A_297] : memref<4x128xi32, #tpu.memory_space<vmem>> -> memref<1x128xi32, #tpu.memory_space<vmem>>
      %dma_wait3A_299 = tpu.memref_squeeze %dma_wait3A_298 : memref<1x128xi32, #tpu.memory_space<vmem>> -> memref<128xi32, #tpu.memory_space<vmem>>
      %dma_wait3A_300 = arith.constant 0 : i32
      %dma_wait3A_301 = arith.constant 0 : i32
      %dma_wait3A_302 = tpu.memref_slice %arg6[%dma_wait3A_300, %dma_wait3A_301] : memref<4096x128xf32, #tpu.memory_space<vmem_shared>> -> memref<4096x128xf32, #tpu.memory_space<vmem_shared>>
      tpu.wait_indirect_dma semaphore(%run_scoped3A_290 : memref<!tpu.dma_semaphore, #tpu.memory_space<semaphore_mem>>) src(%arg8 : memref<128x128xf32, #tpu.memory_space<vmem>>) dst(%dma_wait3A_302 : memref<4096x128xf32, #tpu.memory_space<vmem_shared>>)
      tpu.yield
    }) : () -> ()
    %dma_wait3A_45 = arith.constant 0 : i32
    %dma_wait3A_46 = tpu.memref_slice %arg3[%add3A_37, %add3A_5, %dma_wait3A_45] : memref<8192x8x128xf32, #tpu.memory_space<hbm>> -> memref<128x1x128xf32, #tpu.memory_space<hbm>>
    %dma_wait3A_47 = tpu.memref_squeeze %dma_wait3A_46 : memref<128x1x128xf32, #tpu.memory_space<hbm>> -> memref<128x128xf32, #tpu.memory_space<hbm>>
    %dma_wait3A_48 = arith.constant 0 : i32
    %dma_wait3A_49 = tpu.memref_slice %arg3[%add3A_37, %add3A_5, %dma_wait3A_48] : memref<8192x8x128xf32, #tpu.memory_space<hbm>> -> memref<128x1x128xf32, #tpu.memory_space<hbm>>
    %dma_wait3A_50 = tpu.memref_squeeze %dma_wait3A_49 : memref<128x1x128xf32, #tpu.memory_space<hbm>> -> memref<128x128xf32, #tpu.memory_space<hbm>>
    tpu.wait_dma2 semaphore(%arg10 : memref<!tpu.dma_semaphore, #tpu.memory_space<semaphore_mem>>) src(%dma_wait3A_50 : memref<128x128xf32, #tpu.memory_space<hbm>>) dst(%arg7 : memref<128x128xf32, #tpu.memory_space<vmem>>)
    %mul3A_51 = arith.constant 512 : i32
    %mul3A_52 = arith.muli %arg1, %mul3A_51 : i32
    %add3A_53 = arith.constant 384 : i32
    %add3A_54 = arith.addi %mul3A_52, %add3A_53 : i32
    %dma_start3A_55 = arith.constant 0 : i32
    %dma_start3A_56 = tpu.memref_slice %arg3[%add3A_54, %add3A_5, %dma_start3A_55] : memref<8192x8x128xf32, #tpu.memory_space<hbm>> -> memref<128x1x128xf32, #tpu.memory_space<hbm>>
    %dma_start3A_57 = tpu.memref_squeeze %dma_start3A_56 : memref<128x1x128xf32, #tpu.memory_space<hbm>> -> memref<128x128xf32, #tpu.memory_space<hbm>>
    %dma_start3A_58 = arith.constant 0 : i32
    %dma_start3A_59 = tpu.memref_slice %arg3[%add3A_54, %add3A_5, %dma_start3A_58] : memref<8192x8x128xf32, #tpu.memory_space<hbm>> -> memref<128x1x128xf32, #tpu.memory_space<hbm>>
    %dma_start3A_60 = tpu.memref_squeeze %dma_start3A_59 : memref<128x1x128xf32, #tpu.memory_space<hbm>> -> memref<128x128xf32, #tpu.memory_space<hbm>>
    tpu.enqueue_dma source(%dma_start3A_60 : memref<128x128xf32, #tpu.memory_space<hbm>>) target(%arg8 : memref<128x128xf32, #tpu.memory_space<vmem>>) target_semaphore(%arg11 : memref<!tpu.dma_semaphore, #tpu.memory_space<semaphore_mem>>)
    %run_scoped3A_61 = arith.constant 2 : i32
    "tpu.region"() ({
      %run_scoped3A_290 = tpu.sem_alloc : memref<!tpu.dma_semaphore, #tpu.memory_space<semaphore_mem>>
      %dma_start3A_291 = arith.constant 0 : i32
      %dma_start3A_292 = tpu.memref_slice %arg9[%run_scoped3A_61, %dma_start3A_291] : memref<4x128xi32, #tpu.memory_space<vmem>> -> memref<1x128xi32, #tpu.memory_space<vmem>>
      %dma_start3A_293 = tpu.memref_squeeze %dma_start3A_292 : memref<1x128xi32, #tpu.memory_space<vmem>> -> memref<128xi32, #tpu.memory_space<vmem>>
      %dma_start3A_294 = arith.constant 0 : i32
      %dma_start3A_295 = arith.constant 0 : i32
      %dma_start3A_296 = tpu.memref_slice %arg6[%dma_start3A_294, %dma_start3A_295] : memref<4096x128xf32, #tpu.memory_space<vmem_shared>> -> memref<4096x128xf32, #tpu.memory_space<vmem_shared>>
      tpu.enqueue_indirect_dma source(%arg7 : memref<128x128xf32, #tpu.memory_space<vmem>>) target(%dma_start3A_296 : memref<4096x128xf32, #tpu.memory_space<vmem_shared>>) offsets(%dma_start3A_293 : memref<128xi32, #tpu.memory_space<vmem>>) semaphore(%run_scoped3A_290 : memref<!tpu.dma_semaphore, #tpu.memory_space<semaphore_mem>>) {add = true}
      %dma_wait3A_297 = arith.constant 0 : i32
      %dma_wait3A_298 = tpu.memref_slice %arg9[%run_scoped3A_61, %dma_wait3A_297] : memref<4x128xi32, #tpu.memory_space<vmem>> -> memref<1x128xi32, #tpu.memory_space<vmem>>
      %dma_wait3A_299 = tpu.memref_squeeze %dma_wait3A_298 : memref<1x128xi32, #tpu.memory_space<vmem>> -> memref<128xi32, #tpu.memory_space<vmem>>
      %dma_wait3A_300 = arith.constant 0 : i32
      %dma_wait3A_301 = arith.constant 0 : i32
      %dma_wait3A_302 = tpu.memref_slice %arg6[%dma_wait3A_300, %dma_wait3A_301] : memref<4096x128xf32, #tpu.memory_space<vmem_shared>> -> memref<4096x128xf32, #tpu.memory_space<vmem_shared>>
      tpu.wait_indirect_dma semaphore(%run_scoped3A_290 : memref<!tpu.dma_semaphore, #tpu.memory_space<semaphore_mem>>) src(%arg7 : memref<128x128xf32, #tpu.memory_space<vmem>>) dst(%dma_wait3A_302 : memref<4096x128xf32, #tpu.memory_space<vmem_shared>>)
      tpu.yield
    }) : () -> ()
    %dma_wait3A_62 = arith.constant 0 : i32
    %dma_wait3A_63 = tpu.memref_slice %arg3[%add3A_54, %add3A_5, %dma_wait3A_62] : memref<8192x8x128xf32, #tpu.memory_space<hbm>> -> memref<128x1x128xf32, #tpu.memory_space<hbm>>
    %dma_wait3A_64 = tpu.memref_squeeze %dma_wait3A_63 : memref<128x1x128xf32, #tpu.memory_space<hbm>> -> memref<128x128xf32, #tpu.memory_space<hbm>>
    %dma_wait3A_65 = arith.constant 0 : i32
    %dma_wait3A_66 = tpu.memref_slice %arg3[%add3A_54, %add3A_5, %dma_wait3A_65] : memref<8192x8x128xf32, #tpu.memory_space<hbm>> -> memref<128x1x128xf32, #tpu.memory_space<hbm>>
    %dma_wait3A_67 = tpu.memref_squeeze %dma_wait3A_66 : memref<128x1x128xf32, #tpu.memory_space<hbm>> -> memref<128x128xf32, #tpu.memory_space<hbm>>
    tpu.wait_dma2 semaphore(%arg11 : memref<!tpu.dma_semaphore, #tpu.memory_space<semaphore_mem>>) src(%dma_wait3A_67 : memref<128x128xf32, #tpu.memory_space<hbm>>) dst(%arg8 : memref<128x128xf32, #tpu.memory_space<vmem>>)
    %run_scoped3A_68 = arith.constant 3 : i32
    "tpu.region"() ({
      %run_scoped3A_290 = tpu.sem_alloc : memref<!tpu.dma_semaphore, #tpu.memory_space<semaphore_mem>>
      %dma_start3A_291 = arith.constant 0 : i32
      %dma_start3A_292 = tpu.memref_slice %arg9[%run_scoped3A_68, %dma_start3A_291] : memref<4x128xi32, #tpu.memory_space<vmem>> -> memref<1x128xi32, #tpu.memory_space<vmem>>
      %dma_start3A_293 = tpu.memref_squeeze %dma_start3A_292 : memref<1x128xi32, #tpu.memory_space<vmem>> -> memref<128xi32, #tpu.memory_space<vmem>>
      %dma_start3A_294 = arith.constant 0 : i32
      %dma_start3A_295 = arith.constant 0 : i32
      %dma_start3A_296 = tpu.memref_slice %arg6[%dma_start3A_294, %dma_start3A_295] : memref<4096x128xf32, #tpu.memory_space<vmem_shared>> -> memref<4096x128xf32, #tpu.memory_space<vmem_shared>>
      tpu.enqueue_indirect_dma source(%arg8 : memref<128x128xf32, #tpu.memory_space<vmem>>) target(%dma_start3A_296 : memref<4096x128xf32, #tpu.memory_space<vmem_shared>>) offsets(%dma_start3A_293 : memref<128xi32, #tpu.memory_space<vmem>>) semaphore(%run_scoped3A_290 : memref<!tpu.dma_semaphore, #tpu.memory_space<semaphore_mem>>) {add = true}
      %dma_wait3A_297 = arith.constant 0 : i32
      %dma_wait3A_298 = tpu.memref_slice %arg9[%run_scoped3A_68, %dma_wait3A_297] : memref<4x128xi32, #tpu.memory_space<vmem>> -> memref<1x128xi32, #tpu.memory_space<vmem>>
      %dma_wait3A_299 = tpu.memref_squeeze %dma_wait3A_298 : memref<1x128xi32, #tpu.memory_space<vmem>> -> memref<128xi32, #tpu.memory_space<vmem>>
      %dma_wait3A_300 = arith.constant 0 : i32
      %dma_wait3A_301 = arith.constant 0 : i32
      %dma_wait3A_302 = tpu.memref_slice %arg6[%dma_wait3A_300, %dma_wait3A_301] : memref<4096x128xf32, #tpu.memory_space<vmem_shared>> -> memref<4096x128xf32, #tpu.memory_space<vmem_shared>>
      tpu.wait_indirect_dma semaphore(%run_scoped3A_290 : memref<!tpu.dma_semaphore, #tpu.memory_space<semaphore_mem>>) src(%arg8 : memref<128x128xf32, #tpu.memory_space<vmem>>) dst(%dma_wait3A_302 : memref<4096x128xf32, #tpu.memory_space<vmem_shared>>)
      tpu.yield
    }) : () -> ()
    %barrier3A_69 = arith.constant 0 : index
    tpu.barrier barrier_id(%barrier3A_69)
    "tpu.region"() ({
      %run_scoped3A_290 = tpu.sem_alloc : memref<!tpu.dma_semaphore, #tpu.memory_space<semaphore_mem>>
      %dma_start3A_291 = arith.constant 0 : i32
      %dma_start3A_292 = tpu.memref_slice %arg5[%mul3A_0, %add3A_5, %dma_start3A_291] : memref<4096x8x128xf32, #tpu.memory_space<hbm>> -> memref<256x1x128xf32, #tpu.memory_space<hbm>>
      %dma_start3A_293 = tpu.memref_squeeze %dma_start3A_292 : memref<256x1x128xf32, #tpu.memory_space<hbm>> -> memref<256x128xf32, #tpu.memory_space<hbm>>
      %dma_start3A_294 = arith.constant 0 : i32
      %dma_start3A_295 = tpu.memref_slice %arg6[%mul3A_0, %dma_start3A_294] : memref<4096x128xf32, #tpu.memory_space<vmem_shared>> -> memref<256x128xf32, #tpu.memory_space<vmem_shared>>
      tpu.enqueue_dma source(%dma_start3A_295 : memref<256x128xf32, #tpu.memory_space<vmem_shared>>) target(%dma_start3A_293 : memref<256x128xf32, #tpu.memory_space<hbm>>) target_semaphore(%run_scoped3A_290 : memref<!tpu.dma_semaphore, #tpu.memory_space<semaphore_mem>>)
      %dma_wait3A_296 = arith.constant 0 : i32
      %dma_wait3A_297 = tpu.memref_slice %arg5[%mul3A_0, %add3A_5, %dma_wait3A_296] : memref<4096x8x128xf32, #tpu.memory_space<hbm>> -> memref<256x1x128xf32, #tpu.memory_space<hbm>>
      %dma_wait3A_298 = tpu.memref_squeeze %dma_wait3A_297 : memref<256x1x128xf32, #tpu.memory_space<hbm>> -> memref<256x128xf32, #tpu.memory_space<hbm>>
      %dma_wait3A_299 = arith.constant 0 : i32
      %dma_wait3A_300 = tpu.memref_slice %arg6[%mul3A_0, %dma_wait3A_299] : memref<4096x128xf32, #tpu.memory_space<vmem_shared>> -> memref<256x128xf32, #tpu.memory_space<vmem_shared>>
      tpu.wait_dma2 semaphore(%run_scoped3A_290 : memref<!tpu.dma_semaphore, #tpu.memory_space<semaphore_mem>>) src(%dma_wait3A_300 : memref<256x128xf32, #tpu.memory_space<vmem_shared>>) dst(%dma_wait3A_298 : memref<256x128xf32, #tpu.memory_space<hbm>>)
      tpu.yield
    }) : () -> ()
    %barrier3A_70 = arith.constant 0 : index
    tpu.barrier barrier_id(%barrier3A_70)
    %mul3A_71 = arith.constant 4 : i32
    %mul3A_72 = arith.muli %arg0, %mul3A_71 : i32
    %add3A_73 = arith.constant 1 : i32
    %add3A_74 = arith.addi %mul3A_72, %add3A_73 : i32
    "tpu.region"() ({
      %run_scoped3A_290 = tpu.sem_alloc : memref<!tpu.dma_semaphore, #tpu.memory_space<semaphore_mem>>
      %dma_start3A_291 = arith.constant 0 : i32
      %dma_start3A_292 = tpu.memref_slice %arg6[%mul3A_0, %dma_start3A_291] : memref<4096x128xf32, #tpu.memory_space<vmem_shared>> -> memref<256x128xf32, #tpu.memory_space<vmem_shared>>
      %dma_start3A_293 = arith.constant 0 : i32
      %dma_start3A_294 = tpu.memref_slice %arg2[%mul3A_0, %add3A_74, %dma_start3A_293] : memref<4096x8x128xf32, #tpu.memory_space<hbm>> -> memref<256x1x128xf32, #tpu.memory_space<hbm>>
      %dma_start3A_295 = tpu.memref_squeeze %dma_start3A_294 : memref<256x1x128xf32, #tpu.memory_space<hbm>> -> memref<256x128xf32, #tpu.memory_space<hbm>>
      tpu.enqueue_dma source(%dma_start3A_295 : memref<256x128xf32, #tpu.memory_space<hbm>>) target(%dma_start3A_292 : memref<256x128xf32, #tpu.memory_space<vmem_shared>>) target_semaphore(%run_scoped3A_290 : memref<!tpu.dma_semaphore, #tpu.memory_space<semaphore_mem>>)
      %dma_wait3A_296 = arith.constant 0 : i32
      %dma_wait3A_297 = tpu.memref_slice %arg6[%mul3A_0, %dma_wait3A_296] : memref<4096x128xf32, #tpu.memory_space<vmem_shared>> -> memref<256x128xf32, #tpu.memory_space<vmem_shared>>
      %dma_wait3A_298 = arith.constant 0 : i32
      %dma_wait3A_299 = tpu.memref_slice %arg2[%mul3A_0, %add3A_74, %dma_wait3A_298] : memref<4096x8x128xf32, #tpu.memory_space<hbm>> -> memref<256x1x128xf32, #tpu.memory_space<hbm>>
      %dma_wait3A_300 = tpu.memref_squeeze %dma_wait3A_299 : memref<256x1x128xf32, #tpu.memory_space<hbm>> -> memref<256x128xf32, #tpu.memory_space<hbm>>
      tpu.wait_dma2 semaphore(%run_scoped3A_290 : memref<!tpu.dma_semaphore, #tpu.memory_space<semaphore_mem>>) src(%dma_wait3A_300 : memref<256x128xf32, #tpu.memory_space<hbm>>) dst(%dma_wait3A_297 : memref<256x128xf32, #tpu.memory_space<vmem_shared>>)
      tpu.yield
    }) : () -> ()
    %barrier3A_75 = arith.constant 0 : index
    tpu.barrier barrier_id(%barrier3A_75)
    %mul3A_76 = arith.constant 512 : i32
    %mul3A_77 = arith.muli %arg1, %mul3A_76 : i32
    %dma_start3A_78 = arith.constant 0 : i32
    %dma_start3A_79 = tpu.memref_slice %arg3[%mul3A_77, %add3A_74, %dma_start3A_78] : memref<8192x8x128xf32, #tpu.memory_space<hbm>> -> memref<128x1x128xf32, #tpu.memory_space<hbm>>
    %dma_start3A_80 = tpu.memref_squeeze %dma_start3A_79 : memref<128x1x128xf32, #tpu.memory_space<hbm>> -> memref<128x128xf32, #tpu.memory_space<hbm>>
    %dma_start3A_81 = arith.constant 0 : i32
    %dma_start3A_82 = tpu.memref_slice %arg3[%mul3A_77, %add3A_74, %dma_start3A_81] : memref<8192x8x128xf32, #tpu.memory_space<hbm>> -> memref<128x1x128xf32, #tpu.memory_space<hbm>>
    %dma_start3A_83 = tpu.memref_squeeze %dma_start3A_82 : memref<128x1x128xf32, #tpu.memory_space<hbm>> -> memref<128x128xf32, #tpu.memory_space<hbm>>
    tpu.enqueue_dma source(%dma_start3A_83 : memref<128x128xf32, #tpu.memory_space<hbm>>) target(%arg7 : memref<128x128xf32, #tpu.memory_space<vmem>>) target_semaphore(%arg10 : memref<!tpu.dma_semaphore, #tpu.memory_space<semaphore_mem>>)
    %dma_wait3A_84 = arith.constant 0 : i32
    %dma_wait3A_85 = tpu.memref_slice %arg3[%mul3A_77, %add3A_74, %dma_wait3A_84] : memref<8192x8x128xf32, #tpu.memory_space<hbm>> -> memref<128x1x128xf32, #tpu.memory_space<hbm>>
    %dma_wait3A_86 = tpu.memref_squeeze %dma_wait3A_85 : memref<128x1x128xf32, #tpu.memory_space<hbm>> -> memref<128x128xf32, #tpu.memory_space<hbm>>
    %dma_wait3A_87 = arith.constant 0 : i32
    %dma_wait3A_88 = tpu.memref_slice %arg3[%mul3A_77, %add3A_74, %dma_wait3A_87] : memref<8192x8x128xf32, #tpu.memory_space<hbm>> -> memref<128x1x128xf32, #tpu.memory_space<hbm>>
    %dma_wait3A_89 = tpu.memref_squeeze %dma_wait3A_88 : memref<128x1x128xf32, #tpu.memory_space<hbm>> -> memref<128x128xf32, #tpu.memory_space<hbm>>
    tpu.wait_dma2 semaphore(%arg10 : memref<!tpu.dma_semaphore, #tpu.memory_space<semaphore_mem>>) src(%dma_wait3A_89 : memref<128x128xf32, #tpu.memory_space<hbm>>) dst(%arg7 : memref<128x128xf32, #tpu.memory_space<vmem>>)
    %mul3A_90 = arith.constant 512 : i32
    %mul3A_91 = arith.muli %arg1, %mul3A_90 : i32
    %add3A_92 = arith.constant 128 : i32
    %add3A_93 = arith.addi %mul3A_91, %add3A_92 : i32
    %dma_start3A_94 = arith.constant 0 : i32
    %dma_start3A_95 = tpu.memref_slice %arg3[%add3A_93, %add3A_74, %dma_start3A_94] : memref<8192x8x128xf32, #tpu.memory_space<hbm>> -> memref<128x1x128xf32, #tpu.memory_space<hbm>>
    %dma_start3A_96 = tpu.memref_squeeze %dma_start3A_95 : memref<128x1x128xf32, #tpu.memory_space<hbm>> -> memref<128x128xf32, #tpu.memory_space<hbm>>
    %dma_start3A_97 = arith.constant 0 : i32
    %dma_start3A_98 = tpu.memref_slice %arg3[%add3A_93, %add3A_74, %dma_start3A_97] : memref<8192x8x128xf32, #tpu.memory_space<hbm>> -> memref<128x1x128xf32, #tpu.memory_space<hbm>>
    %dma_start3A_99 = tpu.memref_squeeze %dma_start3A_98 : memref<128x1x128xf32, #tpu.memory_space<hbm>> -> memref<128x128xf32, #tpu.memory_space<hbm>>
    tpu.enqueue_dma source(%dma_start3A_99 : memref<128x128xf32, #tpu.memory_space<hbm>>) target(%arg8 : memref<128x128xf32, #tpu.memory_space<vmem>>) target_semaphore(%arg11 : memref<!tpu.dma_semaphore, #tpu.memory_space<semaphore_mem>>)
    %run_scoped3A_100 = arith.constant 0 : i32
    "tpu.region"() ({
      %run_scoped3A_290 = tpu.sem_alloc : memref<!tpu.dma_semaphore, #tpu.memory_space<semaphore_mem>>
      %dma_start3A_291 = arith.constant 0 : i32
      %dma_start3A_292 = tpu.memref_slice %arg9[%run_scoped3A_100, %dma_start3A_291] : memref<4x128xi32, #tpu.memory_space<vmem>> -> memref<1x128xi32, #tpu.memory_space<vmem>>
      %dma_start3A_293 = tpu.memref_squeeze %dma_start3A_292 : memref<1x128xi32, #tpu.memory_space<vmem>> -> memref<128xi32, #tpu.memory_space<vmem>>
      %dma_start3A_294 = arith.constant 0 : i32
      %dma_start3A_295 = arith.constant 0 : i32
      %dma_start3A_296 = tpu.memref_slice %arg6[%dma_start3A_294, %dma_start3A_295] : memref<4096x128xf32, #tpu.memory_space<vmem_shared>> -> memref<4096x128xf32, #tpu.memory_space<vmem_shared>>
      tpu.enqueue_indirect_dma source(%arg7 : memref<128x128xf32, #tpu.memory_space<vmem>>) target(%dma_start3A_296 : memref<4096x128xf32, #tpu.memory_space<vmem_shared>>) offsets(%dma_start3A_293 : memref<128xi32, #tpu.memory_space<vmem>>) semaphore(%run_scoped3A_290 : memref<!tpu.dma_semaphore, #tpu.memory_space<semaphore_mem>>) {add = true}
      %dma_wait3A_297 = arith.constant 0 : i32
      %dma_wait3A_298 = tpu.memref_slice %arg9[%run_scoped3A_100, %dma_wait3A_297] : memref<4x128xi32, #tpu.memory_space<vmem>> -> memref<1x128xi32, #tpu.memory_space<vmem>>
      %dma_wait3A_299 = tpu.memref_squeeze %dma_wait3A_298 : memref<1x128xi32, #tpu.memory_space<vmem>> -> memref<128xi32, #tpu.memory_space<vmem>>
      %dma_wait3A_300 = arith.constant 0 : i32
      %dma_wait3A_301 = arith.constant 0 : i32
      %dma_wait3A_302 = tpu.memref_slice %arg6[%dma_wait3A_300, %dma_wait3A_301] : memref<4096x128xf32, #tpu.memory_space<vmem_shared>> -> memref<4096x128xf32, #tpu.memory_space<vmem_shared>>
      tpu.wait_indirect_dma semaphore(%run_scoped3A_290 : memref<!tpu.dma_semaphore, #tpu.memory_space<semaphore_mem>>) src(%arg7 : memref<128x128xf32, #tpu.memory_space<vmem>>) dst(%dma_wait3A_302 : memref<4096x128xf32, #tpu.memory_space<vmem_shared>>)
      tpu.yield
    }) : () -> ()
    %dma_wait3A_101 = arith.constant 0 : i32
    %dma_wait3A_102 = tpu.memref_slice %arg3[%add3A_93, %add3A_74, %dma_wait3A_101] : memref<8192x8x128xf32, #tpu.memory_space<hbm>> -> memref<128x1x128xf32, #tpu.memory_space<hbm>>
    %dma_wait3A_103 = tpu.memref_squeeze %dma_wait3A_102 : memref<128x1x128xf32, #tpu.memory_space<hbm>> -> memref<128x128xf32, #tpu.memory_space<hbm>>
    %dma_wait3A_104 = arith.constant 0 : i32
    %dma_wait3A_105 = tpu.memref_slice %arg3[%add3A_93, %add3A_74, %dma_wait3A_104] : memref<8192x8x128xf32, #tpu.memory_space<hbm>> -> memref<128x1x128xf32, #tpu.memory_space<hbm>>
    %dma_wait3A_106 = tpu.memref_squeeze %dma_wait3A_105 : memref<128x1x128xf32, #tpu.memory_space<hbm>> -> memref<128x128xf32, #tpu.memory_space<hbm>>
    tpu.wait_dma2 semaphore(%arg11 : memref<!tpu.dma_semaphore, #tpu.memory_space<semaphore_mem>>) src(%dma_wait3A_106 : memref<128x128xf32, #tpu.memory_space<hbm>>) dst(%arg8 : memref<128x128xf32, #tpu.memory_space<vmem>>)
    %mul3A_107 = arith.constant 512 : i32
    %mul3A_108 = arith.muli %arg1, %mul3A_107 : i32
    %add3A_109 = arith.constant 256 : i32
    %add3A_110 = arith.addi %mul3A_108, %add3A_109 : i32
    %dma_start3A_111 = arith.constant 0 : i32
    %dma_start3A_112 = tpu.memref_slice %arg3[%add3A_110, %add3A_74, %dma_start3A_111] : memref<8192x8x128xf32, #tpu.memory_space<hbm>> -> memref<128x1x128xf32, #tpu.memory_space<hbm>>
    %dma_start3A_113 = tpu.memref_squeeze %dma_start3A_112 : memref<128x1x128xf32, #tpu.memory_space<hbm>> -> memref<128x128xf32, #tpu.memory_space<hbm>>
    %dma_start3A_114 = arith.constant 0 : i32
    %dma_start3A_115 = tpu.memref_slice %arg3[%add3A_110, %add3A_74, %dma_start3A_114] : memref<8192x8x128xf32, #tpu.memory_space<hbm>> -> memref<128x1x128xf32, #tpu.memory_space<hbm>>
    %dma_start3A_116 = tpu.memref_squeeze %dma_start3A_115 : memref<128x1x128xf32, #tpu.memory_space<hbm>> -> memref<128x128xf32, #tpu.memory_space<hbm>>
    tpu.enqueue_dma source(%dma_start3A_116 : memref<128x128xf32, #tpu.memory_space<hbm>>) target(%arg7 : memref<128x128xf32, #tpu.memory_space<vmem>>) target_semaphore(%arg10 : memref<!tpu.dma_semaphore, #tpu.memory_space<semaphore_mem>>)
    %run_scoped3A_117 = arith.constant 1 : i32
    "tpu.region"() ({
      %run_scoped3A_290 = tpu.sem_alloc : memref<!tpu.dma_semaphore, #tpu.memory_space<semaphore_mem>>
      %dma_start3A_291 = arith.constant 0 : i32
      %dma_start3A_292 = tpu.memref_slice %arg9[%run_scoped3A_117, %dma_start3A_291] : memref<4x128xi32, #tpu.memory_space<vmem>> -> memref<1x128xi32, #tpu.memory_space<vmem>>
      %dma_start3A_293 = tpu.memref_squeeze %dma_start3A_292 : memref<1x128xi32, #tpu.memory_space<vmem>> -> memref<128xi32, #tpu.memory_space<vmem>>
      %dma_start3A_294 = arith.constant 0 : i32
      %dma_start3A_295 = arith.constant 0 : i32
      %dma_start3A_296 = tpu.memref_slice %arg6[%dma_start3A_294, %dma_start3A_295] : memref<4096x128xf32, #tpu.memory_space<vmem_shared>> -> memref<4096x128xf32, #tpu.memory_space<vmem_shared>>
      tpu.enqueue_indirect_dma source(%arg8 : memref<128x128xf32, #tpu.memory_space<vmem>>) target(%dma_start3A_296 : memref<4096x128xf32, #tpu.memory_space<vmem_shared>>) offsets(%dma_start3A_293 : memref<128xi32, #tpu.memory_space<vmem>>) semaphore(%run_scoped3A_290 : memref<!tpu.dma_semaphore, #tpu.memory_space<semaphore_mem>>) {add = true}
      %dma_wait3A_297 = arith.constant 0 : i32
      %dma_wait3A_298 = tpu.memref_slice %arg9[%run_scoped3A_117, %dma_wait3A_297] : memref<4x128xi32, #tpu.memory_space<vmem>> -> memref<1x128xi32, #tpu.memory_space<vmem>>
      %dma_wait3A_299 = tpu.memref_squeeze %dma_wait3A_298 : memref<1x128xi32, #tpu.memory_space<vmem>> -> memref<128xi32, #tpu.memory_space<vmem>>
      %dma_wait3A_300 = arith.constant 0 : i32
      %dma_wait3A_301 = arith.constant 0 : i32
      %dma_wait3A_302 = tpu.memref_slice %arg6[%dma_wait3A_300, %dma_wait3A_301] : memref<4096x128xf32, #tpu.memory_space<vmem_shared>> -> memref<4096x128xf32, #tpu.memory_space<vmem_shared>>
      tpu.wait_indirect_dma semaphore(%run_scoped3A_290 : memref<!tpu.dma_semaphore, #tpu.memory_space<semaphore_mem>>) src(%arg8 : memref<128x128xf32, #tpu.memory_space<vmem>>) dst(%dma_wait3A_302 : memref<4096x128xf32, #tpu.memory_space<vmem_shared>>)
      tpu.yield
    }) : () -> ()
    %dma_wait3A_118 = arith.constant 0 : i32
    %dma_wait3A_119 = tpu.memref_slice %arg3[%add3A_110, %add3A_74, %dma_wait3A_118] : memref<8192x8x128xf32, #tpu.memory_space<hbm>> -> memref<128x1x128xf32, #tpu.memory_space<hbm>>
    %dma_wait3A_120 = tpu.memref_squeeze %dma_wait3A_119 : memref<128x1x128xf32, #tpu.memory_space<hbm>> -> memref<128x128xf32, #tpu.memory_space<hbm>>
    %dma_wait3A_121 = arith.constant 0 : i32
    %dma_wait3A_122 = tpu.memref_slice %arg3[%add3A_110, %add3A_74, %dma_wait3A_121] : memref<8192x8x128xf32, #tpu.memory_space<hbm>> -> memref<128x1x128xf32, #tpu.memory_space<hbm>>
    %dma_wait3A_123 = tpu.memref_squeeze %dma_wait3A_122 : memref<128x1x128xf32, #tpu.memory_space<hbm>> -> memref<128x128xf32, #tpu.memory_space<hbm>>
    tpu.wait_dma2 semaphore(%arg10 : memref<!tpu.dma_semaphore, #tpu.memory_space<semaphore_mem>>) src(%dma_wait3A_123 : memref<128x128xf32, #tpu.memory_space<hbm>>) dst(%arg7 : memref<128x128xf32, #tpu.memory_space<vmem>>)
    %mul3A_124 = arith.constant 512 : i32
    %mul3A_125 = arith.muli %arg1, %mul3A_124 : i32
    %add3A_126 = arith.constant 384 : i32
    %add3A_127 = arith.addi %mul3A_125, %add3A_126 : i32
    %dma_start3A_128 = arith.constant 0 : i32
    %dma_start3A_129 = tpu.memref_slice %arg3[%add3A_127, %add3A_74, %dma_start3A_128] : memref<8192x8x128xf32, #tpu.memory_space<hbm>> -> memref<128x1x128xf32, #tpu.memory_space<hbm>>
    %dma_start3A_130 = tpu.memref_squeeze %dma_start3A_129 : memref<128x1x128xf32, #tpu.memory_space<hbm>> -> memref<128x128xf32, #tpu.memory_space<hbm>>
    %dma_start3A_131 = arith.constant 0 : i32
    %dma_start3A_132 = tpu.memref_slice %arg3[%add3A_127, %add3A_74, %dma_start3A_131] : memref<8192x8x128xf32, #tpu.memory_space<hbm>> -> memref<128x1x128xf32, #tpu.memory_space<hbm>>
    %dma_start3A_133 = tpu.memref_squeeze %dma_start3A_132 : memref<128x1x128xf32, #tpu.memory_space<hbm>> -> memref<128x128xf32, #tpu.memory_space<hbm>>
    tpu.enqueue_dma source(%dma_start3A_133 : memref<128x128xf32, #tpu.memory_space<hbm>>) target(%arg8 : memref<128x128xf32, #tpu.memory_space<vmem>>) target_semaphore(%arg11 : memref<!tpu.dma_semaphore, #tpu.memory_space<semaphore_mem>>)
    %run_scoped3A_134 = arith.constant 2 : i32
    "tpu.region"() ({
      %run_scoped3A_290 = tpu.sem_alloc : memref<!tpu.dma_semaphore, #tpu.memory_space<semaphore_mem>>
      %dma_start3A_291 = arith.constant 0 : i32
      %dma_start3A_292 = tpu.memref_slice %arg9[%run_scoped3A_134, %dma_start3A_291] : memref<4x128xi32, #tpu.memory_space<vmem>> -> memref<1x128xi32, #tpu.memory_space<vmem>>
      %dma_start3A_293 = tpu.memref_squeeze %dma_start3A_292 : memref<1x128xi32, #tpu.memory_space<vmem>> -> memref<128xi32, #tpu.memory_space<vmem>>
      %dma_start3A_294 = arith.constant 0 : i32
      %dma_start3A_295 = arith.constant 0 : i32
      %dma_start3A_296 = tpu.memref_slice %arg6[%dma_start3A_294, %dma_start3A_295] : memref<4096x128xf32, #tpu.memory_space<vmem_shared>> -> memref<4096x128xf32, #tpu.memory_space<vmem_shared>>
      tpu.enqueue_indirect_dma source(%arg7 : memref<128x128xf32, #tpu.memory_space<vmem>>) target(%dma_start3A_296 : memref<4096x128xf32, #tpu.memory_space<vmem_shared>>) offsets(%dma_start3A_293 : memref<128xi32, #tpu.memory_space<vmem>>) semaphore(%run_scoped3A_290 : memref<!tpu.dma_semaphore, #tpu.memory_space<semaphore_mem>>) {add = true}
      %dma_wait3A_297 = arith.constant 0 : i32
      %dma_wait3A_298 = tpu.memref_slice %arg9[%run_scoped3A_134, %dma_wait3A_297] : memref<4x128xi32, #tpu.memory_space<vmem>> -> memref<1x128xi32, #tpu.memory_space<vmem>>
      %dma_wait3A_299 = tpu.memref_squeeze %dma_wait3A_298 : memref<1x128xi32, #tpu.memory_space<vmem>> -> memref<128xi32, #tpu.memory_space<vmem>>
      %dma_wait3A_300 = arith.constant 0 : i32
      %dma_wait3A_301 = arith.constant 0 : i32
      %dma_wait3A_302 = tpu.memref_slice %arg6[%dma_wait3A_300, %dma_wait3A_301] : memref<4096x128xf32, #tpu.memory_space<vmem_shared>> -> memref<4096x128xf32, #tpu.memory_space<vmem_shared>>
      tpu.wait_indirect_dma semaphore(%run_scoped3A_290 : memref<!tpu.dma_semaphore, #tpu.memory_space<semaphore_mem>>) src(%arg7 : memref<128x128xf32, #tpu.memory_space<vmem>>) dst(%dma_wait3A_302 : memref<4096x128xf32, #tpu.memory_space<vmem_shared>>)
      tpu.yield
    }) : () -> ()
    %dma_wait3A_135 = arith.constant 0 : i32
    %dma_wait3A_136 = tpu.memref_slice %arg3[%add3A_127, %add3A_74, %dma_wait3A_135] : memref<8192x8x128xf32, #tpu.memory_space<hbm>> -> memref<128x1x128xf32, #tpu.memory_space<hbm>>
    %dma_wait3A_137 = tpu.memref_squeeze %dma_wait3A_136 : memref<128x1x128xf32, #tpu.memory_space<hbm>> -> memref<128x128xf32, #tpu.memory_space<hbm>>
    %dma_wait3A_138 = arith.constant 0 : i32
    %dma_wait3A_139 = tpu.memref_slice %arg3[%add3A_127, %add3A_74, %dma_wait3A_138] : memref<8192x8x128xf32, #tpu.memory_space<hbm>> -> memref<128x1x128xf32, #tpu.memory_space<hbm>>
    %dma_wait3A_140 = tpu.memref_squeeze %dma_wait3A_139 : memref<128x1x128xf32, #tpu.memory_space<hbm>> -> memref<128x128xf32, #tpu.memory_space<hbm>>
    tpu.wait_dma2 semaphore(%arg11 : memref<!tpu.dma_semaphore, #tpu.memory_space<semaphore_mem>>) src(%dma_wait3A_140 : memref<128x128xf32, #tpu.memory_space<hbm>>) dst(%arg8 : memref<128x128xf32, #tpu.memory_space<vmem>>)
    %run_scoped3A_141 = arith.constant 3 : i32
    "tpu.region"() ({
      %run_scoped3A_290 = tpu.sem_alloc : memref<!tpu.dma_semaphore, #tpu.memory_space<semaphore_mem>>
      %dma_start3A_291 = arith.constant 0 : i32
      %dma_start3A_292 = tpu.memref_slice %arg9[%run_scoped3A_141, %dma_start3A_291] : memref<4x128xi32, #tpu.memory_space<vmem>> -> memref<1x128xi32, #tpu.memory_space<vmem>>
      %dma_start3A_293 = tpu.memref_squeeze %dma_start3A_292 : memref<1x128xi32, #tpu.memory_space<vmem>> -> memref<128xi32, #tpu.memory_space<vmem>>
      %dma_start3A_294 = arith.constant 0 : i32
      %dma_start3A_295 = arith.constant 0 : i32
      %dma_start3A_296 = tpu.memref_slice %arg6[%dma_start3A_294, %dma_start3A_295] : memref<4096x128xf32, #tpu.memory_space<vmem_shared>> -> memref<4096x128xf32, #tpu.memory_space<vmem_shared>>
      tpu.enqueue_indirect_dma source(%arg8 : memref<128x128xf32, #tpu.memory_space<vmem>>) target(%dma_start3A_296 : memref<4096x128xf32, #tpu.memory_space<vmem_shared>>) offsets(%dma_start3A_293 : memref<128xi32, #tpu.memory_space<vmem>>) semaphore(%run_scoped3A_290 : memref<!tpu.dma_semaphore, #tpu.memory_space<semaphore_mem>>) {add = true}
      %dma_wait3A_297 = arith.constant 0 : i32
      %dma_wait3A_298 = tpu.memref_slice %arg9[%run_scoped3A_141, %dma_wait3A_297] : memref<4x128xi32, #tpu.memory_space<vmem>> -> memref<1x128xi32, #tpu.memory_space<vmem>>
      %dma_wait3A_299 = tpu.memref_squeeze %dma_wait3A_298 : memref<1x128xi32, #tpu.memory_space<vmem>> -> memref<128xi32, #tpu.memory_space<vmem>>
      %dma_wait3A_300 = arith.constant 0 : i32
      %dma_wait3A_301 = arith.constant 0 : i32
      %dma_wait3A_302 = tpu.memref_slice %arg6[%dma_wait3A_300, %dma_wait3A_301] : memref<4096x128xf32, #tpu.memory_space<vmem_shared>> -> memref<4096x128xf32, #tpu.memory_space<vmem_shared>>
      tpu.wait_indirect_dma semaphore(%run_scoped3A_290 : memref<!tpu.dma_semaphore, #tpu.memory_space<semaphore_mem>>) src(%arg8 : memref<128x128xf32, #tpu.memory_space<vmem>>) dst(%dma_wait3A_302 : memref<4096x128xf32, #tpu.memory_space<vmem_shared>>)
      tpu.yield
    }) : () -> ()
    %barrier3A_142 = arith.constant 0 : index
    tpu.barrier barrier_id(%barrier3A_142)
    "tpu.region"() ({
      %run_scoped3A_290 = tpu.sem_alloc : memref<!tpu.dma_semaphore, #tpu.memory_space<semaphore_mem>>
      %dma_start3A_291 = arith.constant 0 : i32
      %dma_start3A_292 = tpu.memref_slice %arg5[%mul3A_0, %add3A_74, %dma_start3A_291] : memref<4096x8x128xf32, #tpu.memory_space<hbm>> -> memref<256x1x128xf32, #tpu.memory_space<hbm>>
      %dma_start3A_293 = tpu.memref_squeeze %dma_start3A_292 : memref<256x1x128xf32, #tpu.memory_space<hbm>> -> memref<256x128xf32, #tpu.memory_space<hbm>>
      %dma_start3A_294 = arith.constant 0 : i32
      %dma_start3A_295 = tpu.memref_slice %arg6[%mul3A_0, %dma_start3A_294] : memref<4096x128xf32, #tpu.memory_space<vmem_shared>> -> memref<256x128xf32, #tpu.memory_space<vmem_shared>>
      tpu.enqueue_dma source(%dma_start3A_295 : memref<256x128xf32, #tpu.memory_space<vmem_shared>>) target(%dma_start3A_293 : memref<256x128xf32, #tpu.memory_space<hbm>>) target_semaphore(%run_scoped3A_290 : memref<!tpu.dma_semaphore, #tpu.memory_space<semaphore_mem>>)
      %dma_wait3A_296 = arith.constant 0 : i32
      %dma_wait3A_297 = tpu.memref_slice %arg5[%mul3A_0, %add3A_74, %dma_wait3A_296] : memref<4096x8x128xf32, #tpu.memory_space<hbm>> -> memref<256x1x128xf32, #tpu.memory_space<hbm>>
      %dma_wait3A_298 = tpu.memref_squeeze %dma_wait3A_297 : memref<256x1x128xf32, #tpu.memory_space<hbm>> -> memref<256x128xf32, #tpu.memory_space<hbm>>
      %dma_wait3A_299 = arith.constant 0 : i32
      %dma_wait3A_300 = tpu.memref_slice %arg6[%mul3A_0, %dma_wait3A_299] : memref<4096x128xf32, #tpu.memory_space<vmem_shared>> -> memref<256x128xf32, #tpu.memory_space<vmem_shared>>
      tpu.wait_dma2 semaphore(%run_scoped3A_290 : memref<!tpu.dma_semaphore, #tpu.memory_space<semaphore_mem>>) src(%dma_wait3A_300 : memref<256x128xf32, #tpu.memory_space<vmem_shared>>) dst(%dma_wait3A_298 : memref<256x128xf32, #tpu.memory_space<hbm>>)
      tpu.yield
    }) : () -> ()
    %barrier3A_143 = arith.constant 0 : index
    tpu.barrier barrier_id(%barrier3A_143)
    %mul3A_144 = arith.constant 4 : i32
    %mul3A_145 = arith.muli %arg0, %mul3A_144 : i32
    %add3A_146 = arith.constant 2 : i32
    %add3A_147 = arith.addi %mul3A_145, %add3A_146 : i32
    "tpu.region"() ({
      %run_scoped3A_290 = tpu.sem_alloc : memref<!tpu.dma_semaphore, #tpu.memory_space<semaphore_mem>>
      %dma_start3A_291 = arith.constant 0 : i32
      %dma_start3A_292 = tpu.memref_slice %arg6[%mul3A_0, %dma_start3A_291] : memref<4096x128xf32, #tpu.memory_space<vmem_shared>> -> memref<256x128xf32, #tpu.memory_space<vmem_shared>>
      %dma_start3A_293 = arith.constant 0 : i32
      %dma_start3A_294 = tpu.memref_slice %arg2[%mul3A_0, %add3A_147, %dma_start3A_293] : memref<4096x8x128xf32, #tpu.memory_space<hbm>> -> memref<256x1x128xf32, #tpu.memory_space<hbm>>
      %dma_start3A_295 = tpu.memref_squeeze %dma_start3A_294 : memref<256x1x128xf32, #tpu.memory_space<hbm>> -> memref<256x128xf32, #tpu.memory_space<hbm>>
      tpu.enqueue_dma source(%dma_start3A_295 : memref<256x128xf32, #tpu.memory_space<hbm>>) target(%dma_start3A_292 : memref<256x128xf32, #tpu.memory_space<vmem_shared>>) target_semaphore(%run_scoped3A_290 : memref<!tpu.dma_semaphore, #tpu.memory_space<semaphore_mem>>)
      %dma_wait3A_296 = arith.constant 0 : i32
      %dma_wait3A_297 = tpu.memref_slice %arg6[%mul3A_0, %dma_wait3A_296] : memref<4096x128xf32, #tpu.memory_space<vmem_shared>> -> memref<256x128xf32, #tpu.memory_space<vmem_shared>>
      %dma_wait3A_298 = arith.constant 0 : i32
      %dma_wait3A_299 = tpu.memref_slice %arg2[%mul3A_0, %add3A_147, %dma_wait3A_298] : memref<4096x8x128xf32, #tpu.memory_space<hbm>> -> memref<256x1x128xf32, #tpu.memory_space<hbm>>
      %dma_wait3A_300 = tpu.memref_squeeze %dma_wait3A_299 : memref<256x1x128xf32, #tpu.memory_space<hbm>> -> memref<256x128xf32, #tpu.memory_space<hbm>>
      tpu.wait_dma2 semaphore(%run_scoped3A_290 : memref<!tpu.dma_semaphore, #tpu.memory_space<semaphore_mem>>) src(%dma_wait3A_300 : memref<256x128xf32, #tpu.memory_space<hbm>>) dst(%dma_wait3A_297 : memref<256x128xf32, #tpu.memory_space<vmem_shared>>)
      tpu.yield
    }) : () -> ()
    %barrier3A_148 = arith.constant 0 : index
    tpu.barrier barrier_id(%barrier3A_148)
    %mul3A_149 = arith.constant 512 : i32
    %mul3A_150 = arith.muli %arg1, %mul3A_149 : i32
    %dma_start3A_151 = arith.constant 0 : i32
    %dma_start3A_152 = tpu.memref_slice %arg3[%mul3A_150, %add3A_147, %dma_start3A_151] : memref<8192x8x128xf32, #tpu.memory_space<hbm>> -> memref<128x1x128xf32, #tpu.memory_space<hbm>>
    %dma_start3A_153 = tpu.memref_squeeze %dma_start3A_152 : memref<128x1x128xf32, #tpu.memory_space<hbm>> -> memref<128x128xf32, #tpu.memory_space<hbm>>
    %dma_start3A_154 = arith.constant 0 : i32
    %dma_start3A_155 = tpu.memref_slice %arg3[%mul3A_150, %add3A_147, %dma_start3A_154] : memref<8192x8x128xf32, #tpu.memory_space<hbm>> -> memref<128x1x128xf32, #tpu.memory_space<hbm>>
    %dma_start3A_156 = tpu.memref_squeeze %dma_start3A_155 : memref<128x1x128xf32, #tpu.memory_space<hbm>> -> memref<128x128xf32, #tpu.memory_space<hbm>>
    tpu.enqueue_dma source(%dma_start3A_156 : memref<128x128xf32, #tpu.memory_space<hbm>>) target(%arg7 : memref<128x128xf32, #tpu.memory_space<vmem>>) target_semaphore(%arg10 : memref<!tpu.dma_semaphore, #tpu.memory_space<semaphore_mem>>)
    %dma_wait3A_157 = arith.constant 0 : i32
    %dma_wait3A_158 = tpu.memref_slice %arg3[%mul3A_150, %add3A_147, %dma_wait3A_157] : memref<8192x8x128xf32, #tpu.memory_space<hbm>> -> memref<128x1x128xf32, #tpu.memory_space<hbm>>
    %dma_wait3A_159 = tpu.memref_squeeze %dma_wait3A_158 : memref<128x1x128xf32, #tpu.memory_space<hbm>> -> memref<128x128xf32, #tpu.memory_space<hbm>>
    %dma_wait3A_160 = arith.constant 0 : i32
    %dma_wait3A_161 = tpu.memref_slice %arg3[%mul3A_150, %add3A_147, %dma_wait3A_160] : memref<8192x8x128xf32, #tpu.memory_space<hbm>> -> memref<128x1x128xf32, #tpu.memory_space<hbm>>
    %dma_wait3A_162 = tpu.memref_squeeze %dma_wait3A_161 : memref<128x1x128xf32, #tpu.memory_space<hbm>> -> memref<128x128xf32, #tpu.memory_space<hbm>>
    tpu.wait_dma2 semaphore(%arg10 : memref<!tpu.dma_semaphore, #tpu.memory_space<semaphore_mem>>) src(%dma_wait3A_162 : memref<128x128xf32, #tpu.memory_space<hbm>>) dst(%arg7 : memref<128x128xf32, #tpu.memory_space<vmem>>)
    %mul3A_163 = arith.constant 512 : i32
    %mul3A_164 = arith.muli %arg1, %mul3A_163 : i32
    %add3A_165 = arith.constant 128 : i32
    %add3A_166 = arith.addi %mul3A_164, %add3A_165 : i32
    %dma_start3A_167 = arith.constant 0 : i32
    %dma_start3A_168 = tpu.memref_slice %arg3[%add3A_166, %add3A_147, %dma_start3A_167] : memref<8192x8x128xf32, #tpu.memory_space<hbm>> -> memref<128x1x128xf32, #tpu.memory_space<hbm>>
    %dma_start3A_169 = tpu.memref_squeeze %dma_start3A_168 : memref<128x1x128xf32, #tpu.memory_space<hbm>> -> memref<128x128xf32, #tpu.memory_space<hbm>>
    %dma_start3A_170 = arith.constant 0 : i32
    %dma_start3A_171 = tpu.memref_slice %arg3[%add3A_166, %add3A_147, %dma_start3A_170] : memref<8192x8x128xf32, #tpu.memory_space<hbm>> -> memref<128x1x128xf32, #tpu.memory_space<hbm>>
    %dma_start3A_172 = tpu.memref_squeeze %dma_start3A_171 : memref<128x1x128xf32, #tpu.memory_space<hbm>> -> memref<128x128xf32, #tpu.memory_space<hbm>>
    tpu.enqueue_dma source(%dma_start3A_172 : memref<128x128xf32, #tpu.memory_space<hbm>>) target(%arg8 : memref<128x128xf32, #tpu.memory_space<vmem>>) target_semaphore(%arg11 : memref<!tpu.dma_semaphore, #tpu.memory_space<semaphore_mem>>)
    %run_scoped3A_173 = arith.constant 0 : i32
    "tpu.region"() ({
      %run_scoped3A_290 = tpu.sem_alloc : memref<!tpu.dma_semaphore, #tpu.memory_space<semaphore_mem>>
      %dma_start3A_291 = arith.constant 0 : i32
      %dma_start3A_292 = tpu.memref_slice %arg9[%run_scoped3A_173, %dma_start3A_291] : memref<4x128xi32, #tpu.memory_space<vmem>> -> memref<1x128xi32, #tpu.memory_space<vmem>>
      %dma_start3A_293 = tpu.memref_squeeze %dma_start3A_292 : memref<1x128xi32, #tpu.memory_space<vmem>> -> memref<128xi32, #tpu.memory_space<vmem>>
      %dma_start3A_294 = arith.constant 0 : i32
      %dma_start3A_295 = arith.constant 0 : i32
      %dma_start3A_296 = tpu.memref_slice %arg6[%dma_start3A_294, %dma_start3A_295] : memref<4096x128xf32, #tpu.memory_space<vmem_shared>> -> memref<4096x128xf32, #tpu.memory_space<vmem_shared>>
      tpu.enqueue_indirect_dma source(%arg7 : memref<128x128xf32, #tpu.memory_space<vmem>>) target(%dma_start3A_296 : memref<4096x128xf32, #tpu.memory_space<vmem_shared>>) offsets(%dma_start3A_293 : memref<128xi32, #tpu.memory_space<vmem>>) semaphore(%run_scoped3A_290 : memref<!tpu.dma_semaphore, #tpu.memory_space<semaphore_mem>>) {add = true}
      %dma_wait3A_297 = arith.constant 0 : i32
      %dma_wait3A_298 = tpu.memref_slice %arg9[%run_scoped3A_173, %dma_wait3A_297] : memref<4x128xi32, #tpu.memory_space<vmem>> -> memref<1x128xi32, #tpu.memory_space<vmem>>
      %dma_wait3A_299 = tpu.memref_squeeze %dma_wait3A_298 : memref<1x128xi32, #tpu.memory_space<vmem>> -> memref<128xi32, #tpu.memory_space<vmem>>
      %dma_wait3A_300 = arith.constant 0 : i32
      %dma_wait3A_301 = arith.constant 0 : i32
      %dma_wait3A_302 = tpu.memref_slice %arg6[%dma_wait3A_300, %dma_wait3A_301] : memref<4096x128xf32, #tpu.memory_space<vmem_shared>> -> memref<4096x128xf32, #tpu.memory_space<vmem_shared>>
      tpu.wait_indirect_dma semaphore(%run_scoped3A_290 : memref<!tpu.dma_semaphore, #tpu.memory_space<semaphore_mem>>) src(%arg7 : memref<128x128xf32, #tpu.memory_space<vmem>>) dst(%dma_wait3A_302 : memref<4096x128xf32, #tpu.memory_space<vmem_shared>>)
      tpu.yield
    }) : () -> ()
    %dma_wait3A_174 = arith.constant 0 : i32
    %dma_wait3A_175 = tpu.memref_slice %arg3[%add3A_166, %add3A_147, %dma_wait3A_174] : memref<8192x8x128xf32, #tpu.memory_space<hbm>> -> memref<128x1x128xf32, #tpu.memory_space<hbm>>
    %dma_wait3A_176 = tpu.memref_squeeze %dma_wait3A_175 : memref<128x1x128xf32, #tpu.memory_space<hbm>> -> memref<128x128xf32, #tpu.memory_space<hbm>>
    %dma_wait3A_177 = arith.constant 0 : i32
    %dma_wait3A_178 = tpu.memref_slice %arg3[%add3A_166, %add3A_147, %dma_wait3A_177] : memref<8192x8x128xf32, #tpu.memory_space<hbm>> -> memref<128x1x128xf32, #tpu.memory_space<hbm>>
    %dma_wait3A_179 = tpu.memref_squeeze %dma_wait3A_178 : memref<128x1x128xf32, #tpu.memory_space<hbm>> -> memref<128x128xf32, #tpu.memory_space<hbm>>
    tpu.wait_dma2 semaphore(%arg11 : memref<!tpu.dma_semaphore, #tpu.memory_space<semaphore_mem>>) src(%dma_wait3A_179 : memref<128x128xf32, #tpu.memory_space<hbm>>) dst(%arg8 : memref<128x128xf32, #tpu.memory_space<vmem>>)
    %mul3A_180 = arith.constant 512 : i32
    %mul3A_181 = arith.muli %arg1, %mul3A_180 : i32
    %add3A_182 = arith.constant 256 : i32
    %add3A_183 = arith.addi %mul3A_181, %add3A_182 : i32
    %dma_start3A_184 = arith.constant 0 : i32
    %dma_start3A_185 = tpu.memref_slice %arg3[%add3A_183, %add3A_147, %dma_start3A_184] : memref<8192x8x128xf32, #tpu.memory_space<hbm>> -> memref<128x1x128xf32, #tpu.memory_space<hbm>>
    %dma_start3A_186 = tpu.memref_squeeze %dma_start3A_185 : memref<128x1x128xf32, #tpu.memory_space<hbm>> -> memref<128x128xf32, #tpu.memory_space<hbm>>
    %dma_start3A_187 = arith.constant 0 : i32
    %dma_start3A_188 = tpu.memref_slice %arg3[%add3A_183, %add3A_147, %dma_start3A_187] : memref<8192x8x128xf32, #tpu.memory_space<hbm>> -> memref<128x1x128xf32, #tpu.memory_space<hbm>>
    %dma_start3A_189 = tpu.memref_squeeze %dma_start3A_188 : memref<128x1x128xf32, #tpu.memory_space<hbm>> -> memref<128x128xf32, #tpu.memory_space<hbm>>
    tpu.enqueue_dma source(%dma_start3A_189 : memref<128x128xf32, #tpu.memory_space<hbm>>) target(%arg7 : memref<128x128xf32, #tpu.memory_space<vmem>>) target_semaphore(%arg10 : memref<!tpu.dma_semaphore, #tpu.memory_space<semaphore_mem>>)
    %run_scoped3A_190 = arith.constant 1 : i32
    "tpu.region"() ({
      %run_scoped3A_290 = tpu.sem_alloc : memref<!tpu.dma_semaphore, #tpu.memory_space<semaphore_mem>>
      %dma_start3A_291 = arith.constant 0 : i32
      %dma_start3A_292 = tpu.memref_slice %arg9[%run_scoped3A_190, %dma_start3A_291] : memref<4x128xi32, #tpu.memory_space<vmem>> -> memref<1x128xi32, #tpu.memory_space<vmem>>
      %dma_start3A_293 = tpu.memref_squeeze %dma_start3A_292 : memref<1x128xi32, #tpu.memory_space<vmem>> -> memref<128xi32, #tpu.memory_space<vmem>>
      %dma_start3A_294 = arith.constant 0 : i32
      %dma_start3A_295 = arith.constant 0 : i32
      %dma_start3A_296 = tpu.memref_slice %arg6[%dma_start3A_294, %dma_start3A_295] : memref<4096x128xf32, #tpu.memory_space<vmem_shared>> -> memref<4096x128xf32, #tpu.memory_space<vmem_shared>>
      tpu.enqueue_indirect_dma source(%arg8 : memref<128x128xf32, #tpu.memory_space<vmem>>) target(%dma_start3A_296 : memref<4096x128xf32, #tpu.memory_space<vmem_shared>>) offsets(%dma_start3A_293 : memref<128xi32, #tpu.memory_space<vmem>>) semaphore(%run_scoped3A_290 : memref<!tpu.dma_semaphore, #tpu.memory_space<semaphore_mem>>) {add = true}
      %dma_wait3A_297 = arith.constant 0 : i32
      %dma_wait3A_298 = tpu.memref_slice %arg9[%run_scoped3A_190, %dma_wait3A_297] : memref<4x128xi32, #tpu.memory_space<vmem>> -> memref<1x128xi32, #tpu.memory_space<vmem>>
      %dma_wait3A_299 = tpu.memref_squeeze %dma_wait3A_298 : memref<1x128xi32, #tpu.memory_space<vmem>> -> memref<128xi32, #tpu.memory_space<vmem>>
      %dma_wait3A_300 = arith.constant 0 : i32
      %dma_wait3A_301 = arith.constant 0 : i32
      %dma_wait3A_302 = tpu.memref_slice %arg6[%dma_wait3A_300, %dma_wait3A_301] : memref<4096x128xf32, #tpu.memory_space<vmem_shared>> -> memref<4096x128xf32, #tpu.memory_space<vmem_shared>>
      tpu.wait_indirect_dma semaphore(%run_scoped3A_290 : memref<!tpu.dma_semaphore, #tpu.memory_space<semaphore_mem>>) src(%arg8 : memref<128x128xf32, #tpu.memory_space<vmem>>) dst(%dma_wait3A_302 : memref<4096x128xf32, #tpu.memory_space<vmem_shared>>)
      tpu.yield
    }) : () -> ()
    %dma_wait3A_191 = arith.constant 0 : i32
    %dma_wait3A_192 = tpu.memref_slice %arg3[%add3A_183, %add3A_147, %dma_wait3A_191] : memref<8192x8x128xf32, #tpu.memory_space<hbm>> -> memref<128x1x128xf32, #tpu.memory_space<hbm>>
    %dma_wait3A_193 = tpu.memref_squeeze %dma_wait3A_192 : memref<128x1x128xf32, #tpu.memory_space<hbm>> -> memref<128x128xf32, #tpu.memory_space<hbm>>
    %dma_wait3A_194 = arith.constant 0 : i32
    %dma_wait3A_195 = tpu.memref_slice %arg3[%add3A_183, %add3A_147, %dma_wait3A_194] : memref<8192x8x128xf32, #tpu.memory_space<hbm>> -> memref<128x1x128xf32, #tpu.memory_space<hbm>>
    %dma_wait3A_196 = tpu.memref_squeeze %dma_wait3A_195 : memref<128x1x128xf32, #tpu.memory_space<hbm>> -> memref<128x128xf32, #tpu.memory_space<hbm>>
    tpu.wait_dma2 semaphore(%arg10 : memref<!tpu.dma_semaphore, #tpu.memory_space<semaphore_mem>>) src(%dma_wait3A_196 : memref<128x128xf32, #tpu.memory_space<hbm>>) dst(%arg7 : memref<128x128xf32, #tpu.memory_space<vmem>>)
    %mul3A_197 = arith.constant 512 : i32
    %mul3A_198 = arith.muli %arg1, %mul3A_197 : i32
    %add3A_199 = arith.constant 384 : i32
    %add3A_200 = arith.addi %mul3A_198, %add3A_199 : i32
    %dma_start3A_201 = arith.constant 0 : i32
    %dma_start3A_202 = tpu.memref_slice %arg3[%add3A_200, %add3A_147, %dma_start3A_201] : memref<8192x8x128xf32, #tpu.memory_space<hbm>> -> memref<128x1x128xf32, #tpu.memory_space<hbm>>
    %dma_start3A_203 = tpu.memref_squeeze %dma_start3A_202 : memref<128x1x128xf32, #tpu.memory_space<hbm>> -> memref<128x128xf32, #tpu.memory_space<hbm>>
    %dma_start3A_204 = arith.constant 0 : i32
    %dma_start3A_205 = tpu.memref_slice %arg3[%add3A_200, %add3A_147, %dma_start3A_204] : memref<8192x8x128xf32, #tpu.memory_space<hbm>> -> memref<128x1x128xf32, #tpu.memory_space<hbm>>
    %dma_start3A_206 = tpu.memref_squeeze %dma_start3A_205 : memref<128x1x128xf32, #tpu.memory_space<hbm>> -> memref<128x128xf32, #tpu.memory_space<hbm>>
    tpu.enqueue_dma source(%dma_start3A_206 : memref<128x128xf32, #tpu.memory_space<hbm>>) target(%arg8 : memref<128x128xf32, #tpu.memory_space<vmem>>) target_semaphore(%arg11 : memref<!tpu.dma_semaphore, #tpu.memory_space<semaphore_mem>>)
    %run_scoped3A_207 = arith.constant 2 : i32
    "tpu.region"() ({
      %run_scoped3A_290 = tpu.sem_alloc : memref<!tpu.dma_semaphore, #tpu.memory_space<semaphore_mem>>
      %dma_start3A_291 = arith.constant 0 : i32
      %dma_start3A_292 = tpu.memref_slice %arg9[%run_scoped3A_207, %dma_start3A_291] : memref<4x128xi32, #tpu.memory_space<vmem>> -> memref<1x128xi32, #tpu.memory_space<vmem>>
      %dma_start3A_293 = tpu.memref_squeeze %dma_start3A_292 : memref<1x128xi32, #tpu.memory_space<vmem>> -> memref<128xi32, #tpu.memory_space<vmem>>
      %dma_start3A_294 = arith.constant 0 : i32
      %dma_start3A_295 = arith.constant 0 : i32
      %dma_start3A_296 = tpu.memref_slice %arg6[%dma_start3A_294, %dma_start3A_295] : memref<4096x128xf32, #tpu.memory_space<vmem_shared>> -> memref<4096x128xf32, #tpu.memory_space<vmem_shared>>
      tpu.enqueue_indirect_dma source(%arg7 : memref<128x128xf32, #tpu.memory_space<vmem>>) target(%dma_start3A_296 : memref<4096x128xf32, #tpu.memory_space<vmem_shared>>) offsets(%dma_start3A_293 : memref<128xi32, #tpu.memory_space<vmem>>) semaphore(%run_scoped3A_290 : memref<!tpu.dma_semaphore, #tpu.memory_space<semaphore_mem>>) {add = true}
      %dma_wait3A_297 = arith.constant 0 : i32
      %dma_wait3A_298 = tpu.memref_slice %arg9[%run_scoped3A_207, %dma_wait3A_297] : memref<4x128xi32, #tpu.memory_space<vmem>> -> memref<1x128xi32, #tpu.memory_space<vmem>>
      %dma_wait3A_299 = tpu.memref_squeeze %dma_wait3A_298 : memref<1x128xi32, #tpu.memory_space<vmem>> -> memref<128xi32, #tpu.memory_space<vmem>>
      %dma_wait3A_300 = arith.constant 0 : i32
      %dma_wait3A_301 = arith.constant 0 : i32
      %dma_wait3A_302 = tpu.memref_slice %arg6[%dma_wait3A_300, %dma_wait3A_301] : memref<4096x128xf32, #tpu.memory_space<vmem_shared>> -> memref<4096x128xf32, #tpu.memory_space<vmem_shared>>
      tpu.wait_indirect_dma semaphore(%run_scoped3A_290 : memref<!tpu.dma_semaphore, #tpu.memory_space<semaphore_mem>>) src(%arg7 : memref<128x128xf32, #tpu.memory_space<vmem>>) dst(%dma_wait3A_302 : memref<4096x128xf32, #tpu.memory_space<vmem_shared>>)
      tpu.yield
    }) : () -> ()
    %dma_wait3A_208 = arith.constant 0 : i32
    %dma_wait3A_209 = tpu.memref_slice %arg3[%add3A_200, %add3A_147, %dma_wait3A_208] : memref<8192x8x128xf32, #tpu.memory_space<hbm>> -> memref<128x1x128xf32, #tpu.memory_space<hbm>>
    %dma_wait3A_210 = tpu.memref_squeeze %dma_wait3A_209 : memref<128x1x128xf32, #tpu.memory_space<hbm>> -> memref<128x128xf32, #tpu.memory_space<hbm>>
    %dma_wait3A_211 = arith.constant 0 : i32
    %dma_wait3A_212 = tpu.memref_slice %arg3[%add3A_200, %add3A_147, %dma_wait3A_211] : memref<8192x8x128xf32, #tpu.memory_space<hbm>> -> memref<128x1x128xf32, #tpu.memory_space<hbm>>
    %dma_wait3A_213 = tpu.memref_squeeze %dma_wait3A_212 : memref<128x1x128xf32, #tpu.memory_space<hbm>> -> memref<128x128xf32, #tpu.memory_space<hbm>>
    tpu.wait_dma2 semaphore(%arg11 : memref<!tpu.dma_semaphore, #tpu.memory_space<semaphore_mem>>) src(%dma_wait3A_213 : memref<128x128xf32, #tpu.memory_space<hbm>>) dst(%arg8 : memref<128x128xf32, #tpu.memory_space<vmem>>)
    %run_scoped3A_214 = arith.constant 3 : i32
    "tpu.region"() ({
      %run_scoped3A_290 = tpu.sem_alloc : memref<!tpu.dma_semaphore, #tpu.memory_space<semaphore_mem>>
      %dma_start3A_291 = arith.constant 0 : i32
      %dma_start3A_292 = tpu.memref_slice %arg9[%run_scoped3A_214, %dma_start3A_291] : memref<4x128xi32, #tpu.memory_space<vmem>> -> memref<1x128xi32, #tpu.memory_space<vmem>>
      %dma_start3A_293 = tpu.memref_squeeze %dma_start3A_292 : memref<1x128xi32, #tpu.memory_space<vmem>> -> memref<128xi32, #tpu.memory_space<vmem>>
      %dma_start3A_294 = arith.constant 0 : i32
      %dma_start3A_295 = arith.constant 0 : i32
      %dma_start3A_296 = tpu.memref_slice %arg6[%dma_start3A_294, %dma_start3A_295] : memref<4096x128xf32, #tpu.memory_space<vmem_shared>> -> memref<4096x128xf32, #tpu.memory_space<vmem_shared>>
      tpu.enqueue_indirect_dma source(%arg8 : memref<128x128xf32, #tpu.memory_space<vmem>>) target(%dma_start3A_296 : memref<4096x128xf32, #tpu.memory_space<vmem_shared>>) offsets(%dma_start3A_293 : memref<128xi32, #tpu.memory_space<vmem>>) semaphore(%run_scoped3A_290 : memref<!tpu.dma_semaphore, #tpu.memory_space<semaphore_mem>>) {add = true}
      %dma_wait3A_297 = arith.constant 0 : i32
      %dma_wait3A_298 = tpu.memref_slice %arg9[%run_scoped3A_214, %dma_wait3A_297] : memref<4x128xi32, #tpu.memory_space<vmem>> -> memref<1x128xi32, #tpu.memory_space<vmem>>
      %dma_wait3A_299 = tpu.memref_squeeze %dma_wait3A_298 : memref<1x128xi32, #tpu.memory_space<vmem>> -> memref<128xi32, #tpu.memory_space<vmem>>
      %dma_wait3A_300 = arith.constant 0 : i32
      %dma_wait3A_301 = arith.constant 0 : i32
      %dma_wait3A_302 = tpu.memref_slice %arg6[%dma_wait3A_300, %dma_wait3A_301] : memref<4096x128xf32, #tpu.memory_space<vmem_shared>> -> memref<4096x128xf32, #tpu.memory_space<vmem_shared>>
      tpu.wait_indirect_dma semaphore(%run_scoped3A_290 : memref<!tpu.dma_semaphore, #tpu.memory_space<semaphore_mem>>) src(%arg8 : memref<128x128xf32, #tpu.memory_space<vmem>>) dst(%dma_wait3A_302 : memref<4096x128xf32, #tpu.memory_space<vmem_shared>>)
      tpu.yield
    }) : () -> ()
    %barrier3A_215 = arith.constant 0 : index
    tpu.barrier barrier_id(%barrier3A_215)
    "tpu.region"() ({
      %run_scoped3A_290 = tpu.sem_alloc : memref<!tpu.dma_semaphore, #tpu.memory_space<semaphore_mem>>
      %dma_start3A_291 = arith.constant 0 : i32
      %dma_start3A_292 = tpu.memref_slice %arg5[%mul3A_0, %add3A_147, %dma_start3A_291] : memref<4096x8x128xf32, #tpu.memory_space<hbm>> -> memref<256x1x128xf32, #tpu.memory_space<hbm>>
      %dma_start3A_293 = tpu.memref_squeeze %dma_start3A_292 : memref<256x1x128xf32, #tpu.memory_space<hbm>> -> memref<256x128xf32, #tpu.memory_space<hbm>>
      %dma_start3A_294 = arith.constant 0 : i32
      %dma_start3A_295 = tpu.memref_slice %arg6[%mul3A_0, %dma_start3A_294] : memref<4096x128xf32, #tpu.memory_space<vmem_shared>> -> memref<256x128xf32, #tpu.memory_space<vmem_shared>>
      tpu.enqueue_dma source(%dma_start3A_295 : memref<256x128xf32, #tpu.memory_space<vmem_shared>>) target(%dma_start3A_293 : memref<256x128xf32, #tpu.memory_space<hbm>>) target_semaphore(%run_scoped3A_290 : memref<!tpu.dma_semaphore, #tpu.memory_space<semaphore_mem>>)
      %dma_wait3A_296 = arith.constant 0 : i32
      %dma_wait3A_297 = tpu.memref_slice %arg5[%mul3A_0, %add3A_147, %dma_wait3A_296] : memref<4096x8x128xf32, #tpu.memory_space<hbm>> -> memref<256x1x128xf32, #tpu.memory_space<hbm>>
      %dma_wait3A_298 = tpu.memref_squeeze %dma_wait3A_297 : memref<256x1x128xf32, #tpu.memory_space<hbm>> -> memref<256x128xf32, #tpu.memory_space<hbm>>
      %dma_wait3A_299 = arith.constant 0 : i32
      %dma_wait3A_300 = tpu.memref_slice %arg6[%mul3A_0, %dma_wait3A_299] : memref<4096x128xf32, #tpu.memory_space<vmem_shared>> -> memref<256x128xf32, #tpu.memory_space<vmem_shared>>
      tpu.wait_dma2 semaphore(%run_scoped3A_290 : memref<!tpu.dma_semaphore, #tpu.memory_space<semaphore_mem>>) src(%dma_wait3A_300 : memref<256x128xf32, #tpu.memory_space<vmem_shared>>) dst(%dma_wait3A_298 : memref<256x128xf32, #tpu.memory_space<hbm>>)
      tpu.yield
    }) : () -> ()
    %barrier3A_216 = arith.constant 0 : index
    tpu.barrier barrier_id(%barrier3A_216)
    %mul3A_217 = arith.constant 4 : i32
    %mul3A_218 = arith.muli %arg0, %mul3A_217 : i32
    %add3A_219 = arith.constant 3 : i32
    %add3A_220 = arith.addi %mul3A_218, %add3A_219 : i32
    "tpu.region"() ({
      %run_scoped3A_290 = tpu.sem_alloc : memref<!tpu.dma_semaphore, #tpu.memory_space<semaphore_mem>>
      %dma_start3A_291 = arith.constant 0 : i32
      %dma_start3A_292 = tpu.memref_slice %arg6[%mul3A_0, %dma_start3A_291] : memref<4096x128xf32, #tpu.memory_space<vmem_shared>> -> memref<256x128xf32, #tpu.memory_space<vmem_shared>>
      %dma_start3A_293 = arith.constant 0 : i32
      %dma_start3A_294 = tpu.memref_slice %arg2[%mul3A_0, %add3A_220, %dma_start3A_293] : memref<4096x8x128xf32, #tpu.memory_space<hbm>> -> memref<256x1x128xf32, #tpu.memory_space<hbm>>
      %dma_start3A_295 = tpu.memref_squeeze %dma_start3A_294 : memref<256x1x128xf32, #tpu.memory_space<hbm>> -> memref<256x128xf32, #tpu.memory_space<hbm>>
      tpu.enqueue_dma source(%dma_start3A_295 : memref<256x128xf32, #tpu.memory_space<hbm>>) target(%dma_start3A_292 : memref<256x128xf32, #tpu.memory_space<vmem_shared>>) target_semaphore(%run_scoped3A_290 : memref<!tpu.dma_semaphore, #tpu.memory_space<semaphore_mem>>)
      %dma_wait3A_296 = arith.constant 0 : i32
      %dma_wait3A_297 = tpu.memref_slice %arg6[%mul3A_0, %dma_wait3A_296] : memref<4096x128xf32, #tpu.memory_space<vmem_shared>> -> memref<256x128xf32, #tpu.memory_space<vmem_shared>>
      %dma_wait3A_298 = arith.constant 0 : i32
      %dma_wait3A_299 = tpu.memref_slice %arg2[%mul3A_0, %add3A_220, %dma_wait3A_298] : memref<4096x8x128xf32, #tpu.memory_space<hbm>> -> memref<256x1x128xf32, #tpu.memory_space<hbm>>
      %dma_wait3A_300 = tpu.memref_squeeze %dma_wait3A_299 : memref<256x1x128xf32, #tpu.memory_space<hbm>> -> memref<256x128xf32, #tpu.memory_space<hbm>>
      tpu.wait_dma2 semaphore(%run_scoped3A_290 : memref<!tpu.dma_semaphore, #tpu.memory_space<semaphore_mem>>) src(%dma_wait3A_300 : memref<256x128xf32, #tpu.memory_space<hbm>>) dst(%dma_wait3A_297 : memref<256x128xf32, #tpu.memory_space<vmem_shared>>)
      tpu.yield
    }) : () -> ()
    %barrier3A_221 = arith.constant 0 : index
    tpu.barrier barrier_id(%barrier3A_221)
    %mul3A_222 = arith.constant 512 : i32
    %mul3A_223 = arith.muli %arg1, %mul3A_222 : i32
    %dma_start3A_224 = arith.constant 0 : i32
    %dma_start3A_225 = tpu.memref_slice %arg3[%mul3A_223, %add3A_220, %dma_start3A_224] : memref<8192x8x128xf32, #tpu.memory_space<hbm>> -> memref<128x1x128xf32, #tpu.memory_space<hbm>>
    %dma_start3A_226 = tpu.memref_squeeze %dma_start3A_225 : memref<128x1x128xf32, #tpu.memory_space<hbm>> -> memref<128x128xf32, #tpu.memory_space<hbm>>
    %dma_start3A_227 = arith.constant 0 : i32
    %dma_start3A_228 = tpu.memref_slice %arg3[%mul3A_223, %add3A_220, %dma_start3A_227] : memref<8192x8x128xf32, #tpu.memory_space<hbm>> -> memref<128x1x128xf32, #tpu.memory_space<hbm>>
    %dma_start3A_229 = tpu.memref_squeeze %dma_start3A_228 : memref<128x1x128xf32, #tpu.memory_space<hbm>> -> memref<128x128xf32, #tpu.memory_space<hbm>>
    tpu.enqueue_dma source(%dma_start3A_229 : memref<128x128xf32, #tpu.memory_space<hbm>>) target(%arg7 : memref<128x128xf32, #tpu.memory_space<vmem>>) target_semaphore(%arg10 : memref<!tpu.dma_semaphore, #tpu.memory_space<semaphore_mem>>)
    %dma_wait3A_230 = arith.constant 0 : i32
    %dma_wait3A_231 = tpu.memref_slice %arg3[%mul3A_223, %add3A_220, %dma_wait3A_230] : memref<8192x8x128xf32, #tpu.memory_space<hbm>> -> memref<128x1x128xf32, #tpu.memory_space<hbm>>
    %dma_wait3A_232 = tpu.memref_squeeze %dma_wait3A_231 : memref<128x1x128xf32, #tpu.memory_space<hbm>> -> memref<128x128xf32, #tpu.memory_space<hbm>>
    %dma_wait3A_233 = arith.constant 0 : i32
    %dma_wait3A_234 = tpu.memref_slice %arg3[%mul3A_223, %add3A_220, %dma_wait3A_233] : memref<8192x8x128xf32, #tpu.memory_space<hbm>> -> memref<128x1x128xf32, #tpu.memory_space<hbm>>
    %dma_wait3A_235 = tpu.memref_squeeze %dma_wait3A_234 : memref<128x1x128xf32, #tpu.memory_space<hbm>> -> memref<128x128xf32, #tpu.memory_space<hbm>>
    tpu.wait_dma2 semaphore(%arg10 : memref<!tpu.dma_semaphore, #tpu.memory_space<semaphore_mem>>) src(%dma_wait3A_235 : memref<128x128xf32, #tpu.memory_space<hbm>>) dst(%arg7 : memref<128x128xf32, #tpu.memory_space<vmem>>)
    %mul3A_236 = arith.constant 512 : i32
    %mul3A_237 = arith.muli %arg1, %mul3A_236 : i32
    %add3A_238 = arith.constant 128 : i32
    %add3A_239 = arith.addi %mul3A_237, %add3A_238 : i32
    %dma_start3A_240 = arith.constant 0 : i32
    %dma_start3A_241 = tpu.memref_slice %arg3[%add3A_239, %add3A_220, %dma_start3A_240] : memref<8192x8x128xf32, #tpu.memory_space<hbm>> -> memref<128x1x128xf32, #tpu.memory_space<hbm>>
    %dma_start3A_242 = tpu.memref_squeeze %dma_start3A_241 : memref<128x1x128xf32, #tpu.memory_space<hbm>> -> memref<128x128xf32, #tpu.memory_space<hbm>>
    %dma_start3A_243 = arith.constant 0 : i32
    %dma_start3A_244 = tpu.memref_slice %arg3[%add3A_239, %add3A_220, %dma_start3A_243] : memref<8192x8x128xf32, #tpu.memory_space<hbm>> -> memref<128x1x128xf32, #tpu.memory_space<hbm>>
    %dma_start3A_245 = tpu.memref_squeeze %dma_start3A_244 : memref<128x1x128xf32, #tpu.memory_space<hbm>> -> memref<128x128xf32, #tpu.memory_space<hbm>>
    tpu.enqueue_dma source(%dma_start3A_245 : memref<128x128xf32, #tpu.memory_space<hbm>>) target(%arg8 : memref<128x128xf32, #tpu.memory_space<vmem>>) target_semaphore(%arg11 : memref<!tpu.dma_semaphore, #tpu.memory_space<semaphore_mem>>)
    %run_scoped3A_246 = arith.constant 0 : i32
    "tpu.region"() ({
      %run_scoped3A_290 = tpu.sem_alloc : memref<!tpu.dma_semaphore, #tpu.memory_space<semaphore_mem>>
      %dma_start3A_291 = arith.constant 0 : i32
      %dma_start3A_292 = tpu.memref_slice %arg9[%run_scoped3A_246, %dma_start3A_291] : memref<4x128xi32, #tpu.memory_space<vmem>> -> memref<1x128xi32, #tpu.memory_space<vmem>>
      %dma_start3A_293 = tpu.memref_squeeze %dma_start3A_292 : memref<1x128xi32, #tpu.memory_space<vmem>> -> memref<128xi32, #tpu.memory_space<vmem>>
      %dma_start3A_294 = arith.constant 0 : i32
      %dma_start3A_295 = arith.constant 0 : i32
      %dma_start3A_296 = tpu.memref_slice %arg6[%dma_start3A_294, %dma_start3A_295] : memref<4096x128xf32, #tpu.memory_space<vmem_shared>> -> memref<4096x128xf32, #tpu.memory_space<vmem_shared>>
      tpu.enqueue_indirect_dma source(%arg7 : memref<128x128xf32, #tpu.memory_space<vmem>>) target(%dma_start3A_296 : memref<4096x128xf32, #tpu.memory_space<vmem_shared>>) offsets(%dma_start3A_293 : memref<128xi32, #tpu.memory_space<vmem>>) semaphore(%run_scoped3A_290 : memref<!tpu.dma_semaphore, #tpu.memory_space<semaphore_mem>>) {add = true}
      %dma_wait3A_297 = arith.constant 0 : i32
      %dma_wait3A_298 = tpu.memref_slice %arg9[%run_scoped3A_246, %dma_wait3A_297] : memref<4x128xi32, #tpu.memory_space<vmem>> -> memref<1x128xi32, #tpu.memory_space<vmem>>
      %dma_wait3A_299 = tpu.memref_squeeze %dma_wait3A_298 : memref<1x128xi32, #tpu.memory_space<vmem>> -> memref<128xi32, #tpu.memory_space<vmem>>
      %dma_wait3A_300 = arith.constant 0 : i32
      %dma_wait3A_301 = arith.constant 0 : i32
      %dma_wait3A_302 = tpu.memref_slice %arg6[%dma_wait3A_300, %dma_wait3A_301] : memref<4096x128xf32, #tpu.memory_space<vmem_shared>> -> memref<4096x128xf32, #tpu.memory_space<vmem_shared>>
      tpu.wait_indirect_dma semaphore(%run_scoped3A_290 : memref<!tpu.dma_semaphore, #tpu.memory_space<semaphore_mem>>) src(%arg7 : memref<128x128xf32, #tpu.memory_space<vmem>>) dst(%dma_wait3A_302 : memref<4096x128xf32, #tpu.memory_space<vmem_shared>>)
      tpu.yield
    }) : () -> ()
    %dma_wait3A_247 = arith.constant 0 : i32
    %dma_wait3A_248 = tpu.memref_slice %arg3[%add3A_239, %add3A_220, %dma_wait3A_247] : memref<8192x8x128xf32, #tpu.memory_space<hbm>> -> memref<128x1x128xf32, #tpu.memory_space<hbm>>
    %dma_wait3A_249 = tpu.memref_squeeze %dma_wait3A_248 : memref<128x1x128xf32, #tpu.memory_space<hbm>> -> memref<128x128xf32, #tpu.memory_space<hbm>>
    %dma_wait3A_250 = arith.constant 0 : i32
    %dma_wait3A_251 = tpu.memref_slice %arg3[%add3A_239, %add3A_220, %dma_wait3A_250] : memref<8192x8x128xf32, #tpu.memory_space<hbm>> -> memref<128x1x128xf32, #tpu.memory_space<hbm>>
    %dma_wait3A_252 = tpu.memref_squeeze %dma_wait3A_251 : memref<128x1x128xf32, #tpu.memory_space<hbm>> -> memref<128x128xf32, #tpu.memory_space<hbm>>
    tpu.wait_dma2 semaphore(%arg11 : memref<!tpu.dma_semaphore, #tpu.memory_space<semaphore_mem>>) src(%dma_wait3A_252 : memref<128x128xf32, #tpu.memory_space<hbm>>) dst(%arg8 : memref<128x128xf32, #tpu.memory_space<vmem>>)
    %mul3A_253 = arith.constant 512 : i32
    %mul3A_254 = arith.muli %arg1, %mul3A_253 : i32
    %add3A_255 = arith.constant 256 : i32
    %add3A_256 = arith.addi %mul3A_254, %add3A_255 : i32
    %dma_start3A_257 = arith.constant 0 : i32
    %dma_start3A_258 = tpu.memref_slice %arg3[%add3A_256, %add3A_220, %dma_start3A_257] : memref<8192x8x128xf32, #tpu.memory_space<hbm>> -> memref<128x1x128xf32, #tpu.memory_space<hbm>>
    %dma_start3A_259 = tpu.memref_squeeze %dma_start3A_258 : memref<128x1x128xf32, #tpu.memory_space<hbm>> -> memref<128x128xf32, #tpu.memory_space<hbm>>
    %dma_start3A_260 = arith.constant 0 : i32
    %dma_start3A_261 = tpu.memref_slice %arg3[%add3A_256, %add3A_220, %dma_start3A_260] : memref<8192x8x128xf32, #tpu.memory_space<hbm>> -> memref<128x1x128xf32, #tpu.memory_space<hbm>>
    %dma_start3A_262 = tpu.memref_squeeze %dma_start3A_261 : memref<128x1x128xf32, #tpu.memory_space<hbm>> -> memref<128x128xf32, #tpu.memory_space<hbm>>
    tpu.enqueue_dma source(%dma_start3A_262 : memref<128x128xf32, #tpu.memory_space<hbm>>) target(%arg7 : memref<128x128xf32, #tpu.memory_space<vmem>>) target_semaphore(%arg10 : memref<!tpu.dma_semaphore, #tpu.memory_space<semaphore_mem>>)
    %run_scoped3A_263 = arith.constant 1 : i32
    "tpu.region"() ({
      %run_scoped3A_290 = tpu.sem_alloc : memref<!tpu.dma_semaphore, #tpu.memory_space<semaphore_mem>>
      %dma_start3A_291 = arith.constant 0 : i32
      %dma_start3A_292 = tpu.memref_slice %arg9[%run_scoped3A_263, %dma_start3A_291] : memref<4x128xi32, #tpu.memory_space<vmem>> -> memref<1x128xi32, #tpu.memory_space<vmem>>
      %dma_start3A_293 = tpu.memref_squeeze %dma_start3A_292 : memref<1x128xi32, #tpu.memory_space<vmem>> -> memref<128xi32, #tpu.memory_space<vmem>>
      %dma_start3A_294 = arith.constant 0 : i32
      %dma_start3A_295 = arith.constant 0 : i32
      %dma_start3A_296 = tpu.memref_slice %arg6[%dma_start3A_294, %dma_start3A_295] : memref<4096x128xf32, #tpu.memory_space<vmem_shared>> -> memref<4096x128xf32, #tpu.memory_space<vmem_shared>>
      tpu.enqueue_indirect_dma source(%arg8 : memref<128x128xf32, #tpu.memory_space<vmem>>) target(%dma_start3A_296 : memref<4096x128xf32, #tpu.memory_space<vmem_shared>>) offsets(%dma_start3A_293 : memref<128xi32, #tpu.memory_space<vmem>>) semaphore(%run_scoped3A_290 : memref<!tpu.dma_semaphore, #tpu.memory_space<semaphore_mem>>) {add = true}
      %dma_wait3A_297 = arith.constant 0 : i32
      %dma_wait3A_298 = tpu.memref_slice %arg9[%run_scoped3A_263, %dma_wait3A_297] : memref<4x128xi32, #tpu.memory_space<vmem>> -> memref<1x128xi32, #tpu.memory_space<vmem>>
      %dma_wait3A_299 = tpu.memref_squeeze %dma_wait3A_298 : memref<1x128xi32, #tpu.memory_space<vmem>> -> memref<128xi32, #tpu.memory_space<vmem>>
      %dma_wait3A_300 = arith.constant 0 : i32
      %dma_wait3A_301 = arith.constant 0 : i32
      %dma_wait3A_302 = tpu.memref_slice %arg6[%dma_wait3A_300, %dma_wait3A_301] : memref<4096x128xf32, #tpu.memory_space<vmem_shared>> -> memref<4096x128xf32, #tpu.memory_space<vmem_shared>>
      tpu.wait_indirect_dma semaphore(%run_scoped3A_290 : memref<!tpu.dma_semaphore, #tpu.memory_space<semaphore_mem>>) src(%arg8 : memref<128x128xf32, #tpu.memory_space<vmem>>) dst(%dma_wait3A_302 : memref<4096x128xf32, #tpu.memory_space<vmem_shared>>)
      tpu.yield
    }) : () -> ()
    %dma_wait3A_264 = arith.constant 0 : i32
    %dma_wait3A_265 = tpu.memref_slice %arg3[%add3A_256, %add3A_220, %dma_wait3A_264] : memref<8192x8x128xf32, #tpu.memory_space<hbm>> -> memref<128x1x128xf32, #tpu.memory_space<hbm>>
    %dma_wait3A_266 = tpu.memref_squeeze %dma_wait3A_265 : memref<128x1x128xf32, #tpu.memory_space<hbm>> -> memref<128x128xf32, #tpu.memory_space<hbm>>
    %dma_wait3A_267 = arith.constant 0 : i32
    %dma_wait3A_268 = tpu.memref_slice %arg3[%add3A_256, %add3A_220, %dma_wait3A_267] : memref<8192x8x128xf32, #tpu.memory_space<hbm>> -> memref<128x1x128xf32, #tpu.memory_space<hbm>>
    %dma_wait3A_269 = tpu.memref_squeeze %dma_wait3A_268 : memref<128x1x128xf32, #tpu.memory_space<hbm>> -> memref<128x128xf32, #tpu.memory_space<hbm>>
    tpu.wait_dma2 semaphore(%arg10 : memref<!tpu.dma_semaphore, #tpu.memory_space<semaphore_mem>>) src(%dma_wait3A_269 : memref<128x128xf32, #tpu.memory_space<hbm>>) dst(%arg7 : memref<128x128xf32, #tpu.memory_space<vmem>>)
    %mul3A_270 = arith.constant 512 : i32
    %mul3A_271 = arith.muli %arg1, %mul3A_270 : i32
    %add3A_272 = arith.constant 384 : i32
    %add3A_273 = arith.addi %mul3A_271, %add3A_272 : i32
    %dma_start3A_274 = arith.constant 0 : i32
    %dma_start3A_275 = tpu.memref_slice %arg3[%add3A_273, %add3A_220, %dma_start3A_274] : memref<8192x8x128xf32, #tpu.memory_space<hbm>> -> memref<128x1x128xf32, #tpu.memory_space<hbm>>
    %dma_start3A_276 = tpu.memref_squeeze %dma_start3A_275 : memref<128x1x128xf32, #tpu.memory_space<hbm>> -> memref<128x128xf32, #tpu.memory_space<hbm>>
    %dma_start3A_277 = arith.constant 0 : i32
    %dma_start3A_278 = tpu.memref_slice %arg3[%add3A_273, %add3A_220, %dma_start3A_277] : memref<8192x8x128xf32, #tpu.memory_space<hbm>> -> memref<128x1x128xf32, #tpu.memory_space<hbm>>
    %dma_start3A_279 = tpu.memref_squeeze %dma_start3A_278 : memref<128x1x128xf32, #tpu.memory_space<hbm>> -> memref<128x128xf32, #tpu.memory_space<hbm>>
    tpu.enqueue_dma source(%dma_start3A_279 : memref<128x128xf32, #tpu.memory_space<hbm>>) target(%arg8 : memref<128x128xf32, #tpu.memory_space<vmem>>) target_semaphore(%arg11 : memref<!tpu.dma_semaphore, #tpu.memory_space<semaphore_mem>>)
    %run_scoped3A_280 = arith.constant 2 : i32
    "tpu.region"() ({
      %run_scoped3A_290 = tpu.sem_alloc : memref<!tpu.dma_semaphore, #tpu.memory_space<semaphore_mem>>
      %dma_start3A_291 = arith.constant 0 : i32
      %dma_start3A_292 = tpu.memref_slice %arg9[%run_scoped3A_280, %dma_start3A_291] : memref<4x128xi32, #tpu.memory_space<vmem>> -> memref<1x128xi32, #tpu.memory_space<vmem>>
      %dma_start3A_293 = tpu.memref_squeeze %dma_start3A_292 : memref<1x128xi32, #tpu.memory_space<vmem>> -> memref<128xi32, #tpu.memory_space<vmem>>
      %dma_start3A_294 = arith.constant 0 : i32
      %dma_start3A_295 = arith.constant 0 : i32
      %dma_start3A_296 = tpu.memref_slice %arg6[%dma_start3A_294, %dma_start3A_295] : memref<4096x128xf32, #tpu.memory_space<vmem_shared>> -> memref<4096x128xf32, #tpu.memory_space<vmem_shared>>
      tpu.enqueue_indirect_dma source(%arg7 : memref<128x128xf32, #tpu.memory_space<vmem>>) target(%dma_start3A_296 : memref<4096x128xf32, #tpu.memory_space<vmem_shared>>) offsets(%dma_start3A_293 : memref<128xi32, #tpu.memory_space<vmem>>) semaphore(%run_scoped3A_290 : memref<!tpu.dma_semaphore, #tpu.memory_space<semaphore_mem>>) {add = true}
      %dma_wait3A_297 = arith.constant 0 : i32
      %dma_wait3A_298 = tpu.memref_slice %arg9[%run_scoped3A_280, %dma_wait3A_297] : memref<4x128xi32, #tpu.memory_space<vmem>> -> memref<1x128xi32, #tpu.memory_space<vmem>>
      %dma_wait3A_299 = tpu.memref_squeeze %dma_wait3A_298 : memref<1x128xi32, #tpu.memory_space<vmem>> -> memref<128xi32, #tpu.memory_space<vmem>>
      %dma_wait3A_300 = arith.constant 0 : i32
      %dma_wait3A_301 = arith.constant 0 : i32
      %dma_wait3A_302 = tpu.memref_slice %arg6[%dma_wait3A_300, %dma_wait3A_301] : memref<4096x128xf32, #tpu.memory_space<vmem_shared>> -> memref<4096x128xf32, #tpu.memory_space<vmem_shared>>
      tpu.wait_indirect_dma semaphore(%run_scoped3A_290 : memref<!tpu.dma_semaphore, #tpu.memory_space<semaphore_mem>>) src(%arg7 : memref<128x128xf32, #tpu.memory_space<vmem>>) dst(%dma_wait3A_302 : memref<4096x128xf32, #tpu.memory_space<vmem_shared>>)
      tpu.yield
    }) : () -> ()
    %dma_wait3A_281 = arith.constant 0 : i32
    %dma_wait3A_282 = tpu.memref_slice %arg3[%add3A_273, %add3A_220, %dma_wait3A_281] : memref<8192x8x128xf32, #tpu.memory_space<hbm>> -> memref<128x1x128xf32, #tpu.memory_space<hbm>>
    %dma_wait3A_283 = tpu.memref_squeeze %dma_wait3A_282 : memref<128x1x128xf32, #tpu.memory_space<hbm>> -> memref<128x128xf32, #tpu.memory_space<hbm>>
    %dma_wait3A_284 = arith.constant 0 : i32
    %dma_wait3A_285 = tpu.memref_slice %arg3[%add3A_273, %add3A_220, %dma_wait3A_284] : memref<8192x8x128xf32, #tpu.memory_space<hbm>> -> memref<128x1x128xf32, #tpu.memory_space<hbm>>
    %dma_wait3A_286 = tpu.memref_squeeze %dma_wait3A_285 : memref<128x1x128xf32, #tpu.memory_space<hbm>> -> memref<128x128xf32, #tpu.memory_space<hbm>>
    tpu.wait_dma2 semaphore(%arg11 : memref<!tpu.dma_semaphore, #tpu.memory_space<semaphore_mem>>) src(%dma_wait3A_286 : memref<128x128xf32, #tpu.memory_space<hbm>>) dst(%arg8 : memref<128x128xf32, #tpu.memory_space<vmem>>)
    %run_scoped3A_287 = arith.constant 3 : i32
    "tpu.region"() ({
      %run_scoped3A_290 = tpu.sem_alloc : memref<!tpu.dma_semaphore, #tpu.memory_space<semaphore_mem>>
      %dma_start3A_291 = arith.constant 0 : i32
      %dma_start3A_292 = tpu.memref_slice %arg9[%run_scoped3A_287, %dma_start3A_291] : memref<4x128xi32, #tpu.memory_space<vmem>> -> memref<1x128xi32, #tpu.memory_space<vmem>>
      %dma_start3A_293 = tpu.memref_squeeze %dma_start3A_292 : memref<1x128xi32, #tpu.memory_space<vmem>> -> memref<128xi32, #tpu.memory_space<vmem>>
      %dma_start3A_294 = arith.constant 0 : i32
      %dma_start3A_295 = arith.constant 0 : i32
      %dma_start3A_296 = tpu.memref_slice %arg6[%dma_start3A_294, %dma_start3A_295] : memref<4096x128xf32, #tpu.memory_space<vmem_shared>> -> memref<4096x128xf32, #tpu.memory_space<vmem_shared>>
      tpu.enqueue_indirect_dma source(%arg8 : memref<128x128xf32, #tpu.memory_space<vmem>>) target(%dma_start3A_296 : memref<4096x128xf32, #tpu.memory_space<vmem_shared>>) offsets(%dma_start3A_293 : memref<128xi32, #tpu.memory_space<vmem>>) semaphore(%run_scoped3A_290 : memref<!tpu.dma_semaphore, #tpu.memory_space<semaphore_mem>>) {add = true}
      %dma_wait3A_297 = arith.constant 0 : i32
      %dma_wait3A_298 = tpu.memref_slice %arg9[%run_scoped3A_287, %dma_wait3A_297] : memref<4x128xi32, #tpu.memory_space<vmem>> -> memref<1x128xi32, #tpu.memory_space<vmem>>
      %dma_wait3A_299 = tpu.memref_squeeze %dma_wait3A_298 : memref<1x128xi32, #tpu.memory_space<vmem>> -> memref<128xi32, #tpu.memory_space<vmem>>
      %dma_wait3A_300 = arith.constant 0 : i32
      %dma_wait3A_301 = arith.constant 0 : i32
      %dma_wait3A_302 = tpu.memref_slice %arg6[%dma_wait3A_300, %dma_wait3A_301] : memref<4096x128xf32, #tpu.memory_space<vmem_shared>> -> memref<4096x128xf32, #tpu.memory_space<vmem_shared>>
      tpu.wait_indirect_dma semaphore(%run_scoped3A_290 : memref<!tpu.dma_semaphore, #tpu.memory_space<semaphore_mem>>) src(%arg8 : memref<128x128xf32, #tpu.memory_space<vmem>>) dst(%dma_wait3A_302 : memref<4096x128xf32, #tpu.memory_space<vmem_shared>>)
      tpu.yield
    }) : () -> ()
    %barrier3A_288 = arith.constant 0 : index
    tpu.barrier barrier_id(%barrier3A_288)
    "tpu.region"() ({
      %run_scoped3A_290 = tpu.sem_alloc : memref<!tpu.dma_semaphore, #tpu.memory_space<semaphore_mem>>
      %dma_start3A_291 = arith.constant 0 : i32
      %dma_start3A_292 = tpu.memref_slice %arg5[%mul3A_0, %add3A_220, %dma_start3A_291] : memref<4096x8x128xf32, #tpu.memory_space<hbm>> -> memref<256x1x128xf32, #tpu.memory_space<hbm>>
      %dma_start3A_293 = tpu.memref_squeeze %dma_start3A_292 : memref<256x1x128xf32, #tpu.memory_space<hbm>> -> memref<256x128xf32, #tpu.memory_space<hbm>>
      %dma_start3A_294 = arith.constant 0 : i32
      %dma_start3A_295 = tpu.memref_slice %arg6[%mul3A_0, %dma_start3A_294] : memref<4096x128xf32, #tpu.memory_space<vmem_shared>> -> memref<256x128xf32, #tpu.memory_space<vmem_shared>>
      tpu.enqueue_dma source(%dma_start3A_295 : memref<256x128xf32, #tpu.memory_space<vmem_shared>>) target(%dma_start3A_293 : memref<256x128xf32, #tpu.memory_space<hbm>>) target_semaphore(%run_scoped3A_290 : memref<!tpu.dma_semaphore, #tpu.memory_space<semaphore_mem>>)
      %dma_wait3A_296 = arith.constant 0 : i32
      %dma_wait3A_297 = tpu.memref_slice %arg5[%mul3A_0, %add3A_220, %dma_wait3A_296] : memref<4096x8x128xf32, #tpu.memory_space<hbm>> -> memref<256x1x128xf32, #tpu.memory_space<hbm>>
      %dma_wait3A_298 = tpu.memref_squeeze %dma_wait3A_297 : memref<256x1x128xf32, #tpu.memory_space<hbm>> -> memref<256x128xf32, #tpu.memory_space<hbm>>
      %dma_wait3A_299 = arith.constant 0 : i32
      %dma_wait3A_300 = tpu.memref_slice %arg6[%mul3A_0, %dma_wait3A_299] : memref<4096x128xf32, #tpu.memory_space<vmem_shared>> -> memref<256x128xf32, #tpu.memory_space<vmem_shared>>
      tpu.wait_dma2 semaphore(%run_scoped3A_290 : memref<!tpu.dma_semaphore, #tpu.memory_space<semaphore_mem>>) src(%dma_wait3A_300 : memref<256x128xf32, #tpu.memory_space<vmem_shared>>) dst(%dma_wait3A_298 : memref<256x128xf32, #tpu.memory_space<hbm>>)
      tpu.yield
    }) : () -> ()
    %barrier3A_289 = arith.constant 0 : index
    tpu.barrier barrier_id(%barrier3A_289)
    return
  }
}

module attributes {stable_mosaic.version = 14 : i64} {
  func.func @_shared_mlp_body(%arg0: i32, %arg1: memref<512x1024xf32, #tpu.memory_space<vmem>>, %arg2: memref<2048x1024xf32, #tpu.memory_space<vmem>>, %arg3: memref<2048x1024xf32, #tpu.memory_space<vmem>>, %arg4: memref<1024x2048xf32, #tpu.memory_space<vmem>>, %arg5: memref<512x1024xf32, #tpu.memory_space<vmem>>) attributes {dimension_semantics = [#tpu.dimension_semantics<parallel>], iteration_bounds = array<i64: 8>, scalar_prefetch = 0 : i64, scratch_operands = 0 : i64, tpu.core_type = #tpu.core_type<tc>, window_params = [{transform_indices = @transform_0, window_bounds = array<i64: 512, 1024>}, {pipeline_mode = #tpu.pipeline_mode<synchronous>, transform_indices = @transform_1, window_bounds = array<i64: 2048, 1024>}, {pipeline_mode = #tpu.pipeline_mode<synchronous>, transform_indices = @transform_2, window_bounds = array<i64: 2048, 1024>}, {pipeline_mode = #tpu.pipeline_mode<synchronous>, transform_indices = @transform_3, window_bounds = array<i64: 1024, 2048>}, {transform_indices = @transform_4, window_bounds = array<i64: 512, 1024>}]} {
    %get3A = arith.constant 0 : index
    %get3A_0 = arith.constant 0 : index
    %get3A_1 = vector.load %arg1[%get3A, %get3A_0] : memref<512x1024xf32, #tpu.memory_space<vmem>>, vector<512x1024xf32>
    %convert_element_type3A = arith.truncf %get3A_1 : vector<512x1024xf32> to vector<512x1024xbf16>
    %get3A_2 = arith.constant 0 : index
    %get3A_3 = arith.constant 0 : index
    %get3A_4 = vector.load %arg2[%get3A_2, %get3A_3] : memref<2048x1024xf32, #tpu.memory_space<vmem>>, vector<2048x1024xf32>
    %convert_element_type3A_5 = arith.truncf %get3A_4 : vector<2048x1024xf32> to vector<2048x1024xbf16>
    %dot_general3A = arith.constant dense<0.000000e+00> : vector<512x2048xf32>
    %dot_general3A_6 = tpu.matmul %convert_element_type3A, %convert_element_type3A_5, %dot_general3A {dimension_numbers = #tpu.dot_dimension_numbers<[1], [1], [0], [0], [0, 0, 1, 0], [], []>, transpose_lhs_hint = false} : vector<512x1024xbf16>, vector<2048x1024xbf16>, vector<512x2048xf32> -> vector<512x2048xf32>
    %get3A_7 = arith.constant 0 : index
    %get3A_8 = arith.constant 0 : index
    %get3A_9 = vector.load %arg3[%get3A_7, %get3A_8] : memref<2048x1024xf32, #tpu.memory_space<vmem>>, vector<2048x1024xf32>
    %convert_element_type3A_10 = arith.truncf %get3A_9 : vector<2048x1024xf32> to vector<2048x1024xbf16>
    %dot_general3A_11 = arith.constant dense<0.000000e+00> : vector<512x2048xf32>
    %dot_general3A_12 = tpu.matmul %convert_element_type3A, %convert_element_type3A_10, %dot_general3A_11 {dimension_numbers = #tpu.dot_dimension_numbers<[1], [1], [0], [0], [0, 0, 1, 0], [], []>, transpose_lhs_hint = false} : vector<512x1024xbf16>, vector<2048x1024xbf16>, vector<512x2048xf32> -> vector<512x2048xf32>
    %mul3A = arith.constant 5.000000e-01 : f32
    %mul3A_13 = vector.broadcast %mul3A : f32 to vector<512x2048xf32>
    %mul3A_14 = arith.mulf %mul3A_13, %dot_general3A_6 : vector<512x2048xf32>
    %mul3A_15 = arith.constant 0.707106769 : f32
    %mul3A_16 = vector.broadcast %mul3A_15 : f32 to vector<512x2048xf32>
    %mul3A_17 = arith.mulf %dot_general3A_6, %mul3A_16 : vector<512x2048xf32>
    %erf3A = math.erf %mul3A_17 : vector<512x2048xf32>
    %add3A = arith.constant 1.000000e+00 : f32
    %add3A_18 = vector.broadcast %add3A : f32 to vector<512x2048xf32>
    %add3A_19 = arith.addf %add3A_18, %erf3A : vector<512x2048xf32>
    %mul3A_20 = arith.mulf %mul3A_14, %add3A_19 : vector<512x2048xf32>
    %mul3A_21 = arith.mulf %mul3A_20, %dot_general3A_12 : vector<512x2048xf32>
    %convert_element_type3A_22 = arith.truncf %mul3A_21 : vector<512x2048xf32> to vector<512x2048xbf16>
    %get3A_23 = arith.constant 0 : index
    %get3A_24 = arith.constant 0 : index
    %get3A_25 = vector.load %arg4[%get3A_23, %get3A_24] : memref<1024x2048xf32, #tpu.memory_space<vmem>>, vector<1024x2048xf32>
    %convert_element_type3A_26 = arith.truncf %get3A_25 : vector<1024x2048xf32> to vector<1024x2048xbf16>
    %dot_general3A_27 = arith.constant dense<0.000000e+00> : vector<512x1024xf32>
    %dot_general3A_28 = tpu.matmul %convert_element_type3A_22, %convert_element_type3A_26, %dot_general3A_27 {dimension_numbers = #tpu.dot_dimension_numbers<[1], [1], [0], [0], [0, 0, 1, 0], [], []>, transpose_lhs_hint = false} : vector<512x2048xbf16>, vector<1024x2048xbf16>, vector<512x1024xf32> -> vector<512x1024xf32>
    %swap3A = arith.constant 0 : index
    %swap3A_29 = arith.constant 0 : index
    %swap3A_30 = vector.load %arg5[%swap3A, %swap3A_29] : memref<512x1024xf32, #tpu.memory_space<vmem>>, vector<512x1024xf32>
    tpu.vector_store %arg5[%swap3A, %swap3A_29], %dot_general3A_28 {strides = array<i32>} : memref<512x1024xf32, #tpu.memory_space<vmem>>, vector<512x1024xf32>,
    return
  }
  func.func @transform_0(%arg0: i32) -> (i32, i32) {
    %c0_i32 = arith.constant 0 : i32
    %c0_i32_0 = arith.constant 0 : i32
    return %arg0, %c0_i32 : i32, i32
  }
  func.func @transform_1(%arg0: i32) -> (i32, i32) {
    %c0_i32 = arith.constant 0 : i32
    %c0_i32_0 = arith.constant 0 : i32
    %c0_i32_1 = arith.constant 0 : i32
    return %c0_i32, %c0_i32_0 : i32, i32
  }
  func.func @transform_2(%arg0: i32) -> (i32, i32) {
    %c0_i32 = arith.constant 0 : i32
    %c0_i32_0 = arith.constant 0 : i32
    %c0_i32_1 = arith.constant 0 : i32
    return %c0_i32, %c0_i32_0 : i32, i32
  }
  func.func @transform_3(%arg0: i32) -> (i32, i32) {
    %c0_i32 = arith.constant 0 : i32
    %c0_i32_0 = arith.constant 0 : i32
    %c0_i32_1 = arith.constant 0 : i32
    return %c0_i32, %c0_i32_0 : i32, i32
  }
  func.func @transform_4(%arg0: i32) -> (i32, i32) {
    %c0_i32 = arith.constant 0 : i32
    %c0_i32_0 = arith.constant 0 : i32
    return %arg0, %c0_i32 : i32, i32
  }
}

module attributes {stable_mosaic.version = 14 : i64} {
  func.func @_expert_mlp_body(%arg0: i32, %arg1: i32, %arg2: memref<1x512x1024xf32, #tpu.memory_space<vmem>>, %arg3: memref<1x512x1024xf32, #tpu.memory_space<vmem>>, %arg4: memref<1x512x1024xf32, #tpu.memory_space<vmem>>, %arg5: memref<1x1024x512xf32, #tpu.memory_space<vmem>>, %arg6: memref<1x1x512xf32, #tpu.memory_space<vmem>>, %arg7: memref<1x512x1024xf32, #tpu.memory_space<vmem>>) attributes {dimension_semantics = [#tpu.dimension_semantics<parallel>, #tpu.dimension_semantics<arbitrary>], iteration_bounds = array<i64: 16, 8>, scalar_prefetch = 0 : i64, scratch_operands = 0 : i64, tpu.core_type = #tpu.core_type<tc>, window_params = [{transform_indices = @transform_0, window_bounds = array<i64: 1, 512, 1024>}, {transform_indices = @transform_1, window_bounds = array<i64: 1, 512, 1024>}, {transform_indices = @transform_2, window_bounds = array<i64: 1, 512, 1024>}, {transform_indices = @transform_3, window_bounds = array<i64: 1, 1024, 512>}, {transform_indices = @transform_4, window_bounds = array<i64: 1, 1, 512>}, {transform_indices = @transform_5, window_bounds = array<i64: 1, 512, 1024>}]} {
    %get3A = arith.constant 0 : index
    %get3A_0 = arith.constant 0 : index
    %get3A_1 = arith.constant 0 : index
    %get3A_2 = vector.load %arg2[%get3A, %get3A_0, %get3A_1] : memref<1x512x1024xf32, #tpu.memory_space<vmem>>, vector<1x512x1024xf32>
    %get3A_3 = vector.shape_cast %get3A_2 : vector<1x512x1024xf32> to vector<512x1024xf32>
    %convert_element_type3A = arith.truncf %get3A_3 : vector<512x1024xf32> to vector<512x1024xbf16>
    %get3A_4 = arith.constant 0 : index
    %get3A_5 = arith.constant 0 : index
    %get3A_6 = arith.constant 0 : index
    %get3A_7 = vector.load %arg3[%get3A_4, %get3A_5, %get3A_6] : memref<1x512x1024xf32, #tpu.memory_space<vmem>>, vector<1x512x1024xf32>
    %get3A_8 = vector.shape_cast %get3A_7 : vector<1x512x1024xf32> to vector<512x1024xf32>
    %convert_element_type3A_9 = arith.truncf %get3A_8 : vector<512x1024xf32> to vector<512x1024xbf16>
    %dot_general3A = arith.constant dense<0.000000e+00> : vector<512x512xf32>
    %dot_general3A_10 = tpu.matmul %convert_element_type3A, %convert_element_type3A_9, %dot_general3A {dimension_numbers = #tpu.dot_dimension_numbers<[1], [1], [0], [0], [0, 0, 1, 0], [], []>, transpose_lhs_hint = false} : vector<512x1024xbf16>, vector<512x1024xbf16>, vector<512x512xf32> -> vector<512x512xf32>
    %get3A_11 = arith.constant 0 : index
    %get3A_12 = arith.constant 0 : index
    %get3A_13 = arith.constant 0 : index
    %get3A_14 = vector.load %arg4[%get3A_11, %get3A_12, %get3A_13] : memref<1x512x1024xf32, #tpu.memory_space<vmem>>, vector<1x512x1024xf32>
    %get3A_15 = vector.shape_cast %get3A_14 : vector<1x512x1024xf32> to vector<512x1024xf32>
    %convert_element_type3A_16 = arith.truncf %get3A_15 : vector<512x1024xf32> to vector<512x1024xbf16>
    %dot_general3A_17 = arith.constant dense<0.000000e+00> : vector<512x512xf32>
    %dot_general3A_18 = tpu.matmul %convert_element_type3A, %convert_element_type3A_16, %dot_general3A_17 {dimension_numbers = #tpu.dot_dimension_numbers<[1], [1], [0], [0], [0, 0, 1, 0], [], []>, transpose_lhs_hint = false} : vector<512x1024xbf16>, vector<512x1024xbf16>, vector<512x512xf32> -> vector<512x512xf32>
    %mul3A = arith.constant 5.000000e-01 : f32
    %mul3A_19 = vector.broadcast %mul3A : f32 to vector<512x512xf32>
    %mul3A_20 = arith.mulf %mul3A_19, %dot_general3A_10 : vector<512x512xf32>
    %mul3A_21 = arith.constant 0.707106769 : f32
    %mul3A_22 = vector.broadcast %mul3A_21 : f32 to vector<512x512xf32>
    %mul3A_23 = arith.mulf %dot_general3A_10, %mul3A_22 : vector<512x512xf32>
    %erf3A = math.erf %mul3A_23 : vector<512x512xf32>
    %add3A = arith.constant 1.000000e+00 : f32
    %add3A_24 = vector.broadcast %add3A : f32 to vector<512x512xf32>
    %add3A_25 = arith.addf %add3A_24, %erf3A : vector<512x512xf32>
    %mul3A_26 = arith.mulf %mul3A_20, %add3A_25 : vector<512x512xf32>
    %mul3A_27 = arith.mulf %mul3A_26, %dot_general3A_18 : vector<512x512xf32>
    %convert_element_type3A_28 = arith.truncf %mul3A_27 : vector<512x512xf32> to vector<512x512xbf16>
    %get3A_29 = arith.constant 0 : index
    %get3A_30 = arith.constant 0 : index
    %get3A_31 = arith.constant 0 : index
    %get3A_32 = vector.load %arg5[%get3A_29, %get3A_30, %get3A_31] : memref<1x1024x512xf32, #tpu.memory_space<vmem>>, vector<1x1024x512xf32>
    %get3A_33 = vector.shape_cast %get3A_32 : vector<1x1024x512xf32> to vector<1024x512xf32>
    %convert_element_type3A_34 = arith.truncf %get3A_33 : vector<1024x512xf32> to vector<1024x512xbf16>
    %dot_general3A_35 = arith.constant dense<0.000000e+00> : vector<512x1024xf32>
    %dot_general3A_36 = tpu.matmul %convert_element_type3A_28, %convert_element_type3A_34, %dot_general3A_35 {dimension_numbers = #tpu.dot_dimension_numbers<[1], [1], [0], [0], [0, 0, 1, 0], [], []>, transpose_lhs_hint = false} : vector<512x512xbf16>, vector<1024x512xbf16>, vector<512x1024xf32> -> vector<512x1024xf32>
    %eq3A = arith.constant 0 : i32
    %eq3A_37 = arith.cmpi eq, %arg1, %eq3A : i32
    %convert_element_type3A_38 = arith.extui %eq3A_37 : i1 to i32
    %cond3A = arith.constant 0 : i32
    %cond3A_39 = arith.cmpi ne, %convert_element_type3A_38, %cond3A : i32
    scf.if %cond3A_39 {
      %swap3A = arith.constant 0 : index
      %swap3A_49 = arith.constant 0 : index
      %swap3A_50 = arith.constant 0 : index
      %swap3A_51 = vector.load %arg7[%swap3A, %swap3A_49, %swap3A_50] : memref<1x512x1024xf32, #tpu.memory_space<vmem>>, vector<1x512x1024xf32>
      %swap3A_52 = vector.shape_cast %swap3A_51 : vector<1x512x1024xf32> to vector<512x1024xf32>
      %swap3A_53 = vector.shape_cast %dot_general3A_36 : vector<512x1024xf32> to vector<1x512x1024xf32>
      tpu.vector_store %arg7[%swap3A, %swap3A_49, %swap3A_50], %swap3A_53 {strides = array<i32>} : memref<1x512x1024xf32, #tpu.memory_space<vmem>>, vector<1x512x1024xf32>,
    } else {
    }
    %gt3A = arith.constant 0 : i32
    %gt3A_40 = arith.cmpi sgt, %arg1, %gt3A : i32
    %convert_element_type3A_41 = arith.extui %gt3A_40 : i1 to i32
    %cond3A_42 = arith.constant 0 : i32
    %cond3A_43 = arith.cmpi ne, %convert_element_type3A_41, %cond3A_42 : i32
    scf.if %cond3A_43 {
      %get3A_49 = arith.constant 0 : index
      %get3A_50 = arith.constant 0 : index
      %get3A_51 = arith.constant 0 : index
      %get3A_52 = vector.load %arg7[%get3A_49, %get3A_50, %get3A_51] : memref<1x512x1024xf32, #tpu.memory_space<vmem>>, vector<1x512x1024xf32>
      %get3A_53 = vector.shape_cast %get3A_52 : vector<1x512x1024xf32> to vector<512x1024xf32>
      %add3A_54 = arith.addf %get3A_53, %dot_general3A_36 : vector<512x1024xf32>
      %swap3A = arith.constant 0 : index
      %swap3A_55 = arith.constant 0 : index
      %swap3A_56 = arith.constant 0 : index
      %swap3A_57 = vector.load %arg7[%swap3A, %swap3A_55, %swap3A_56] : memref<1x512x1024xf32, #tpu.memory_space<vmem>>, vector<1x512x1024xf32>
      %swap3A_58 = vector.shape_cast %swap3A_57 : vector<1x512x1024xf32> to vector<512x1024xf32>
      %swap3A_59 = vector.shape_cast %add3A_54 : vector<512x1024xf32> to vector<1x512x1024xf32>
      tpu.vector_store %arg7[%swap3A, %swap3A_55, %swap3A_56], %swap3A_59 {strides = array<i32>} : memref<1x512x1024xf32, #tpu.memory_space<vmem>>, vector<1x512x1024xf32>,
    } else {
    }
    %eq3A_44 = arith.constant 7 : i32
    %eq3A_45 = arith.cmpi eq, %arg1, %eq3A_44 : i32
    %convert_element_type3A_46 = arith.extui %eq3A_45 : i1 to i32
    %cond3A_47 = arith.constant 0 : i32
    %cond3A_48 = arith.cmpi ne, %convert_element_type3A_46, %cond3A_47 : i32
    scf.if %cond3A_48 {
      %get3A_49 = arith.constant 0 : index
      %get3A_50 = arith.constant 0 : index
      %get3A_51 = arith.constant 0 : index
      %get3A_52 = vector.load %arg7[%get3A_49, %get3A_50, %get3A_51] : memref<1x512x1024xf32, #tpu.memory_space<vmem>>, vector<1x512x1024xf32>
      %get3A_53 = vector.shape_cast %get3A_52 : vector<1x512x1024xf32> to vector<512x1024xf32>
      %get3A_54 = arith.constant 0 : index
      %get3A_55 = arith.constant 0 : index
      %get3A_56 = arith.constant 0 : index
      %get3A_57 = vector.load %arg6[%get3A_54, %get3A_55, %get3A_56] : memref<1x1x512xf32, #tpu.memory_space<vmem>>, vector<1x1x512xf32>
      %get3A_58 = vector.shape_cast %get3A_57 : vector<1x1x512xf32> to vector<512xf32>
      %broadcast_in_dim3A = vector.shape_cast %get3A_58 : vector<512xf32> to vector<512x1xf32>
      %mul3A_59 = vector.broadcast %broadcast_in_dim3A : vector<512x1xf32> to vector<512x1024xf32>
      %mul3A_60 = arith.mulf %get3A_53, %mul3A_59 : vector<512x1024xf32>
      %swap3A = arith.constant 0 : index
      %swap3A_61 = arith.constant 0 : index
      %swap3A_62 = arith.constant 0 : index
      %swap3A_63 = vector.load %arg7[%swap3A, %swap3A_61, %swap3A_62] : memref<1x512x1024xf32, #tpu.memory_space<vmem>>, vector<1x512x1024xf32>
      %swap3A_64 = vector.shape_cast %swap3A_63 : vector<1x512x1024xf32> to vector<512x1024xf32>
      %swap3A_65 = vector.shape_cast %mul3A_60 : vector<512x1024xf32> to vector<1x512x1024xf32>
      tpu.vector_store %arg7[%swap3A, %swap3A_61, %swap3A_62], %swap3A_65 {strides = array<i32>} : memref<1x512x1024xf32, #tpu.memory_space<vmem>>, vector<1x512x1024xf32>,
    } else {
    }
    return
  }
  func.func @transform_0(%arg0: i32, %arg1: i32) -> (i32, i32, i32) {
    %c0_i32 = arith.constant 0 : i32
    %c0_i32_0 = arith.constant 0 : i32
    %c0_i32_1 = arith.constant 0 : i32
    return %arg0, %c0_i32, %c0_i32_0 : i32, i32, i32
  }
  func.func @transform_1(%arg0: i32, %arg1: i32) -> (i32, i32, i32) {
    %c0_i32 = arith.constant 0 : i32
    %c0_i32_0 = arith.constant 0 : i32
    return %arg0, %arg1, %c0_i32 : i32, i32, i32
  }
  func.func @transform_2(%arg0: i32, %arg1: i32) -> (i32, i32, i32) {
    %c0_i32 = arith.constant 0 : i32
    %c0_i32_0 = arith.constant 0 : i32
    return %arg0, %arg1, %c0_i32 : i32, i32, i32
  }
  func.func @transform_3(%arg0: i32, %arg1: i32) -> (i32, i32, i32) {
    %c0_i32 = arith.constant 0 : i32
    %c0_i32_0 = arith.constant 0 : i32
    return %arg0, %c0_i32, %arg1 : i32, i32, i32
  }
  func.func @transform_4(%arg0: i32, %arg1: i32) -> (i32, i32, i32) {
    %c0_i32 = arith.constant 0 : i32
    %c0_i32_0 = arith.constant 0 : i32
    %c0_i32_1 = arith.constant 0 : i32
    return %arg0, %c0_i32, %c0_i32_0 : i32, i32, i32
  }
  func.func @transform_5(%arg0: i32, %arg1: i32) -> (i32, i32, i32) {
    %c0_i32 = arith.constant 0 : i32
    %c0_i32_0 = arith.constant 0 : i32
    %c0_i32_1 = arith.constant 0 : i32
    return %arg0, %c0_i32, %c0_i32_0 : i32, i32, i32
  }
}

module attributes {stable_mosaic.version = 14 : i64} {
  func.func @_routing_body(%arg0: i32, %arg1: memref<4096x1024xf32, #tpu.memory_space<vmem>>, %arg2: memref<16x1024xf32, #tpu.memory_space<vmem>>, %arg3: memref<16x4096xf32, #tpu.memory_space<vmem>>, %arg4: memref<16x128xf32, #tpu.memory_space<vmem>>) attributes {dimension_semantics = [#tpu.dimension_semantics<arbitrary>], iteration_bounds = array<i64: 1>, scalar_prefetch = 0 : i64, scratch_operands = 0 : i64, tpu.core_type = #tpu.core_type<tc>, window_params = [{pipeline_mode = #tpu.pipeline_mode<synchronous>, transform_indices = @transform_0, window_bounds = array<i64: 4096, 1024>}, {pipeline_mode = #tpu.pipeline_mode<synchronous>, transform_indices = @transform_1, window_bounds = array<i64: 16, 1024>}, {pipeline_mode = #tpu.pipeline_mode<synchronous>, transform_indices = @transform_2, window_bounds = array<i64: 16, 4096>}, {pipeline_mode = #tpu.pipeline_mode<synchronous>, transform_indices = @transform_3, window_bounds = array<i64: 16, 128>}]} {
    %get3A = arith.constant 0 : index
    %get3A_0 = arith.constant 0 : index
    %get3A_1 = vector.load %arg2[%get3A, %get3A_0] : memref<16x1024xf32, #tpu.memory_space<vmem>>, vector<16x1024xf32>
    %get3A_2 = arith.constant 0 : index
    %get3A_3 = arith.constant 0 : index
    %get3A_4 = vector.load %arg1[%get3A_2, %get3A_3] : memref<4096x1024xf32, #tpu.memory_space<vmem>>, vector<4096x1024xf32>
    %dot_general3A = arith.constant dense<0.000000e+00> : vector<16x4096xf32>
    %dot_general3A_5 = tpu.matmul %get3A_1, %get3A_4, %dot_general3A {dimension_numbers = #tpu.dot_dimension_numbers<[1], [1], [0], [0], [0, 0, 1, 0], [], []>, transpose_lhs_hint = false} : vector<16x1024xf32>, vector<4096x1024xf32>, vector<16x4096xf32> -> vector<16x4096xf32>
    %reduce_max3A = arith.constant dense<0xFF800000> : vector<4096xf32>
    %reduce_max3A_6 = vector.multi_reduction <maximumf>, %dot_general3A_5, %reduce_max3A [0] : vector<16x4096xf32> to vector<4096xf32>
    %broadcast_in_dim3A = vector.shape_cast %reduce_max3A_6 : vector<4096xf32> to vector<1x4096xf32>
    %sub3A = vector.broadcast %broadcast_in_dim3A : vector<1x4096xf32> to vector<16x4096xf32>
    %sub3A_7 = arith.subf %dot_general3A_5, %sub3A : vector<16x4096xf32>
    %exp3A = math.exp %sub3A_7 : vector<16x4096xf32>
    %reduce_sum3A = arith.constant dense<0.000000e+00> : vector<4096xf32>
    %reduce_sum3A_8 = vector.multi_reduction <add>, %exp3A, %reduce_sum3A [0] : vector<16x4096xf32> to vector<4096xf32>
    %broadcast_in_dim3A_9 = vector.shape_cast %reduce_sum3A_8 : vector<4096xf32> to vector<1x4096xf32>
    %div3A = vector.broadcast %broadcast_in_dim3A_9 : vector<1x4096xf32> to vector<16x4096xf32>
    %div3A_10 = arith.divf %exp3A, %div3A : vector<16x4096xf32>
    %swap3A = arith.constant 0 : index
    %swap3A_11 = arith.constant 0 : index
    %swap3A_12 = vector.load %arg3[%swap3A, %swap3A_11] : memref<16x4096xf32, #tpu.memory_space<vmem>>, vector<16x4096xf32>
    tpu.vector_store %arg3[%swap3A, %swap3A_11], %div3A_10 {strides = array<i32>} : memref<16x4096xf32, #tpu.memory_space<vmem>>, vector<16x4096xf32>,
    %bitcast_convert_type3A = tpu.bitcast %div3A_10 : vector<16x4096xf32> -> vector<16x4096xi32>
    %broadcast_in_dim3A_13 = arith.constant 0 : i32
    %broadcast_in_dim3A_14 = vector.broadcast %broadcast_in_dim3A_13 : i32 to vector<16x1xi32>
    %broadcast_in_dim3A_15 = arith.constant 2139095040 : i32
    %broadcast_in_dim3A_16 = vector.broadcast %broadcast_in_dim3A_15 : i32 to vector<16x1xi32>
    %scan3A = arith.constant 0 : i32
    %scan3A_17 = arith.constant 31 : i32
    %scan3A_18 = arith.addi %scan3A, %scan3A_17 : i32
    %scan3A_19 = arith.constant 1 : i32
    %scan3A_20:2 = scf.for %scan3A_27 = %scan3A to %scan3A_18 step %scan3A_19 iter_args(%scan3A_28 = %broadcast_in_dim3A_14, %scan3A_29 = %broadcast_in_dim3A_16) -> (vector<16x1xi32>, vector<16x1xi32>)  : i32 {
      %add3A = arith.addi %scan3A_28, %scan3A_29 : vector<16x1xi32>
      %div3A_30 = arith.constant 2 : i32
      %div3A_31 = vector.broadcast %div3A_30 : i32 to vector<16x1xi32>
      %div3A_32 = arith.divsi %add3A, %div3A_31 : vector<16x1xi32>
      %ge3A = vector.broadcast %div3A_32 : vector<16x1xi32> to vector<16x4096xi32>
      %ge3A_33 = arith.cmpi sge, %bitcast_convert_type3A, %ge3A : vector<16x4096xi32>
      %convert_element_type3A = arith.extui %ge3A_33 : vector<16x4096xi1> to vector<16x4096xi32>
      %reduce_sum3A_34 = arith.constant dense<0> : vector<16xi32>
      %reduce_sum3A_35 = vector.multi_reduction <add>, %convert_element_type3A, %reduce_sum3A_34 [1] : vector<16x4096xi32> to vector<16xi32>
      %broadcast_in_dim3A_36 = vector.shape_cast %reduce_sum3A_35 : vector<16xi32> to vector<16x1xi32>
      %ge3A_37 = arith.constant 512 : i32
      %ge3A_38 = vector.broadcast %ge3A_37 : i32 to vector<16x1xi32>
      %ge3A_39 = arith.cmpi sge, %broadcast_in_dim3A_36, %ge3A_38 : vector<16x1xi32>
      %select_n3A = arith.select %ge3A_39, %div3A_32, %scan3A_28 : vector<16x1xi1>, vector<16x1xi32>
      %select_n3A_40 = arith.select %ge3A_39, %scan3A_29, %div3A_32 : vector<16x1xi1>, vector<16x1xi32>
      scf.yield %select_n3A, %select_n3A_40 : vector<16x1xi32>, vector<16x1xi32>
    }
    %bitcast_convert_type3A_21 = tpu.bitcast %scan3A_20#0 : vector<16x1xi32> -> vector<16x1xf32>
    %broadcast_in_dim3A_22 = vector.shape_cast %bitcast_convert_type3A_21 : vector<16x1xf32> to vector<16x1xf32>
    %broadcast_in_dim3A_23 = vector.broadcast %broadcast_in_dim3A_22 : vector<16x1xf32> to vector<16x128xf32>
    %swap3A_24 = arith.constant 0 : index
    %swap3A_25 = arith.constant 0 : index
    %swap3A_26 = vector.load %arg4[%swap3A_24, %swap3A_25] : memref<16x128xf32, #tpu.memory_space<vmem>>, vector<16x128xf32>
    tpu.vector_store %arg4[%swap3A_24, %swap3A_25], %broadcast_in_dim3A_23 {strides = array<i32>} : memref<16x128xf32, #tpu.memory_space<vmem>>, vector<16x128xf32>,
    return
  }
  func.func @transform_0(%arg0: i32) -> (i32, i32) {
    %c0_i32 = arith.constant 0 : i32
    %c0_i32_0 = arith.constant 0 : i32
    %c0_i32_1 = arith.constant 0 : i32
    return %c0_i32, %c0_i32_0 : i32, i32
  }
  func.func @transform_1(%arg0: i32) -> (i32, i32) {
    %c0_i32 = arith.constant 0 : i32
    %c0_i32_0 = arith.constant 0 : i32
    %c0_i32_1 = arith.constant 0 : i32
    return %c0_i32, %c0_i32_0 : i32, i32
  }
  func.func @transform_2(%arg0: i32) -> (i32, i32) {
    %c0_i32 = arith.constant 0 : i32
    %c0_i32_0 = arith.constant 0 : i32
    %c0_i32_1 = arith.constant 0 : i32
    return %c0_i32, %c0_i32_0 : i32, i32
  }
  func.func @transform_3(%arg0: i32) -> (i32, i32) {
    %c0_i32 = arith.constant 0 : i32
    %c0_i32_0 = arith.constant 0 : i32
    %c0_i32_1 = arith.constant 0 : i32
    return %c0_i32, %c0_i32_0 : i32, i32
  }
}

</mosaic_0001>

<sc_bundles>
// kernel: kernel.10.cloned.1.call-start
scs
__scs_entry_jumppad:
0x0: {  	(pc) =	sbr.rel $0x88, $3  }
0x1: {  	(tag) =	ssettag $0x0;
	lr =	simm.s32 $0x1  }
0x2: {  	[smem:$0x3F99] =	sst lr;
	_ =	strace $0xD0000000  }
0x3: {  	_ = 	snop  }
0x4: {  	_ = 	snop  }
0x5: {  	_ = 	snop  }
0x6: {  	_ = 	snop  }
0x7: {  	_ = 	snop  }
__scs_overlays_trampoline_lowered:
0x8: {  	[smem:$0x3FA8] =	sst s0  }
0x9: {  	[smem:$0x3FA9] =	sst s1  }
0xa: {  	[smem:$0x3FAA] =	sst s2  }
0xb: {  	[smem:$0x3FAB] =	sst s3  }
0xc: {  	[smem:$0x3FAC] =	sst s4  }
0xd: {  	[smem:$0x3FAD] =	sst s5  }
0xe: {  	[smem:$0x3FAE] =	sst s6  }
0xf: {  	[smem:$0x3FAF] =	sst s7  }
0x10: {  	[smem:$0x3FB0] =	sst s8  }
0x11: {  	[smem:$0x3FB1] =	sst s9;
	s0 =	simm.s32 @!p0 $0x0  }
0x12: {  	s1 =	sld [smem:$0x3F97];
	s0 =	simm.s32 @p0 $0x1  }
0x13: {  	[smem:$0x3FB2] =	sst s0;
	s0 =	simm.s32 @!p1 $0x0  }
0x14: {  	s2 =	sld [smem:$0x3F96];
	s0 =	simm.s32 @p1 $0x1  }
0x15: {  	[smem:$0x3FB3] =	sst s0;
	s0 =	simm.s32 @!p2 $0x0  }
0x16: {  	s3 =	sld [smem:$0x3FDB];
	s0 =	simm.s32 @p2 $0x1  }
0x17: {  	s4 =	simm.s32 $0x1BF5;
	[smem:$0x3FB5] =	sst s0  }
0x18: {  	s0 =	sld [smem:$0x3F98];
	_ =	swait.ge [sflag:s4], $0x0  }
0x19: {  	s7 =	sld [smem:$0x3F99]  }
0x1a: {  	s8 =	sadd.s32 $0xFFFFE003, lr  }
0x1b: {  	s9 =	sadd.s32 $0xFFFFFEF7, lr;
	s5 =	simm.s32 $0xFFFFFFFF;
	p2 =	slt.u32 s8, $0xFFFFF086  }
0x1c: {  	p1 =	slt.u32 s9, $0xF7A;
	s5 =	simm.s32 @!p2 $0x0  }
0x1d: {  	s5 =	simm.s32 @p1 $0x1;
	p0 =	seq.s32 s7, s2  }
0x1e: {  	s7 =	smul.u32 @!p0 $0xF7A, s2;
	p2 =	seq.s32 @!p0 s5, $0x0  }
0x1f: {  	s9 =	smul.u32 $0xF7A, s1;
	s8 =	simm.s32 @!p0 $0x1BF5;
	p2 =	por !p2, p0  }
0x20: {  	[sflag:s8] =	ssyncset.s32 @!p0 $0xFFFFF086;
	s6 =	sadd.s32 @!p0 s3, s7;
	s7 =	simm.s32 @!p0 $0x108  }
0x21: {  	s3 =	sadd.s32 s3, s9;
	s6 =	sadd.s32 @!p0 $0x88, s6;
	s7 =	simm.s32 @p2 $0x1082  }
0x22: {  	[simem:s7], [sflag:s8] =	dma.local @!p0 [hbm:s6], $0xF7A  }
0x23: {  	s9 =	sor.u32 $0xD0000000, s2;
	s6 =	simm.s32 $0x108;
	_ =	swait.ge @!p0 [sflag:s8], $0x0  }
0x24: {  	s3 =	sadd.s32 $0x88, s3;
	s6 =	simm.s32 @!p1 $0x1082;
	[sflag:s4] =	ssyncset.s32 $0xFFFFF086  }
0x25: {  	[simem:s6], [sflag:s4] =	dma.local [hbm:s3], $0xF7A  }
0x26: {  	[smem:$0x3F99] =	sst s1;
	(tag) =	ssettag s2;
	_ =	strace s9  }
0x27: {  	s1 =	sld [smem:$0x3FA9]  }
0x28: {  	s2 =	sld [smem:$0x3FAA]  }
0x29: {  	s4 =	sld [smem:$0x3FAC]  }
0x2a: {  	p0 =	seq.s32 s5, $0x0;
	s5 =	sld [smem:$0x3FAD]  }
0x2b: {  	s6 =	sld [smem:$0x3FAE]  }
0x2c: {  	s7 =	sld [smem:$0x3FAF]  }
0x2d: {  	s3 =	simm.s32 $0x108;
	s8 =	sld [smem:$0x3FB0]  }
0x2e: {  	s3 =	simm.s32 @!p0 $0x1082;
	s9 =	sld [smem:$0x3FB1]  }
0x2f: {  	lr =	sadd.s32 s0, s3;
	s0 =	sld [smem:$0x3FA8]  }
0x30: {  	s3 =	sld [smem:$0x3FAB]  }
0x31: {  	[smem:$0x3FB4] =	sst s10  }
0x32: {  	s10 =	sld [smem:$0x3FB2];
	_ =	sdelay $0x3  }
0x33: {  	p0 =	seq.s32 s10, $0x1;
	s10 =	sld [smem:$0x3FB4];
	_ =	sdelay $0x3  }
0x34: {  	[smem:$0x3FB4] =	sst s10  }
0x35: {  	s10 =	sld [smem:$0x3FB3];
	_ =	sdelay $0x3  }
0x36: {  	p1 =	seq.s32 s10, $0x1;
	s10 =	sld [smem:$0x3FB4];
	_ =	sdelay $0x3  }
0x37: {  	[smem:$0x3FB4] =	sst s10  }
0x38: {  	s10 =	sld [smem:$0x3FB5]  }
0x39: {  	_ = 	snop;
	(pc) =	sbr.ind lr, $3  }
0x3a: {  	_ = 	snop  }
0x3b: {  	_ = 	snop  }
0x3c: {  	p2 =	seq.s32 s10, $0x1;
	s10 =	sld [smem:$0x3FB4]  }
0x3d: {  	_ =	shalt  }
0x3e: {  	_ =	shalt  }
0x3f: {  	_ =	shalt  }
0x40: {  	_ =	shalt  }
0x41: {  	_ =	shalt  }
0x42: {  	_ =	shalt  }
0x43: {  	_ =	shalt  }
0x44: {  	_ =	shalt  }
0x45: {  	_ =	shalt  }
0x46: {  	_ =	shalt  }
0x47: {  	_ =	shalt  }
0x48: {  	_ =	shalt  }
0x49: {  	_ =	shalt  }
0x4a: {  	_ =	shalt  }
0x4b: {  	_ =	shalt  }
0x4c: {  	_ =	shalt  }
0x4d: {  	_ =	shalt  }
0x4e: {  	_ =	shalt  }
0x4f: {  	_ =	shalt  }
0x50: {  	_ =	shalt  }
0x51: {  	_ =	shalt  }
0x52: {  	_ =	shalt  }
0x53: {  	_ =	shalt  }
0x54: {  	_ =	shalt  }
0x55: {  	_ =	shalt  }
0x56: {  	_ =	shalt  }
0x57: {  	_ =	shalt  }
0x58: {  	_ =	shalt  }
0x59: {  	_ =	shalt  }
0x5a: {  	_ =	shalt  }
0x5b: {  	_ =	shalt  }
0x5c: {  	_ =	shalt  }
0x5d: {  	_ =	shalt  }
0x5e: {  	_ =	shalt  }
0x5f: {  	_ =	shalt  }
0x60: {  	_ =	shalt  }
0x61: {  	_ =	shalt  }
0x62: {  	_ =	shalt  }
0x63: {  	_ =	shalt  }
0x64: {  	_ =	shalt  }
0x65: {  	_ =	shalt  }
0x66: {  	_ =	shalt  }
0x67: {  	_ =	shalt  }
0x68: {  	_ =	shalt  }
0x69: {  	_ =	shalt  }
0x6a: {  	_ =	shalt  }
0x6b: {  	_ =	shalt  }
0x6c: {  	_ =	shalt  }
0x6d: {  	_ =	shalt  }
0x6e: {  	_ =	shalt  }
0x6f: {  	_ =	shalt  }
0x70: {  	_ =	shalt  }
0x71: {  	_ =	shalt  }
0x72: {  	_ =	shalt  }
0x73: {  	_ =	shalt  }
0x74: {  	_ =	shalt  }
0x75: {  	_ =	shalt  }
0x76: {  	_ =	shalt  }
0x77: {  	_ =	shalt  }
0x78: {  	_ =	shalt  }
0x79: {  	_ =	shalt  }
0x7a: {  	_ =	shalt  }
0x7b: {  	_ =	shalt  }
0x7c: {  	_ =	shalt  }
0x7d: {  	_ =	shalt  }
0x7e: {  	_ =	shalt  }
0x7f: {  	_ =	shalt  }
0x80: {  	_ =	shalt  }
0x81: {  	_ =	shalt  }
0x82: {  	_ =	shalt  }
0x83: {  	_ =	shalt  }
0x84: {  	_ =	shalt  }
0x85: {  	_ =	shalt  }
0x86: {  	_ =	shalt  }
0x87: {  	_ =	shalt  }
.Lfunc_end0:
.L_simem_size_0:
called_computation.2_lowered:
.L_overlay_start_0:
0x88: {  	s2 =	sld [smem:$0x3FD9]  }
0x89: {  	s3 =	sld [smem:$0x3FFE];
	_ =	sdelay $0x1  }
0x8a: {  	s1 =	srdreg.scid  }
0x8b: {  	s0 =	sand.u32 $0x1, s1  }
0x8c: {  	s17 =	sshll.u32 s0, $0xA;
	s2 =	sadd.s32 s3, s2  }
0x8d: {  	s2 =	sadd.s32 s2, s17  }
0x8e: {  	[smem:$0x3FC0] =	sst s2  }
0x8f: {  	_ = 	snop  }
0x90: {  	s2 =	sld [smem:$0x3FD0];
	(tm) =	ssettm $0x1  }
0x91: {  	s18 =	sld [smem:$0x3FFB];
	_ =	sdelay $0x3  }
0x92: {  	_ =	strace s18  }
0x93: {  	s3 =	sld [smem:$0x3FFC];
	_ =	sdelay $0x3  }
0x94: {  	_ =	strace s3  }
0x95: {  	s3 =	sld [smem:$0x3FFD];
	_ =	sdelay $0x3  }
0x96: {  	_ =	strace s3  }
0x97: {  	_ =	strace $0x8FFFFFFF  }
0x98: {  	s19 =	sld [smem:$0x3FDB];
	_ =	sdelay $0x1  }
0x99: {  	s4 =	simm.s32 $_scs_section_size  }
0x9a: {  	s5 =	simm.s32 $_size__tile_overlayer_lowered;
	s6 =	simm.s32 $_tile_overlayer_lowered  }
0x9b: {  	s22 =	simm.s32 $0x1BFF;
	s21 =	sshll.u32 s6, $0x1;
	s3 =	sadd.s32 s4, s19  }
0x9c: {  	s7 =	simm.s32 $0x0;
	s20 =	sshll.u32 s5, $0x1;
	s5 =	sadd.s32 s21, s3  }
0x9d: {  	[timem:s7], [sflag:s22] =	dma.local [hbm:s5], s20  }
0x9e: {  	_ =	swait.ge [sflag:s22], s20  }
0x9f: {  	s4 =	ssub.s32 $0x0, s20;
	[sflag:s22] =	ssyncset.done $0x0  }
0xa0: {  	[sflag:s22] =	ssyncadd.s32 s4;
	_ =	sdelay $0x1  }
0xa1: {  	s23 =	simm.s32 $0x1B8B  }
0xa2: {  	_ =	swait.ge [sflag:s23], $0x1  }
0xa3: {  	[sflag:s23] =	ssyncset.done $0x0  }
0xa4: {  	s25 =	simm.s32 $0x1B8E;
	s24 =	sld [smem:$0x3FFE];
	[sflag:s23] =	ssyncadd.s32 $0xFFFFFFFF  }
0xa5: {  	s26 =	simm.s32 $execute0_lowered;
	[smem:$0x3FD2] =	sst s25  }
0xa6: {  	s5 =	sshll.u32 s26, $0x1;
	_ =	strace $0x8000004C;
	[dreg:$0x1] =	wrdreg $0xFFFFFFFF  }
0xa7: {  	s28 =	simm.s32 $_size_execute0_lowered;
	s3 =	sadd.s32 s3, s5;
	[dreg:$0x0] =	wrdreg $0x0  }
0xa8: {  	s5 =	sshll.u32 s28, $0x1;
	[dreg:$0x2] =	wrdreg s3  }
0xa9: {  	[dreg:$0x3] =	wrdreg s5  }
0xaa: {  	[dreg:$0x4] =	wrdreg $0xC0  }
0xab: {  	_ =	task [dreg:s7], $0x5FFFF  }
0xac: {  	[dreg:$0x1] =	wrdreg $0xFFFFFFFF  }
0xad: {  	[dreg:$0x0] =	wrdreg $0x60  }
0xae: {  	[dreg:$0x2] =	wrdreg s24  }
0xaf: {  	[dreg:$0x3] =	wrdreg s2  }
0xb0: {  	[dreg:$0x4] =	wrdreg $0x0  }
0xb1: {  	[dreg:$0x5] =	wrdreg $0x9  }
0xb2: {  	_ =	task.clear_ibuf [dreg:s7], $0x6FFFF;
	_ =	strace $0x9000004C  }
0xb3: {  	s29 =	simm.s32 $0x9;
	_ =	strace $0x8000004E  }
0xb4: {  	_ =	swait.ge [sflag:s29], $0x1  }
0xb5: {  	[sflag:s29] =	ssyncadd.s32 $0xFFFFFFFF  }
0xb6: {  	_ =	strace $0x9000004E  }
0xb7: {  	_ =	sfence  }
0xb8: {  	s30 =	sld [smem:$0x0];
	_ =	sdelay $0x2  }
0xb9: {  	s31 =	sshll.u32 s1, $0xD;
	s1 =	sshrl.u32 s1, $0x2  }
0xba: {  	s3 =	sand.u32 $0x4000, s31;
	s1 =	sadd.s32 s1, s30  }
0xbb: {  	s0 =	sor.u32 s3, s0;
	s1 =	sshll.u32 s1, $0x11  }
0xbc: {  	s0 =	sor.u32 s1, s0  }
0xbd: {  	s0 =	sadd.s32 $0x8F2B, s0  }
0xbe: {  	[sflag:s0] =	ssyncadd.remote.s32 $0x1  }
0xbf: {  	_ =	sfence.sel $0xFFFF  }
0xc0: {  	[dreg:$0x0] =	wrdreg $0xFFFFFFFF;
	(pc) =	sbr.abs _section_cstart, $3  }
0xc1: {  	[dreg:$0x1] =	wrdreg $0xFFFFFFFF  }
0xc2: {  	_ =	task.clear_ibuf [dreg:s7], $0x2FFFF;
	_ =	strace $0x9FFFFFFF  }
0xc3: {  	(tm) =	ssettm $0x7FFFFFFF  }
tec
execute0_lowered:
.L_overlay_start_1:
0x0: {  	(tag) =	ssettag $0x1  }
0x1: {  	s0 =	rddreg [dreg:$0x0]  }
0x2: {  	s4 =	rddreg [dreg:$0x1]  }
0x3: {  	s1 =	rddreg [dreg:$0x2]  }
0x4: {  	s2 =	simm.s32 $0x0;
	s3 =	srdreg.scid;
	s9 =	stileid.u32  }
0x5: {  	[smem:$0x7FF] =	sst s2;
	s24 =	sadd.s32 $0x202A00, s0;
	s29 =	sadd.s32 $0x2000, s0  }
0x6: {  	s31 =	sadd.s32 $0x102000, s0;
	s13 =	sand.u32 $0x1, s3;
	s10 =	sshll.u32 s9, $0x6  }
0x7: {  	s3 =	sshll.u32 s9, $0x12;
	s25 =	sshll.u32 s9, $0x13;
	_ =	strace $0x8000004D  }
0x8: {  	[dreg:$0x11] =	wrdreg s13;
	s0 =	sshll.u32 s13, $0x9;
	s4 =	sadd.s32 s4, s10  }
0x9: {  	s26 =	sor.u32 $0x20000, s25;
	s28 =	sor.u32 $0x40000, s25;
	s30 =	sor.u32 $0x60000, s25  }
0xa: {  	s10 =	sor.u32 $0x1C03, s10;
	s5 =	sor.u32 s0, s3;
	[dreg:$0x4] =	wrdreg s4  }
0xb: {  	s15 =	sor.u32 s0, s25;
	s16 =	sor.u32 s0, s26;
	s18 =	sor.u32 s0, s28  }
0xc: {  	s20 =	sor.u32 s0, s30;
	s7 =	sor.u32 $0x80, s0;
	s14 =	sshrl.u32 s5, $0x3  }
0xd: {  	s5 =	sshrl.u32 s15, $0x3;
	s17 =	sshrl.u32 s16, $0x3;
	s19 =	sshrl.u32 s18, $0x3  }
0xe: {  	s22 =	sor.u32 s3, s7;
	s18 =	rddreg [dreg:$0x4];
	s6 =	sadd.s32 s24, s14  }
0xf: {  	s8 =	sor.u32 s25, s7;
	s5 =	sadd.s32 s29, s5;
	[dreg:$0x5] =	wrdreg s6  }
0x10: {  	s12 =	sor.u32 s7, s26;
	s4 =	sadd.s32 s31, s14;
	[dreg:$0x6] =	wrdreg s5  }
0x11: {  	s11 =	sshrl.u32 s8, $0x3;
	s5 =	sadd.s32 s29, s17;
	[dreg:$0xa] =	wrdreg s4  }
0x12: {  	s23 =	sshrl.u32 s22, $0x3;
	s4 =	sadd.s32 s29, s11;
	[dreg:$0x7] =	wrdreg s5  }
0x13: {  	s6 =	sshrl.u32 s20, $0x3;
	s20 =	sadd.s32 s31, s23;
	[dreg:$0xc] =	wrdreg s4  }
0x14: {  	s16 =	sor.u32 s7, s30;
	s5 =	sadd.s32 s29, s19;
	[dreg:$0x10] =	wrdreg s20  }
0x15: {  	s8 =	sor.u32 s7, s28;
	s21 =	sadd.s32 s29, s6;
	[dreg:$0x8] =	wrdreg s5  }
0x16: {  	s14 =	sshrl.u32 s8, $0x3;
	s6 =	sadd.s32 s24, s23;
	[dreg:$0x9] =	wrdreg s21  }
0x17: {  	s17 =	sshrl.u32 s16, $0x3;
	s15 =	sadd.s32 s29, s14;
	[dreg:$0xb] =	wrdreg s6  }
0x18: {  	s4 =	sadd.s32 s29, s17;
	s6 =	sshrl.u32 s12, $0x3;
	[dreg:$0xe] =	wrdreg s15  }
0x19: {  	[dreg:$0xf] =	wrdreg s4;
	s4 =	simm.s32 $0x10000;
	s13 =	sadd.s32 s29, s6  }
0x1a: {  	[tilespmem:s4], [sflag:$0x3] =	stream.linear.gather [hbm4b:s18+s2], $0x200, $0x38;
	[tilespmem:$0x10200] =	vst v63  }
0x1b: {  	s7 =	simm.s32 $0x1;
	s5 =	simm.s32 $0x3;
	[dreg:$0xd] =	wrdreg s13  }
0x1c: {  	s8 =	simm.s32 $0x10;
	s19 =	sshll.u32 s9, $0xF;
	_ =	swait.ge [sflag:s5], $0x200  }
0x1d: {  	s9 =	simm.s32 $0x80;
	s21 =	sadd.s32 s19, s1;
	[sflag:s5] =	ssyncset.done $0x0  }
0x1e: {  	s6 =	sshrl.u32 s21, $0x3;
	s11 =	rddreg [dreg:$0x5];
	[sflag:s5] =	ssyncadd.s32 $0xFFFFFE00  }
0x1f: {  	[spmem:s6@s8], [sflag:s10] =	dma.strided [hbm:s11@s9], $0x1000, s7, $0x10   }
0x20: {  	_ =	swait.ge [sflag:s5], $0x1000  }
0x21: {  	[sflag:s5] =	ssyncset.done $0x0  }
0x22: {  	[sflag:s5] =	ssyncadd.s32 $0xFFFFF000  }
0x23: {  	[bflag:$0x0] =	sbarrier.arrive $0xFFFF  }
0x24: {  	s12 =	simm.s32 $0x8000;
	s11 =	simm.s32 $0x400;
	s13 =	rddreg [dreg:$0x6]  }
0x25: {  	[tilespmem:s12], [sflag:$0x1] =	stream.strided.gather [hbm4b:s13+s9], $0x4000, s11, s9, $0x38;
	[tilespmem:$0x10200] =	vst v63  }
0x26: {  	_ =	swait.ge [sflag:s7], $0x4000  }
0x27: {  	[sflag:s7] =	ssyncset.done $0x0  }
0x28: {  	s13 =	simm.s32 $0xC000;
	s14 =	rddreg [dreg:$0x7];
	[sflag:s7] =	ssyncadd.s32 $0xFFFFC000  }
0x29: {  	[tilespmem:s13], [sflag:$0x2] =	stream.strided.gather [hbm4b:s14+s9], $0x4000, s11, s9, $0x38;
	[tilespmem:$0x10200] =	vst v63  }
0x2a: {  	_ = 	snop  }
0x2b: {  	[spmem:s1] =	stream.indirect.scatter.add.f32 [tilespmem:s12], [sflag:$0x3], $0x80, s4, s9, $0xb8;
	[tilespmem:$0x10200] =	vst v63  }
0x2c: {  	_ =	swait.ge [sflag:s5], $0x4000  }
0x2d: {  	[sflag:s5] =	ssyncset.done $0x0  }
0x2e: {  	s14 =	simm.s32 $0x2;
	[sflag:s5] =	ssyncadd.s32 $0xFFFFC000  }
0x2f: {  	_ =	swait.ge [sflag:s14], $0x4000  }
0x30: {  	[sflag:s14] =	ssyncset.done $0x0  }
0x31: {  	s15 =	rddreg [dreg:$0x8];
	[sflag:s14] =	ssyncadd.s32 $0xFFFFC000  }
0x32: {  	[tilespmem:s12], [sflag:$0x1] =	stream.strided.gather [hbm4b:s15+s9], $0x4000, s11, s9, $0x38;
	[tilespmem:$0x10200] =	vst v63  }
0x33: {  	s15 =	simm.s32 $0x10080  }
0x34: {  	[spmem:s1] =	stream.indirect.scatter.add.f32 [tilespmem:s13], [sflag:$0x3], $0x80, s15, s9, $0xb8;
	[tilespmem:$0x10200] =	vst v63  }
0x35: {  	_ =	swait.ge [sflag:s5], $0x4000  }
0x36: {  	[sflag:s5] =	ssyncset.done $0x0  }
0x37: {  	[sflag:s5] =	ssyncadd.s32 $0xFFFFC000  }
0x38: {  	_ =	swait.ge [sflag:s7], $0x4000  }
0x39: {  	[sflag:s7] =	ssyncset.done $0x0  }
0x3a: {  	s16 =	rddreg [dreg:$0x9];
	[sflag:s7] =	ssyncadd.s32 $0xFFFFC000  }
0x3b: {  	[tilespmem:s13], [sflag:$0x2] =	stream.strided.gather [hbm4b:s16+s9], $0x4000, s11, s9, $0x38;
	[tilespmem:$0x10200] =	vst v63  }
0x3c: {  	s16 =	simm.s32 $0x10100  }
0x3d: {  	[spmem:s1] =	stream.indirect.scatter.add.f32 [tilespmem:s12], [sflag:$0x3], $0x80, s16, s9, $0xb8;
	[tilespmem:$0x10200] =	vst v63  }
0x3e: {  	_ =	swait.ge [sflag:s5], $0x4000  }
0x3f: {  	[sflag:s5] =	ssyncset.done $0x0  }
0x40: {  	[sflag:s5] =	ssyncadd.s32 $0xFFFFC000  }
0x41: {  	_ =	swait.ge [sflag:s14], $0x4000  }
0x42: {  	[sflag:s14] =	ssyncset.done $0x0  }
0x43: {  	s17 =	simm.s32 $0x10180;
	[sflag:s14] =	ssyncadd.s32 $0xFFFFC000  }
0x44: {  	[spmem:s1] =	stream.indirect.scatter.add.f32 [tilespmem:s13], [sflag:$0x3], $0x80, s17, s9, $0xb8;
	[tilespmem:$0x10200] =	vst v63  }
0x45: {  	_ =	swait.ge [sflag:s5], $0x4000  }
0x46: {  	[sflag:s5] =	ssyncset.done $0x0  }
0x47: {  	[sflag:s5] =	ssyncadd.s32 $0xFFFFC000  }
0x48: {  	[bflag:$0x0] =	sbarrier.arrive $0xFFFF  }
0x49: {  	s18 =	rddreg [dreg:$0xa]  }
0x4a: {  	[hbm:s18@s9], [sflag:s10] =	dma.strided [spmem:s6@s8], $0x1000, s7, $0x10   }
0x4b: {  	_ =	swait.ge [sflag:s5], $0x1000  }
0x4c: {  	[sflag:s5] =	ssyncset.done $0x0  }
0x4d: {  	[sflag:s5] =	ssyncadd.s32 $0xFFFFF000  }
0x4e: {  	[bflag:$0x0] =	sbarrier.arrive $0xFFFF  }
0x4f: {  	s22 =	rddreg [dreg:$0xb]  }
0x50: {  	[spmem:s6@s8], [sflag:s10] =	dma.strided [hbm:s22@s9], $0x1000, s7, $0x10   }
0x51: {  	_ =	swait.ge [sflag:s5], $0x1000  }
0x52: {  	[sflag:s5] =	ssyncset.done $0x0  }
0x53: {  	[sflag:s5] =	ssyncadd.s32 $0xFFFFF000  }
0x54: {  	[bflag:$0x0] =	sbarrier.arrive $0xFFFF  }
0x55: {  	s23 =	rddreg [dreg:$0xc]  }
0x56: {  	[tilespmem:s12], [sflag:$0x1] =	stream.strided.gather [hbm4b:s23+s9], $0x4000, s11, s9, $0x38;
	[tilespmem:$0x10200] =	vst v63  }
0x57: {  	_ =	swait.ge [sflag:s7], $0x4000  }
0x58: {  	[sflag:s7] =	ssyncset.done $0x0  }
0x59: {  	s19 =	rddreg [dreg:$0xd];
	[sflag:s7] =	ssyncadd.s32 $0xFFFFC000  }
0x5a: {  	[tilespmem:s13], [sflag:$0x2] =	stream.strided.gather [hbm4b:s19+s9], $0x4000, s11, s9, $0x38;
	[tilespmem:$0x10200] =	vst v63  }
0x5b: {  	_ = 	snop  }
0x5c: {  	[spmem:s1] =	stream.indirect.scatter.add.f32 [tilespmem:s12], [sflag:$0x3], $0x80, s4, s9, $0xb8;
	[tilespmem:$0x10200] =	vst v63  }
0x5d: {  	_ =	swait.ge [sflag:s5], $0x4000  }
0x5e: {  	[sflag:s5] =	ssyncset.done $0x0  }
0x5f: {  	[sflag:s5] =	ssyncadd.s32 $0xFFFFC000  }
0x60: {  	_ =	swait.ge [sflag:s14], $0x4000  }
0x61: {  	[sflag:s14] =	ssyncset.done $0x0  }
0x62: {  	s20 =	rddreg [dreg:$0xe];
	[sflag:s14] =	ssyncadd.s32 $0xFFFFC000  }
0x63: {  	[tilespmem:s12], [sflag:$0x1] =	stream.strided.gather [hbm4b:s20+s9], $0x4000, s11, s9, $0x38;
	[tilespmem:$0x10200] =	vst v63  }
0x64: {  	_ = 	snop  }
0x65: {  	[spmem:s1] =	stream.indirect.scatter.add.f32 [tilespmem:s13], [sflag:$0x3], $0x80, s15, s9, $0xb8;
	[tilespmem:$0x10200] =	vst v63  }
0x66: {  	_ =	swait.ge [sflag:s5], $0x4000  }
0x67: {  	[sflag:s5] =	ssyncset.done $0x0  }
0x68: {  	[sflag:s5] =	ssyncadd.s32 $0xFFFFC000  }
0x69: {  	_ =	swait.ge [sflag:s7], $0x4000  }
0x6a: {  	[sflag:s7] =	ssyncset.done $0x0  }
0x6b: {  	s21 =	rddreg [dreg:$0xf];
	[sflag:s7] =	ssyncadd.s32 $0xFFFFC000  }
0x6c: {  	[tilespmem:s13], [sflag:$0x2] =	stream.strided.gather [hbm4b:s21+s9], $0x4000, s11, s9, $0x38;
	[tilespmem:$0x10200] =	vst v63  }
0x6d: {  	_ = 	snop  }
0x6e: {  	[spmem:s1] =	stream.indirect.scatter.add.f32 [tilespmem:s12], [sflag:$0x3], $0x80, s16, s9, $0xb8;
	[tilespmem:$0x10200] =	vst v63  }
0x6f: {  	_ =	swait.ge [sflag:s5], $0x4000  }
0x70: {  	[sflag:s5] =	ssyncset.done $0x0  }
0x71: {  	[sflag:s5] =	ssyncadd.s32 $0xFFFFC000  }
0x72: {  	_ =	swait.ge [sflag:s14], $0x4000  }
0x73: {  	[sflag:s14] =	ssyncset.done $0x0  }
0x74: {  	[sflag:s14] =	ssyncadd.s32 $0xFFFFC000  }
0x75: {  	[spmem:s1] =	stream.indirect.scatter.add.f32 [tilespmem:s13], [sflag:$0x3], $0x80, s17, s9, $0xb8;
	[tilespmem:$0x10200] =	vst v63  }
0x76: {  	_ =	swait.ge [sflag:s5], $0x4000  }
0x77: {  	[sflag:s5] =	ssyncset.done $0x0  }
0x78: {  	[sflag:s5] =	ssyncadd.s32 $0xFFFFC000  }
0x79: {  	[bflag:$0x0] =	sbarrier.arrive $0xFFFF  }
0x7a: {  	s22 =	rddreg [dreg:$0x10]  }
0x7b: {  	[hbm:s22@s9], [sflag:s10] =	dma.strided [spmem:s6@s8], $0x1000, s7, $0x10   }
0x7c: {  	s22 =	sor.u32 $0x100, s0;
	_ =	swait.ge [sflag:s5], $0x1000  }
0x7d: {  	s23 =	sor.u32 s3, s22;
	[sflag:s5] =	ssyncset.done $0x0  }
0x7e: {  	s23 =	sshrl.u32 s23, $0x3;
	[sflag:s5] =	ssyncadd.s32 $0xFFFFF000  }
0x7f: {  	s18 =	sadd.s32 s24, s23;
	[bflag:$0x0] =	sbarrier.arrive $0xFFFF  }
0x80: {  	[spmem:s6@s8], [sflag:s10] =	dma.strided [hbm:s18@s9], $0x1000, s7, $0x10   }
0x81: {  	_ =	swait.ge [sflag:s5], $0x1000  }
0x82: {  	s19 =	sor.u32 s25, s22;
	[sflag:s5] =	ssyncset.done $0x0  }
0x83: {  	s19 =	sshrl.u32 s19, $0x3;
	[sflag:s5] =	ssyncadd.s32 $0xFFFFF000  }
0x84: {  	s19 =	sadd.s32 s29, s19;
	[bflag:$0x0] =	sbarrier.arrive $0xFFFF  }
0x85: {  	[tilespmem:s12], [sflag:$0x1] =	stream.strided.gather [hbm4b:s19+s9], $0x4000, s11, s9, $0x38;
	[tilespmem:$0x10200] =	vst v63  }
0x86: {  	s20 =	sor.u32 s22, s26;
	_ =	swait.ge [sflag:s7], $0x4000  }
0x87: {  	s20 =	sshrl.u32 s20, $0x3;
	[sflag:s7] =	ssyncset.done $0x0  }
0x88: {  	s20 =	sadd.s32 s29, s20;
	[sflag:s7] =	ssyncadd.s32 $0xFFFFC000  }
0x89: {  	[tilespmem:s13], [sflag:$0x2] =	stream.strided.gather [hbm4b:s20+s9], $0x4000, s11, s9, $0x38;
	[tilespmem:$0x10200] =	vst v63  }
0x8a: {  	_ = 	snop  }
0x8b: {  	[spmem:s1] =	stream.indirect.scatter.add.f32 [tilespmem:s12], [sflag:$0x3], $0x80, s4, s9, $0xb8;
	[tilespmem:$0x10200] =	vst v63  }
0x8c: {  	_ =	swait.ge [sflag:s5], $0x4000  }
0x8d: {  	[sflag:s5] =	ssyncset.done $0x0  }
0x8e: {  	[sflag:s5] =	ssyncadd.s32 $0xFFFFC000  }
0x8f: {  	s21 =	sor.u32 s22, s28;
	_ =	swait.ge [sflag:s14], $0x4000  }
0x90: {  	s21 =	sshrl.u32 s21, $0x3;
	[sflag:s14] =	ssyncset.done $0x0  }
0x91: {  	s21 =	sadd.s32 s29, s21;
	[sflag:s14] =	ssyncadd.s32 $0xFFFFC000  }
0x92: {  	[tilespmem:s12], [sflag:$0x1] =	stream.strided.gather [hbm4b:s21+s9], $0x4000, s11, s9, $0x38;
	[tilespmem:$0x10200] =	vst v63  }
0x93: {  	_ = 	snop  }
0x94: {  	[spmem:s1] =	stream.indirect.scatter.add.f32 [tilespmem:s13], [sflag:$0x3], $0x80, s15, s9, $0xb8;
	[tilespmem:$0x10200] =	vst v63  }
0x95: {  	_ =	swait.ge [sflag:s5], $0x4000  }
0x96: {  	[sflag:s5] =	ssyncset.done $0x0  }
0x97: {  	[sflag:s5] =	ssyncadd.s32 $0xFFFFC000  }
0x98: {  	s22 =	sor.u32 s22, s30;
	_ =	swait.ge [sflag:s7], $0x4000  }
0x99: {  	s22 =	sshrl.u32 s22, $0x3;
	[sflag:s7] =	ssyncset.done $0x0  }
0x9a: {  	s22 =	sadd.s32 s29, s22;
	[sflag:s7] =	ssyncadd.s32 $0xFFFFC000  }
0x9b: {  	[tilespmem:s13], [sflag:$0x2] =	stream.strided.gather [hbm4b:s22+s9], $0x4000, s11, s9, $0x38;
	[tilespmem:$0x10200] =	vst v63  }
0x9c: {  	_ = 	snop  }
0x9d: {  	[spmem:s1] =	stream.indirect.scatter.add.f32 [tilespmem:s12], [sflag:$0x3], $0x80, s16, s9, $0xb8;
	[tilespmem:$0x10200] =	vst v63  }
0x9e: {  	_ =	swait.ge [sflag:s5], $0x4000  }
0x9f: {  	[sflag:s5] =	ssyncset.done $0x0  }
0xa0: {  	[sflag:s5] =	ssyncadd.s32 $0xFFFFC000  }
0xa1: {  	_ =	swait.ge [sflag:s14], $0x4000  }
0xa2: {  	[sflag:s14] =	ssyncset.done $0x0  }
0xa3: {  	[sflag:s14] =	ssyncadd.s32 $0xFFFFC000  }
0xa4: {  	[spmem:s1] =	stream.indirect.scatter.add.f32 [tilespmem:s13], [sflag:$0x3], $0x80, s17, s9, $0xb8;
	[tilespmem:$0x10200] =	vst v63  }
0xa5: {  	_ =	swait.ge [sflag:s5], $0x4000  }
0xa6: {  	[sflag:s5] =	ssyncset.done $0x0  }
0xa7: {  	[sflag:s5] =	ssyncadd.s32 $0xFFFFC000  }
0xa8: {  	s23 =	sadd.s32 s31, s23;
	[bflag:$0x0] =	sbarrier.arrive $0xFFFF  }
0xa9: {  	[hbm:s23@s9], [sflag:s10] =	dma.strided [spmem:s6@s8], $0x1000, s7, $0x10   }
0xaa: {  	s0 =	sor.u32 $0x180, s0;
	_ =	swait.ge [sflag:s5], $0x1000  }
0xab: {  	s3 =	sor.u32 s3, s0;
	[sflag:s5] =	ssyncset.done $0x0  }
0xac: {  	s3 =	sshrl.u32 s3, $0x3;
	[sflag:s5] =	ssyncadd.s32 $0xFFFFF000  }
0xad: {  	s24 =	sadd.s32 s24, s3;
	[bflag:$0x0] =	sbarrier.arrive $0xFFFF  }
0xae: {  	[spmem:s6@s8], [sflag:s10] =	dma.strided [hbm:s24@s9], $0x1000, s7, $0x10   }
0xaf: {  	_ =	swait.ge [sflag:s5], $0x1000  }
0xb0: {  	s25 =	sor.u32 s25, s0;
	[sflag:s5] =	ssyncset.done $0x0  }
0xb1: {  	s25 =	sshrl.u32 s25, $0x3;
	[sflag:s5] =	ssyncadd.s32 $0xFFFFF000  }
0xb2: {  	s25 =	sadd.s32 s29, s25;
	[bflag:$0x0] =	sbarrier.arrive $0xFFFF  }
0xb3: {  	[tilespmem:s12], [sflag:$0x1] =	stream.strided.gather [hbm4b:s25+s9], $0x4000, s11, s9, $0x38;
	[tilespmem:$0x10200] =	vst v63  }
0xb4: {  	s26 =	sor.u32 s0, s26;
	_ =	swait.ge [sflag:s7], $0x4000  }
0xb5: {  	s26 =	sshrl.u32 s26, $0x3;
	[sflag:s7] =	ssyncset.done $0x0  }
0xb6: {  	s26 =	sadd.s32 s29, s26;
	[sflag:s7] =	ssyncadd.s32 $0xFFFFC000  }
0xb7: {  	[tilespmem:s13], [sflag:$0x2] =	stream.strided.gather [hbm4b:s26+s9], $0x4000, s11, s9, $0x38;
	[tilespmem:$0x10200] =	vst v63  }
0xb8: {  	_ = 	snop  }
0xb9: {  	[spmem:s1] =	stream.indirect.scatter.add.f32 [tilespmem:s12], [sflag:$0x3], $0x80, s4, s9, $0xb8;
	[tilespmem:$0x10200] =	vst v63  }
0xba: {  	_ =	swait.ge [sflag:s5], $0x4000  }
0xbb: {  	[sflag:s5] =	ssyncset.done $0x0  }
0xbc: {  	[sflag:s5] =	ssyncadd.s32 $0xFFFFC000  }
0xbd: {  	s28 =	sor.u32 s0, s28;
	_ =	swait.ge [sflag:s14], $0x4000  }
0xbe: {  	s28 =	sshrl.u32 s28, $0x3;
	[sflag:s14] =	ssyncset.done $0x0  }
0xbf: {  	s28 =	sadd.s32 s29, s28;
	[sflag:s14] =	ssyncadd.s32 $0xFFFFC000  }
0xc0: {  	[tilespmem:s12], [sflag:$0x1] =	stream.strided.gather [hbm4b:s28+s9], $0x4000, s11, s9, $0x38;
	[tilespmem:$0x10200] =	vst v63  }
0xc1: {  	_ = 	snop  }
0xc2: {  	[spmem:s1] =	stream.indirect.scatter.add.f32 [tilespmem:s13], [sflag:$0x3], $0x80, s15, s9, $0xb8;
	[tilespmem:$0x10200] =	vst v63  }
0xc3: {  	_ =	swait.ge [sflag:s5], $0x4000  }
0xc4: {  	[sflag:s5] =	ssyncset.done $0x0  }
0xc5: {  	[sflag:s5] =	ssyncadd.s32 $0xFFFFC000  }
0xc6: {  	s0 =	sor.u32 s0, s30;
	_ =	swait.ge [sflag:s7], $0x4000  }
0xc7: {  	s0 =	sshrl.u32 s0, $0x3;
	[sflag:s7] =	ssyncset.done $0x0  }
0xc8: {  	s29 =	sadd.s32 s29, s0;
	[sflag:s7] =	ssyncadd.s32 $0xFFFFC000  }
0xc9: {  	[tilespmem:s13], [sflag:$0x2] =	stream.strided.gather [hbm4b:s29+s9], $0x4000, s11, s9, $0x38;
	[tilespmem:$0x10200] =	vst v63  }
0xca: {  	_ = 	snop  }
0xcb: {  	[spmem:s1] =	stream.indirect.scatter.add.f32 [tilespmem:s12], [sflag:$0x3], $0x80, s16, s9, $0xb8;
	[tilespmem:$0x10200] =	vst v63  }
0xcc: {  	_ =	swait.ge [sflag:s5], $0x4000  }
0xcd: {  	[sflag:s5] =	ssyncset.done $0x0  }
0xce: {  	[sflag:s5] =	ssyncadd.s32 $0xFFFFC000  }
0xcf: {  	_ =	swait.ge [sflag:s14], $0x4000  }
0xd0: {  	[sflag:s14] =	ssyncset.done $0x0  }
0xd1: {  	[sflag:s14] =	ssyncadd.s32 $0xFFFFC000  }
0xd2: {  	[spmem:s1] =	stream.indirect.scatter.add.f32 [tilespmem:s13], [sflag:$0x3], $0x80, s17, s9, $0xb8;
	[tilespmem:$0x10200] =	vst v63  }
0xd3: {  	_ =	swait.ge [sflag:s5], $0x4000  }
0xd4: {  	s0 =	rddreg [dreg:$0x11]  }
0xd5: {  	s0 =	ssub.s32 $0x2, s0  }
0xd6: {  	s30 =	sshrl.u32 s0, $0x1  }
0xd7: {  	s0 =	ssub.s32 s0, s30  }
0xd8: {  	[sflag:s5] =	ssyncset.done $0x0;
	s0 =	smax.u32 s0, $0x1  }
0xd9: {  	[sflag:s5] =	ssyncadd.s32 $0xFFFFC000;
	p0 =	sne.s32 s0, $0x1  }
.Ltmp0:
0xda: {  	[bflag:$0x0] =	sbarrier.arrive $0xFFFF;
	s30 =	sadd.s32 s31, s3;
	(pc) =	sbr.rel @!p0 .LBB2_2-.Ltmp0, $4  }
0xdb: {  	[hbm:s30@s9], [sflag:s10] =	dma.strided [spmem:s6@s8], $0x1000, s7, $0x10   }
0xdc: {  	_ =	swait.ge [sflag:s5], $0x1000  }
0xdd: {  	[sflag:s5] =	ssyncset.done $0x0  }
0xde: {  	s31 =	sadd.s32 $0xFFFFFFFF, s0;
	[sflag:s5] =	ssyncadd.s32 $0xFFFFF000  }
.LBB2_1:
0xdf: {  	[bflag:$0x0] =	sbarrier.arrive $0xFFFF  }
0xe0: {  	s0 =	rddreg [dreg:$0x4]  }
0xe1: {  	[tilespmem:s4], [sflag:$0x3] =	stream.linear.gather [hbm4b:s0+s2], $0x200, $0x38;
	[tilespmem:$0x10200] =	vst v63  }
0xe2: {  	_ =	swait.ge [sflag:s5], $0x200  }
0xe3: {  	[sflag:s5] =	ssyncset.done $0x0  }
0xe4: {  	s3 =	rddreg [dreg:$0x5];
	[sflag:s5] =	ssyncadd.s32 $0xFFFFFE00  }
0xe5: {  	[spmem:s6@s8], [sflag:s10] =	dma.strided [hbm:s3@s9], $0x1000, s7, $0x10   }
0xe6: {  	_ =	swait.ge [sflag:s5], $0x1000  }
0xe7: {  	[sflag:s5] =	ssyncset.done $0x0  }
0xe8: {  	[sflag:s5] =	ssyncadd.s32 $0xFFFFF000  }
0xe9: {  	[bflag:$0x0] =	sbarrier.arrive $0xFFFF  }
0xea: {  	s3 =	rddreg [dreg:$0x6]  }
0xeb: {  	[tilespmem:s12], [sflag:$0x1] =	stream.strided.gather [hbm4b:s3+s9], $0x4000, s11, s9, $0x38;
	[tilespmem:$0x10200] =	vst v63  }
0xec: {  	_ =	swait.ge [sflag:s7], $0x4000  }
0xed: {  	[sflag:s7] =	ssyncset.done $0x0  }
0xee: {  	s3 =	rddreg [dreg:$0x7];
	[sflag:s7] =	ssyncadd.s32 $0xFFFFC000  }
0xef: {  	[tilespmem:s13], [sflag:$0x2] =	stream.strided.gather [hbm4b:s3+s9], $0x4000, s11, s9, $0x38;
	[tilespmem:$0x10200] =	vst v63  }
0xf0: {  	_ = 	snop  }
0xf1: {  	[spmem:s1] =	stream.indirect.scatter.add.f32 [tilespmem:s12], [sflag:$0x3], $0x80, s4, s9, $0xb8;
	[tilespmem:$0x10200] =	vst v63  }
0xf2: {  	_ =	swait.ge [sflag:s5], $0x4000  }
0xf3: {  	[sflag:s5] =	ssyncset.done $0x0  }
0xf4: {  	[sflag:s5] =	ssyncadd.s32 $0xFFFFC000  }
0xf5: {  	_ =	swait.ge [sflag:s14], $0x4000  }
0xf6: {  	[sflag:s14] =	ssyncset.done $0x0  }
0xf7: {  	s3 =	rddreg [dreg:$0x8];
	[sflag:s14] =	ssyncadd.s32 $0xFFFFC000  }
0xf8: {  	[tilespmem:s12], [sflag:$0x1] =	stream.strided.gather [hbm4b:s3+s9], $0x4000, s11, s9, $0x38;
	[tilespmem:$0x10200] =	vst v63  }
0xf9: {  	_ = 	snop  }
0xfa: {  	[spmem:s1] =	stream.indirect.scatter.add.f32 [tilespmem:s13], [sflag:$0x3], $0x80, s15, s9, $0xb8;
	[tilespmem:$0x10200] =	vst v63  }
0xfb: {  	_ =	swait.ge [sflag:s5], $0x4000  }
0xfc: {  	[sflag:s5] =	ssyncset.done $0x0  }
0xfd: {  	[sflag:s5] =	ssyncadd.s32 $0xFFFFC000  }
0xfe: {  	_ =	swait.ge [sflag:s7], $0x4000  }
0xff: {  	[sflag:s7] =	ssyncset.done $0x0  }
0x100: {  	s3 =	rddreg [dreg:$0x9];
	[sflag:s7] =	ssyncadd.s32 $0xFFFFC000  }
0x101: {  	[tilespmem:s13], [sflag:$0x2] =	stream.strided.gather [hbm4b:s3+s9], $0x4000, s11, s9, $0x38;
	[tilespmem:$0x10200] =	vst v63  }
0x102: {  	_ = 	snop  }
0x103: {  	[spmem:s1] =	stream.indirect.scatter.add.f32 [tilespmem:s12], [sflag:$0x3], $0x80, s16, s9, $0xb8;
	[tilespmem:$0x10200] =	vst v63  }
0x104: {  	_ =	swait.ge [sflag:s5], $0x4000  }
0x105: {  	[sflag:s5] =	ssyncset.done $0x0  }
0x106: {  	[sflag:s5] =	ssyncadd.s32 $0xFFFFC000  }
0x107: {  	_ =	swait.ge [sflag:s14], $0x4000  }
0x108: {  	[sflag:s14] =	ssyncset.done $0x0  }
0x109: {  	[sflag:s14] =	ssyncadd.s32 $0xFFFFC000  }
0x10a: {  	[spmem:s1] =	stream.indirect.scatter.add.f32 [tilespmem:s13], [sflag:$0x3], $0x80, s17, s9, $0xb8;
	[tilespmem:$0x10200] =	vst v63  }
0x10b: {  	_ =	swait.ge [sflag:s5], $0x4000  }
0x10c: {  	[sflag:s5] =	ssyncset.done $0x0  }
0x10d: {  	[sflag:s5] =	ssyncadd.s32 $0xFFFFC000  }
0x10e: {  	[bflag:$0x0] =	sbarrier.arrive $0xFFFF  }
0x10f: {  	s3 =	rddreg [dreg:$0xa]  }
0x110: {  	[hbm:s3@s9], [sflag:s10] =	dma.strided [spmem:s6@s8], $0x1000, s7, $0x10   }
0x111: {  	_ =	swait.ge [sflag:s5], $0x1000  }
0x112: {  	[sflag:s5] =	ssyncset.done $0x0  }
0x113: {  	[sflag:s5] =	ssyncadd.s32 $0xFFFFF000  }
0x114: {  	[bflag:$0x0] =	sbarrier.arrive $0xFFFF  }
0x115: {  	s3 =	rddreg [dreg:$0xb]  }
0x116: {  	[spmem:s6@s8], [sflag:s10] =	dma.strided [hbm:s3@s9], $0x1000, s7, $0x10   }
0x117: {  	_ =	swait.ge [sflag:s5], $0x1000  }
0x118: {  	[sflag:s5] =	ssyncset.done $0x0  }
0x119: {  	[sflag:s5] =	ssyncadd.s32 $0xFFFFF000  }
0x11a: {  	[bflag:$0x0] =	sbarrier.arrive $0xFFFF  }
0x11b: {  	s3 =	rddreg [dreg:$0xc]  }
0x11c: {  	[tilespmem:s12], [sflag:$0x1] =	stream.strided.gather [hbm4b:s3+s9], $0x4000, s11, s9, $0x38;
	[tilespmem:$0x10200] =	vst v63  }
0x11d: {  	_ =	swait.ge [sflag:s7], $0x4000  }
0x11e: {  	[sflag:s7] =	ssyncset.done $0x0  }
0x11f: {  	s3 =	rddreg [dreg:$0xd];
	[sflag:s7] =	ssyncadd.s32 $0xFFFFC000  }
0x120: {  	[tilespmem:s13], [sflag:$0x2] =	stream.strided.gather [hbm4b:s3+s9], $0x4000, s11, s9, $0x38;
	[tilespmem:$0x10200] =	vst v63  }
0x121: {  	_ = 	snop  }
0x122: {  	[spmem:s1] =	stream.indirect.scatter.add.f32 [tilespmem:s12], [sflag:$0x3], $0x80, s4, s9, $0xb8;
	[tilespmem:$0x10200] =	vst v63  }
0x123: {  	_ =	swait.ge [sflag:s5], $0x4000  }
0x124: {  	[sflag:s5] =	ssyncset.done $0x0  }
0x125: {  	[sflag:s5] =	ssyncadd.s32 $0xFFFFC000  }
0x126: {  	_ =	swait.ge [sflag:s14], $0x4000  }
0x127: {  	[sflag:s14] =	ssyncset.done $0x0  }
0x128: {  	s3 =	rddreg [dreg:$0xe];
	[sflag:s14] =	ssyncadd.s32 $0xFFFFC000  }
0x129: {  	[tilespmem:s12], [sflag:$0x1] =	stream.strided.gather [hbm4b:s3+s9], $0x4000, s11, s9, $0x38;
	[tilespmem:$0x10200] =	vst v63  }
0x12a: {  	_ = 	snop  }
0x12b: {  	[spmem:s1] =	stream.indirect.scatter.add.f32 [tilespmem:s13], [sflag:$0x3], $0x80, s15, s9, $0xb8;
	[tilespmem:$0x10200] =	vst v63  }
0x12c: {  	_ =	swait.ge [sflag:s5], $0x4000  }
0x12d: {  	[sflag:s5] =	ssyncset.done $0x0  }
0x12e: {  	[sflag:s5] =	ssyncadd.s32 $0xFFFFC000  }
0x12f: {  	_ =	swait.ge [sflag:s7], $0x4000  }
0x130: {  	[sflag:s7] =	ssyncset.done $0x0  }
0x131: {  	s3 =	rddreg [dreg:$0xf];
	[sflag:s7] =	ssyncadd.s32 $0xFFFFC000  }
0x132: {  	[tilespmem:s13], [sflag:$0x2] =	stream.strided.gather [hbm4b:s3+s9], $0x4000, s11, s9, $0x38;
	[tilespmem:$0x10200] =	vst v63  }
0x133: {  	_ = 	snop  }
0x134: {  	[spmem:s1] =	stream.indirect.scatter.add.f32 [tilespmem:s12], [sflag:$0x3], $0x80, s16, s9, $0xb8;
	[tilespmem:$0x10200] =	vst v63  }
0x135: {  	_ =	swait.ge [sflag:s5], $0x4000  }
0x136: {  	[sflag:s5] =	ssyncset.done $0x0  }
0x137: {  	[sflag:s5] =	ssyncadd.s32 $0xFFFFC000  }
0x138: {  	_ =	swait.ge [sflag:s14], $0x4000  }
0x139: {  	[sflag:s14] =	ssyncset.done $0x0  }
0x13a: {  	[sflag:s14] =	ssyncadd.s32 $0xFFFFC000  }
0x13b: {  	[spmem:s1] =	stream.indirect.scatter.add.f32 [tilespmem:s13], [sflag:$0x3], $0x80, s17, s9, $0xb8;
	[tilespmem:$0x10200] =	vst v63  }
0x13c: {  	_ =	swait.ge [sflag:s5], $0x4000  }
0x13d: {  	[sflag:s5] =	ssyncset.done $0x0  }
0x13e: {  	[sflag:s5] =	ssyncadd.s32 $0xFFFFC000  }
0x13f: {  	[bflag:$0x0] =	sbarrier.arrive $0xFFFF  }
0x140: {  	s3 =	rddreg [dreg:$0x10]  }
0x141: {  	[hbm:s3@s9], [sflag:s10] =	dma.strided [spmem:s6@s8], $0x1000, s7, $0x10   }
0x142: {  	_ =	swait.ge [sflag:s5], $0x1000  }
0x143: {  	[sflag:s5] =	ssyncset.done $0x0  }
0x144: {  	[sflag:s5] =	ssyncadd.s32 $0xFFFFF000  }
0x145: {  	[bflag:$0x0] =	sbarrier.arrive $0xFFFF  }
0x146: {  	[spmem:s6@s8], [sflag:s10] =	dma.strided [hbm:s18@s9], $0x1000, s7, $0x10   }
0x147: {  	_ =	swait.ge [sflag:s5], $0x1000  }
0x148: {  	[sflag:s5] =	ssyncset.done $0x0  }
0x149: {  	[sflag:s5] =	ssyncadd.s32 $0xFFFFF000  }
0x14a: {  	[bflag:$0x0] =	sbarrier.arrive $0xFFFF  }
0x14b: {  	[tilespmem:s12], [sflag:$0x1] =	stream.strided.gather [hbm4b:s19+s9], $0x4000, s11, s9, $0x38;
	[tilespmem:$0x10200] =	vst v63  }
0x14c: {  	_ =	swait.ge [sflag:s7], $0x4000  }
0x14d: {  	[sflag:s7] =	ssyncset.done $0x0  }
0x14e: {  	[sflag:s7] =	ssyncadd.s32 $0xFFFFC000  }
0x14f: {  	[tilespmem:s13], [sflag:$0x2] =	stream.strided.gather [hbm4b:s20+s9], $0x4000, s11, s9, $0x38;
	[tilespmem:$0x10200] =	vst v63  }
0x150: {  	_ = 	snop  }
0x151: {  	[spmem:s1] =	stream.indirect.scatter.add.f32 [tilespmem:s12], [sflag:$0x3], $0x80, s4, s9, $0xb8;
	[tilespmem:$0x10200] =	vst v63  }
0x152: {  	_ =	swait.ge [sflag:s5], $0x4000  }
0x153: {  	[sflag:s5] =	ssyncset.done $0x0  }
0x154: {  	[sflag:s5] =	ssyncadd.s32 $0xFFFFC000  }
0x155: {  	_ =	swait.ge [sflag:s14], $0x4000  }
0x156: {  	[sflag:s14] =	ssyncset.done $0x0  }
0x157: {  	[sflag:s14] =	ssyncadd.s32 $0xFFFFC000  }
0x158: {  	[tilespmem:s12], [sflag:$0x1] =	stream.strided.gather [hbm4b:s21+s9], $0x4000, s11, s9, $0x38;
	[tilespmem:$0x10200] =	vst v63  }
0x159: {  	_ = 	snop  }
0x15a: {  	[spmem:s1] =	stream.indirect.scatter.add.f32 [tilespmem:s13], [sflag:$0x3], $0x80, s15, s9, $0xb8;
	[tilespmem:$0x10200] =	vst v63  }
0x15b: {  	_ =	swait.ge [sflag:s5], $0x4000  }
0x15c: {  	[sflag:s5] =	ssyncset.done $0x0  }
0x15d: {  	[sflag:s5] =	ssyncadd.s32 $0xFFFFC000  }
0x15e: {  	_ =	swait.ge [sflag:s7], $0x4000  }
0x15f: {  	[sflag:s7] =	ssyncset.done $0x0  }
0x160: {  	[sflag:s7] =	ssyncadd.s32 $0xFFFFC000  }
0x161: {  	[tilespmem:s13], [sflag:$0x2] =	stream.strided.gather [hbm4b:s22+s9], $0x4000, s11, s9, $0x38;
	[tilespmem:$0x10200] =	vst v63  }
0x162: {  	_ = 	snop  }
0x163: {  	[spmem:s1] =	stream.indirect.scatter.add.f32 [tilespmem:s12], [sflag:$0x3], $0x80, s16, s9, $0xb8;
	[tilespmem:$0x10200] =	vst v63  }
0x164: {  	_ =	swait.ge [sflag:s5], $0x4000  }
0x165: {  	[sflag:s5] =	ssyncset.done $0x0  }
0x166: {  	[sflag:s5] =	ssyncadd.s32 $0xFFFFC000  }
0x167: {  	_ =	swait.ge [sflag:s14], $0x4000  }
0x168: {  	[sflag:s14] =	ssyncset.done $0x0  }
0x169: {  	[sflag:s14] =	ssyncadd.s32 $0xFFFFC000  }
0x16a: {  	[spmem:s1] =	stream.indirect.scatter.add.f32 [tilespmem:s13], [sflag:$0x3], $0x80, s17, s9, $0xb8;
	[tilespmem:$0x10200] =	vst v63  }
0x16b: {  	_ =	swait.ge [sflag:s5], $0x4000  }
0x16c: {  	[sflag:s5] =	ssyncset.done $0x0  }
0x16d: {  	[sflag:s5] =	ssyncadd.s32 $0xFFFFC000  }
0x16e: {  	[bflag:$0x0] =	sbarrier.arrive $0xFFFF  }
0x16f: {  	[hbm:s23@s9], [sflag:s10] =	dma.strided [spmem:s6@s8], $0x1000, s7, $0x10   }
0x170: {  	_ =	swait.ge [sflag:s5], $0x1000  }
0x171: {  	[sflag:s5] =	ssyncset.done $0x0  }
0x172: {  	[sflag:s5] =	ssyncadd.s32 $0xFFFFF000  }
0x173: {  	[bflag:$0x0] =	sbarrier.arrive $0xFFFF  }
0x174: {  	[spmem:s6@s8], [sflag:s10] =	dma.strided [hbm:s24@s9], $0x1000, s7, $0x10   }
0x175: {  	_ =	swait.ge [sflag:s5], $0x1000  }
0x176: {  	[sflag:s5] =	ssyncset.done $0x0  }
0x177: {  	[sflag:s5] =	ssyncadd.s32 $0xFFFFF000  }
0x178: {  	[bflag:$0x0] =	sbarrier.arrive $0xFFFF  }
0x179: {  	[tilespmem:s12], [sflag:$0x1] =	stream.strided.gather [hbm4b:s25+s9], $0x4000, s11, s9, $0x38;
	[tilespmem:$0x10200] =	vst v63  }
0x17a: {  	_ =	swait.ge [sflag:s7], $0x4000  }
0x17b: {  	[sflag:s7] =	ssyncset.done $0x0  }
0x17c: {  	[sflag:s7] =	ssyncadd.s32 $0xFFFFC000  }
0x17d: {  	[tilespmem:s13], [sflag:$0x2] =	stream.strided.gather [hbm4b:s26+s9], $0x4000, s11, s9, $0x38;
	[tilespmem:$0x10200] =	vst v63  }
0x17e: {  	_ = 	snop  }
0x17f: {  	[spmem:s1] =	stream.indirect.scatter.add.f32 [tilespmem:s12], [sflag:$0x3], $0x80, s4, s9, $0xb8;
	[tilespmem:$0x10200] =	vst v63  }
0x180: {  	_ =	swait.ge [sflag:s5], $0x4000  }
0x181: {  	[sflag:s5] =	ssyncset.done $0x0  }
0x182: {  	[sflag:s5] =	ssyncadd.s32 $0xFFFFC000  }
0x183: {  	_ =	swait.ge [sflag:s14], $0x4000  }
0x184: {  	[sflag:s14] =	ssyncset.done $0x0  }
0x185: {  	[sflag:s14] =	ssyncadd.s32 $0xFFFFC000  }
0x186: {  	[tilespmem:s12], [sflag:$0x1] =	stream.strided.gather [hbm4b:s28+s9], $0x4000, s11, s9, $0x38;
	[tilespmem:$0x10200] =	vst v63  }
0x187: {  	_ = 	snop  }
0x188: {  	[spmem:s1] =	stream.indirect.scatter.add.f32 [tilespmem:s13], [sflag:$0x3], $0x80, s15, s9, $0xb8;
	[tilespmem:$0x10200] =	vst v63  }
0x189: {  	_ =	swait.ge [sflag:s5], $0x4000  }
0x18a: {  	[sflag:s5] =	ssyncset.done $0x0  }
0x18b: {  	[sflag:s5] =	ssyncadd.s32 $0xFFFFC000  }
0x18c: {  	_ =	swait.ge [sflag:s7], $0x4000  }
0x18d: {  	[sflag:s7] =	ssyncset.done $0x0  }
0x18e: {  	[sflag:s7] =	ssyncadd.s32 $0xFFFFC000  }
0x18f: {  	[tilespmem:s13], [sflag:$0x2] =	stream.strided.gather [hbm4b:s29+s9], $0x4000, s11, s9, $0x38;
	[tilespmem:$0x10200] =	vst v63  }
0x190: {  	_ = 	snop  }
0x191: {  	[spmem:s1] =	stream.indirect.scatter.add.f32 [tilespmem:s12], [sflag:$0x3], $0x80, s16, s9, $0xb8;
	[tilespmem:$0x10200] =	vst v63  }
0x192: {  	_ =	swait.ge [sflag:s5], $0x4000  }
0x193: {  	[sflag:s5] =	ssyncset.done $0x0  }
0x194: {  	[sflag:s5] =	ssyncadd.s32 $0xFFFFC000  }
0x195: {  	_ =	swait.ge [sflag:s14], $0x4000  }
0x196: {  	[sflag:s14] =	ssyncset.done $0x0  }
0x197: {  	[sflag:s14] =	ssyncadd.s32 $0xFFFFC000  }
0x198: {  	[spmem:s1] =	stream.indirect.scatter.add.f32 [tilespmem:s13], [sflag:$0x3], $0x80, s17, s9, $0xb8;
	[tilespmem:$0x10200] =	vst v63  }
0x199: {  	_ =	swait.ge [sflag:s5], $0x4000  }
0x19a: {  	[sflag:s5] =	ssyncset.done $0x0  }
0x19b: {  	p0 =	sne.s32 s31, $0x1;
	[sflag:s5] =	ssyncadd.s32 $0xFFFFC000  }
.Ltmp1:
0x19c: {  	[bflag:$0x0] =	sbarrier.arrive $0xFFFF;
	(pc) =	sbr.rel @p0 .LBB2_1-.Ltmp1, $4  }
0x19d: {  	[hbm:s30@s9], [sflag:s10] =	dma.strided [spmem:s6@s8], $0x1000, s7, $0x10   }
0x19e: {  	_ =	swait.ge [sflag:s5], $0x1000  }
0x19f: {  	[sflag:s5] =	ssyncset.done $0x0  }
0x1a0: {  	s31 =	sadd.s32 $0xFFFFFFFF, s31;
	[sflag:s5] =	ssyncadd.s32 $0xFFFFF000  }
.LBB2_2:
0x1a1: {  	[bflag:$0x0] =	sbarrier.arrive $0xFFFF  }
0x1a2: {  	_ =	sfence.sel $0x180000  }
0x1a3: {  	[bflag:$0x0] =	sbarrier.arrive $0xFFFF  }
0x1a4: {  	_ =	strace $0x9000004D  }
0x1a5: {  	s0 =	stileid.u32;
	[bflag:$0x2] =	sbarrier.arrive $0xFFFF  }
0x1a6: {  	p0 =	sne.s32 s0, $0x0;
	s0 =	rddreg [dreg:$0x3]  }
0x1a7: {  	s0 =	sadd.s32 @!p0 $0x100000, s0  }
0x1a8: {  	[sflag:s0] =	ssyncadd.tile.s32 @!p0 $0x1;
	_ =	shalt  }
.Lfunc_end2:
_tile_overlayer_lowered:
.L_overlay_start_2:
0x1a9: {  	(tag) =	ssettag $0x2  }
0x1aa: {  	s0 =	rddreg [dreg:$0x0];
	s2 =	stileid.u32  }
0x1ab: {  	s1 =	rddreg [dreg:$0x1];
	p0 =	sne.s32 s2, $0x0  }
0x1ac: {  	s3 =	rddreg [dreg:$0x2];
	[bflag:$0x3] =	sbarrier.arrive $0xFFFF;
	s2 =	simm.s32 @!p0 $0x1C03  }
0x1ad: {  	[timem:s3], [sflag:s2] =	dma.local @!p0 [hbm:s0], s1  }
0x1ae: {  	s0 =	simm.s32 @!p0 $0x3  }
0x1af: {  	_ =	swait.ge @!p0 [sflag:s0], s1  }
0x1b0: {  	s1 =	ssub.s32 @!p0 $0x0, s1;
	[sflag:s0] =	ssyncset.done @!p0 $0x0  }
0x1b1: {  	[sflag:s0] =	ssyncadd.s32 @!p0 s1  }
0x1b2: {  	[bflag:$0x3] =	sbarrier.arrive $0xFFFF  }
0x1b3: {  	_ =	shalt  }

// kernel: kernel.7.cloned.1.call-start
scs
__scs_entry_jumppad:
0x0: {  	(pc) =	sbr.rel $0x88, $3  }
0x1: {  	(tag) =	ssettag $0x0;
	lr =	simm.s32 $0x1  }
0x2: {  	[smem:$0x3F99] =	sst lr;
	_ =	strace $0xD0000000  }
0x3: {  	_ = 	snop  }
0x4: {  	_ = 	snop  }
0x5: {  	_ = 	snop  }
0x6: {  	_ = 	snop  }
0x7: {  	_ = 	snop  }
__scs_overlays_trampoline_lowered:
0x8: {  	[smem:$0x3FA8] =	sst s0  }
0x9: {  	[smem:$0x3FA9] =	sst s1  }
0xa: {  	[smem:$0x3FAA] =	sst s2  }
0xb: {  	[smem:$0x3FAB] =	sst s3  }
0xc: {  	[smem:$0x3FAC] =	sst s4  }
0xd: {  	[smem:$0x3FAD] =	sst s5  }
0xe: {  	[smem:$0x3FAE] =	sst s6  }
0xf: {  	[smem:$0x3FAF] =	sst s7  }
0x10: {  	[smem:$0x3FB0] =	sst s8  }
0x11: {  	[smem:$0x3FB1] =	sst s9;
	s0 =	simm.s32 @!p0 $0x0  }
0x12: {  	s1 =	sld [smem:$0x3F97];
	s0 =	simm.s32 @p0 $0x1  }
0x13: {  	[smem:$0x3FB2] =	sst s0;
	s0 =	simm.s32 @!p1 $0x0  }
0x14: {  	s2 =	sld [smem:$0x3F96];
	s0 =	simm.s32 @p1 $0x1  }
0x15: {  	[smem:$0x3FB3] =	sst s0;
	s0 =	simm.s32 @!p2 $0x0  }
0x16: {  	s3 =	sld [smem:$0x3FDB];
	s0 =	simm.s32 @p2 $0x1  }
0x17: {  	s4 =	simm.s32 $0x1BF5;
	[smem:$0x3FB5] =	sst s0  }
0x18: {  	s0 =	sld [smem:$0x3F98];
	_ =	swait.ge [sflag:s4], $0x0  }
0x19: {  	s7 =	sld [smem:$0x3F99]  }
0x1a: {  	s8 =	sadd.s32 $0xFFFFE003, lr  }
0x1b: {  	s9 =	sadd.s32 $0xFFFFFEF7, lr;
	s5 =	simm.s32 $0xFFFFFFFF;
	p2 =	slt.u32 s8, $0xFFFFF086  }
0x1c: {  	p1 =	slt.u32 s9, $0xF7A;
	s5 =	simm.s32 @!p2 $0x0  }
0x1d: {  	s5 =	simm.s32 @p1 $0x1;
	p0 =	seq.s32 s7, s2  }
0x1e: {  	s7 =	smul.u32 @!p0 $0xF7A, s2;
	p2 =	seq.s32 @!p0 s5, $0x0  }
0x1f: {  	s9 =	smul.u32 $0xF7A, s1;
	s8 =	simm.s32 @!p0 $0x1BF5;
	p2 =	por !p2, p0  }
0x20: {  	[sflag:s8] =	ssyncset.s32 @!p0 $0xFFFFF086;
	s6 =	sadd.s32 @!p0 s3, s7;
	s7 =	simm.s32 @!p0 $0x108  }
0x21: {  	s3 =	sadd.s32 s3, s9;
	s6 =	sadd.s32 @!p0 $0x88, s6;
	s7 =	simm.s32 @p2 $0x1082  }
0x22: {  	[simem:s7], [sflag:s8] =	dma.local @!p0 [hbm:s6], $0xF7A  }
0x23: {  	s9 =	sor.u32 $0xD0000000, s2;
	s6 =	simm.s32 $0x108;
	_ =	swait.ge @!p0 [sflag:s8], $0x0  }
0x24: {  	s3 =	sadd.s32 $0x88, s3;
	s6 =	simm.s32 @!p1 $0x1082;
	[sflag:s4] =	ssyncset.s32 $0xFFFFF086  }
0x25: {  	[simem:s6], [sflag:s4] =	dma.local [hbm:s3], $0xF7A  }
0x26: {  	[smem:$0x3F99] =	sst s1;
	(tag) =	ssettag s2;
	_ =	strace s9  }
0x27: {  	s1 =	sld [smem:$0x3FA9]  }
0x28: {  	s2 =	sld [smem:$0x3FAA]  }
0x29: {  	s4 =	sld [smem:$0x3FAC]  }
0x2a: {  	p0 =	seq.s32 s5, $0x0;
	s5 =	sld [smem:$0x3FAD]  }
0x2b: {  	s6 =	sld [smem:$0x3FAE]  }
0x2c: {  	s7 =	sld [smem:$0x3FAF]  }
0x2d: {  	s3 =	simm.s32 $0x108;
	s8 =	sld [smem:$0x3FB0]  }
0x2e: {  	s3 =	simm.s32 @!p0 $0x1082;
	s9 =	sld [smem:$0x3FB1]  }
0x2f: {  	lr =	sadd.s32 s0, s3;
	s0 =	sld [smem:$0x3FA8]  }
0x30: {  	s3 =	sld [smem:$0x3FAB]  }
0x31: {  	[smem:$0x3FB4] =	sst s10  }
0x32: {  	s10 =	sld [smem:$0x3FB2];
	_ =	sdelay $0x3  }
0x33: {  	p0 =	seq.s32 s10, $0x1;
	s10 =	sld [smem:$0x3FB4];
	_ =	sdelay $0x3  }
0x34: {  	[smem:$0x3FB4] =	sst s10  }
0x35: {  	s10 =	sld [smem:$0x3FB3];
	_ =	sdelay $0x3  }
0x36: {  	p1 =	seq.s32 s10, $0x1;
	s10 =	sld [smem:$0x3FB4];
	_ =	sdelay $0x3  }
0x37: {  	[smem:$0x3FB4] =	sst s10  }
0x38: {  	s10 =	sld [smem:$0x3FB5]  }
0x39: {  	_ = 	snop;
	(pc) =	sbr.ind lr, $3  }
0x3a: {  	_ = 	snop  }
0x3b: {  	_ = 	snop  }
0x3c: {  	p2 =	seq.s32 s10, $0x1;
	s10 =	sld [smem:$0x3FB4]  }
0x3d: {  	_ =	shalt  }
0x3e: {  	_ =	shalt  }
0x3f: {  	_ =	shalt  }
0x40: {  	_ =	shalt  }
0x41: {  	_ =	shalt  }
0x42: {  	_ =	shalt  }
0x43: {  	_ =	shalt  }
0x44: {  	_ =	shalt  }
0x45: {  	_ =	shalt  }
0x46: {  	_ =	shalt  }
0x47: {  	_ =	shalt  }
0x48: {  	_ =	shalt  }
0x49: {  	_ =	shalt  }
0x4a: {  	_ =	shalt  }
0x4b: {  	_ =	shalt  }
0x4c: {  	_ =	shalt  }
0x4d: {  	_ =	shalt  }
0x4e: {  	_ =	shalt  }
0x4f: {  	_ =	shalt  }
0x50: {  	_ =	shalt  }
0x51: {  	_ =	shalt  }
0x52: {  	_ =	shalt  }
0x53: {  	_ =	shalt  }
0x54: {  	_ =	shalt  }
0x55: {  	_ =	shalt  }
0x56: {  	_ =	shalt  }
0x57: {  	_ =	shalt  }
0x58: {  	_ =	shalt  }
0x59: {  	_ =	shalt  }
0x5a: {  	_ =	shalt  }
0x5b: {  	_ =	shalt  }
0x5c: {  	_ =	shalt  }
0x5d: {  	_ =	shalt  }
0x5e: {  	_ =	shalt  }
0x5f: {  	_ =	shalt  }
0x60: {  	_ =	shalt  }
0x61: {  	_ =	shalt  }
0x62: {  	_ =	shalt  }
0x63: {  	_ =	shalt  }
0x64: {  	_ =	shalt  }
0x65: {  	_ =	shalt  }
0x66: {  	_ =	shalt  }
0x67: {  	_ =	shalt  }
0x68: {  	_ =	shalt  }
0x69: {  	_ =	shalt  }
0x6a: {  	_ =	shalt  }
0x6b: {  	_ =	shalt  }
0x6c: {  	_ =	shalt  }
0x6d: {  	_ =	shalt  }
0x6e: {  	_ =	shalt  }
0x6f: {  	_ =	shalt  }
0x70: {  	_ =	shalt  }
0x71: {  	_ =	shalt  }
0x72: {  	_ =	shalt  }
0x73: {  	_ =	shalt  }
0x74: {  	_ =	shalt  }
0x75: {  	_ =	shalt  }
0x76: {  	_ =	shalt  }
0x77: {  	_ =	shalt  }
0x78: {  	_ =	shalt  }
0x79: {  	_ =	shalt  }
0x7a: {  	_ =	shalt  }
0x7b: {  	_ =	shalt  }
0x7c: {  	_ =	shalt  }
0x7d: {  	_ =	shalt  }
0x7e: {  	_ =	shalt  }
0x7f: {  	_ =	shalt  }
0x80: {  	_ =	shalt  }
0x81: {  	_ =	shalt  }
0x82: {  	_ =	shalt  }
0x83: {  	_ =	shalt  }
0x84: {  	_ =	shalt  }
0x85: {  	_ =	shalt  }
0x86: {  	_ =	shalt  }
0x87: {  	_ =	shalt  }
.Lfunc_end0:
.L_simem_size_0:
called_computation.1_lowered:
.L_overlay_start_0:
0x88: {  	s2 =	sld [smem:$0x3FD9]  }
0x89: {  	s3 =	sld [smem:$0x3FFE];
	_ =	sdelay $0x1  }
0x8a: {  	s1 =	srdreg.scid  }
0x8b: {  	s0 =	sand.u32 $0x1, s1  }
0x8c: {  	s17 =	sshll.u32 s0, $0xA;
	s2 =	sadd.s32 s3, s2  }
0x8d: {  	s2 =	sadd.s32 s2, s17  }
0x8e: {  	[smem:$0x3FC0] =	sst s2  }
0x8f: {  	_ = 	snop  }
0x90: {  	s2 =	sld [smem:$0x3FC9]  }
0x91: {  	s18 =	sld [smem:$0x3FD0];
	(tm) =	ssettm $0x1  }
0x92: {  	s4 =	sld [smem:$0x3FFB];
	_ =	sdelay $0x3  }
0x93: {  	_ =	strace s4  }
0x94: {  	s4 =	sld [smem:$0x3FFC];
	_ =	sdelay $0x3  }
0x95: {  	_ =	strace s4  }
0x96: {  	s4 =	sld [smem:$0x3FFD];
	_ =	sdelay $0x3  }
0x97: {  	_ =	strace s4  }
0x98: {  	_ =	strace $0x8FFFFFFF  }
0x99: {  	s19 =	sld [smem:$0x3FDB];
	_ =	sdelay $0x1  }
0x9a: {  	s5 =	simm.s32 $_scs_section_size  }
0x9b: {  	s6 =	simm.s32 $_size__tile_overlayer_lowered;
	s7 =	simm.s32 $_tile_overlayer_lowered  }
0x9c: {  	s22 =	simm.s32 $0x1BFF;
	s21 =	sshll.u32 s7, $0x1;
	s4 =	sadd.s32 s5, s19  }
0x9d: {  	s8 =	simm.s32 $0x0;
	s20 =	sshll.u32 s6, $0x1;
	s6 =	sadd.s32 s21, s4  }
0x9e: {  	[timem:s8], [sflag:s22] =	dma.local [hbm:s6], s20  }
0x9f: {  	_ =	swait.ge [sflag:s22], s20  }
0xa0: {  	s5 =	ssub.s32 $0x0, s20;
	[sflag:s22] =	ssyncset.done $0x0  }
0xa1: {  	[sflag:s22] =	ssyncadd.s32 s5;
	_ =	sdelay $0x1  }
0xa2: {  	s23 =	simm.s32 $0x1B8B  }
0xa3: {  	_ =	swait.ge [sflag:s23], $0x1  }
0xa4: {  	[sflag:s23] =	ssyncset.done $0x0  }
0xa5: {  	s25 =	simm.s32 $0x1B8E;
	s24 =	sld [smem:$0x3FFE];
	[sflag:s23] =	ssyncadd.s32 $0xFFFFFFFF  }
0xa6: {  	s26 =	simm.s32 $execute0_lowered;
	[smem:$0x3FD2] =	sst s25  }
0xa7: {  	s6 =	sshll.u32 s26, $0x1;
	_ =	strace $0x80000046;
	[dreg:$0x1] =	wrdreg $0xFFFFFFFF  }
0xa8: {  	s28 =	simm.s32 $_size_execute0_lowered;
	s4 =	sadd.s32 s4, s6;
	[dreg:$0x0] =	wrdreg $0x0  }
0xa9: {  	s6 =	sshll.u32 s28, $0x1;
	[dreg:$0x2] =	wrdreg s4  }
0xaa: {  	[dreg:$0x3] =	wrdreg s6  }
0xab: {  	[dreg:$0x4] =	wrdreg $0xC0  }
0xac: {  	_ =	task [dreg:s8], $0x5FFFF  }
0xad: {  	[dreg:$0x1] =	wrdreg $0xFFFFFFFF  }
0xae: {  	[dreg:$0x0] =	wrdreg $0x60  }
0xaf: {  	[dreg:$0x2] =	wrdreg s18  }
0xb0: {  	[dreg:$0x3] =	wrdreg s24  }
0xb1: {  	[dreg:$0x4] =	wrdreg s2  }
0xb2: {  	[dreg:$0x5] =	wrdreg $0x9  }
0xb3: {  	_ =	task.clear_ibuf [dreg:s8], $0x6FFFF;
	_ =	strace $0x90000046  }
0xb4: {  	s29 =	simm.s32 $0x9;
	_ =	strace $0x80000048  }
0xb5: {  	_ =	swait.ge [sflag:s29], $0x1  }
0xb6: {  	[sflag:s29] =	ssyncadd.s32 $0xFFFFFFFF  }
0xb7: {  	_ =	strace $0x90000048  }
0xb8: {  	_ =	sfence  }
0xb9: {  	s30 =	sld [smem:$0x0];
	_ =	sdelay $0x2  }
0xba: {  	s31 =	sshll.u32 s1, $0xD;
	s1 =	sshrl.u32 s1, $0x2  }
0xbb: {  	s3 =	sand.u32 $0x4000, s31;
	s1 =	sadd.s32 s1, s30  }
0xbc: {  	s0 =	sor.u32 s3, s0;
	s1 =	sshll.u32 s1, $0x11  }
0xbd: {  	s0 =	sor.u32 s1, s0  }
0xbe: {  	s0 =	sadd.s32 $0x8F2B, s0  }
0xbf: {  	[sflag:s0] =	ssyncadd.remote.s32 $0x1  }
0xc0: {  	_ =	sfence.sel $0xFFFF  }
0xc1: {  	[dreg:$0x0] =	wrdreg $0xFFFFFFFF;
	(pc) =	sbr.abs _section_cstart, $3  }
0xc2: {  	[dreg:$0x1] =	wrdreg $0xFFFFFFFF  }
0xc3: {  	_ =	task.clear_ibuf [dreg:s8], $0x2FFFF;
	_ =	strace $0x9FFFFFFF  }
0xc4: {  	(tm) =	ssettm $0x7FFFFFFF  }
0xc5: {  	_ =	shalt  }
tec
execute0_lowered:
.L_overlay_start_1:
0x0: {  	(tag) =	ssettag $0x1  }
0x1: {  	s4 =	stileid.u32  }
0x2: {  	p0 =	sgt.u32 s4, $0x7  }
.Ltmp0:
0x3: {  	_ = 	snop;
	(pc) =	sbr.rel @p0 .LBB2_5-.Ltmp0, $4  }
0x4: {  	s0 =	rddreg [dreg:$0x0]  }
0x5: {  	s1 =	rddreg [dreg:$0x1];
	s3 =	simm.s32 $0x0  }
0x6: {  	[smem:$0x7FF] =	sst s3  }
0x7: {  	s2 =	rddreg [dreg:$0x2];
	_ =	strace $0x80000047  }
0x8: {  	s4 =	srdreg.scid;
	s6 =	stileid.u32;
	s9 =	sadd.s32 $0x300, s2  }
0x9: {  	s4 =	sand.u32 $0x1, s4;
	s5 =	sshll.u32 s6, $0x1;
	s6 =	sshrl.u32 s6, $0x2  }
0xa: {  	s5 =	sor.u32 s4, s5;
	s14 =	sshll.u32 s6, $0xA;
	s8 =	sshll.u32 s6, $0xC  }
0xb: {  	s4 =	ssub.s32 $0x2, s4;
	s7 =	sshll.u32 s5, $0x7;
	s5 =	sshll.u32 s5, $0x10  }
0xc: {  	s25 =	sshll.u32 s6, $0xF;
	s6 =	simm.s32 $0x1;
	s15 =	sadd.s32 s5, s1  }
0xd: {  	s28 =	sshrl.u32 s4, $0x1;
	s10 =	sand.u32 $0x380, s7;
	s19 =	sadd.s32 $0x2600, s15  }
0xe: {  	s29 =	ssub.s32 s4, s28;
	s20 =	sadd.s32 $0x4600, s15;
	[dreg:$0x7] =	wrdreg s19  }
0xf: {  	s7 =	sor.u32 s14, s10;
	s21 =	sadd.s32 $0x6600, s15;
	[dreg:$0x8] =	wrdreg s20  }
0x10: {  	s8 =	sor.u32 s8, s10;
	s22 =	sadd.s32 $0x8600, s15;
	[dreg:$0x9] =	wrdreg s21  }
0x11: {  	s23 =	sadd.s32 $0xA600, s15;
	s24 =	sadd.s32 $0xC600, s15;
	[dreg:$0xa] =	wrdreg s22  }
0x12: {  	s26 =	sadd.s32 $0xE600, s15;
	s5 =	sor.u32 s25, s10;
	[dreg:$0xb] =	wrdreg s23  }
0x13: {  	s31 =	smax.u32 s29, $0x1;
	s25 =	simm.s32 $0x1280;
	[dreg:$0xc] =	wrdreg s24  }
0x14: {  	s7 =	sshrl.u32 s7, $0x3;
	s8 =	sshrl.u32 s8, $0x3;
	[dreg:$0xd] =	wrdreg s26  }
0x15: {  	s30 =	sshrl.u32 s5, $0x3;
	[dreg:$0x10] =	wrdreg s31;
	s22 =	simm.s32 $0x2  }
0x16: {  	s7 =	sadd.s32 s7, s1;
	s8 =	sadd.s32 s8, s1;
	s1 =	sadd.s32 $0x10600, s15  }
0x17: {  	s24 =	simm.s32 $0x1080;
	s0 =	sadd.s32 s0, s30;
	[dreg:$0xe] =	wrdreg s1  }
0x18: {  	s26 =	simm.s32 $0x1480;
	s16 =	sadd.s32 $0x2000, s7;
	[dreg:$0xf] =	wrdreg s0  }
0x19: {  	v0 =	vlaneseq.u32;
	s17 =	sadd.s32 $0x102600, s8;
	s18 =	sadd.s32 $0x2200, s8;
	[dreg:$0x4] =	wrdreg s16  }
0x1a: {  	v1 =	vimm.s32 $0x0;
	vm0 =	vmmov $0xffff;
	v3 =	vshrl.u32 v0, $0x3;
	s7 =	sadd.s32 $0x100, s2;
	s8 =	sadd.s32 $0x200, s2;
	[dreg:$0x5] =	wrdreg s17  }
0x1b: {  	v2 =	vand.u32 $0x7, v0;
	v4 =	vor.u32 $0x8, v0;
	v3 =	vmul.u32 $0x8, v3;
	s0 =	simm.s32 $0x80;
	s1 =	simm.s32 $0x0;
	[dreg:$0x6] =	wrdreg s18  }
.LBB2_2:
0x1c: {  	[dreg:$0x11] =	wrdreg s1  }
0x1d: {  	s11 =	simm.s32 $0x0;
	s14 =	simm.s32 $0x400;
	s12 =	rddreg [dreg:$0xf]  }
0x1e: {  	[tilespmem:s11], [sflag:$0x2] =	stream.strided.gather [hbm4b:s12+s0], $0x1000, s14, s0, $0x38;
	[tilespmem:$0x11480] =	vst v63  }
0x1f: {  	_ =	swait.ge [sflag:s22], $0x1000  }
0x20: {  	[sflag:s22] =	ssyncset.done $0x0  }
0x21: {  	s13 =	simm.s32 $0x1000;
	s31 =	rddreg [dreg:$0x4];
	[sflag:s22] =	ssyncadd.s32 $0xFFFFF000  }
0x22: {  	[tilespmem:s13], [sflag:$0x2] =	stream.linear.gather [hbm4b:s31+s11], $0x10, $0x38;
	[tilespmem:$0x11480] =	vst v63  }
0x23: {  	_ =	swait.ge [sflag:s22], $0x10  }
0x24: {  	[sflag:s22] =	ssyncset.done $0x0  }
0x25: {  	[sflag:s22] =	ssyncadd.s32 $0xFFFFFFF0  }
0x26: {  	v6 =	vld [tilespmem:$0x1000]  }
0x27: {  	v5 =	vld [tilespmem:s11+$0x0]  }
0x28: {  	v8 =	vimm.s32 $0x0;
	v7 =	vimm.s32 $0x0;
	s12 =	simm.s32 $0x10;
	s13 =	simm.s32 $0x0  }
.LBB2_3:
0x29: {  	p0 =	sne.s32 s12, $0xFF0;
	_ =	sdelay $0x2  }
0x2a: {  	vm1 =	vge.f32 v5, v6  }
0x2b: {  	v9 =	vsel vm1, $0x1, v1;
	v10 =	vmpcnt.ones.xlane vm1  }
0x2c: {  	(xrf0) =	vadd.scan.msk.s32 $0xffff, v9  }
0x2d: {  	v8 =	vadd.s32 v8, v10;
	_ =	sdelay $0x4  }
0x2e: {  	v9, _, _ =	vpop (xrf0)  }
0x2f: {  	v9 =	vadd.s32 v9, v7;
	v7 =	vmov v8  }
0x30: {  	v9 =	vadd.s32 $0xFFFFFFFF, v9  }
0x31: {  	vm2 =	vlt.s32 v9, $0x200  }
0x32: {  	vm1 =	vmand vm1, vm2;
	_ =	sdelay $0x4  }
.Ltmp1:
0x33: {  	v10 =	vor.u32 s11, v0;
	s11 =	smov.u32 s12;
	(pc) =	sbr.rel @p0 .LBB2_3-.Ltmp1, $4  }
0x34: {  	[tilespmem:v9+s24+$0x0] =	vst.idx.msk vm1, v10  }
0x35: {  	s13 =	sadd.s32 $0x10, s13;
	[tilespmem:v9+s25+$0x0] =	vst.idx.msk vm1, v5  }
0x36: {  	v5 =	vld [tilespmem:s13+$0x0]  }
0x37: {  	s12 =	sadd.s32 $0x10, s12  }
0x38: {  	_ =	sdelay $0x2  }
0x39: {  	vm1 =	vge.f32 v5, v6  }
0x3a: {  	v6 =	vsel vm1, $0x1, v1  }
0x3b: {  	(xrf0) =	vadd.scan.msk.s32 $0xffff, v6;
	_ =	sdelay $0x5  }
0x3c: {  	v6, _, _ =	vpop (xrf0)  }
0x3d: {  	v6 =	vadd.s32 v6, v7  }
0x3e: {  	v6 =	vadd.s32 $0xFFFFFFFF, v6  }
0x3f: {  	vm2 =	vlt.s32 v6, $0x200  }
0x40: {  	vm1 =	vmand vm1, vm2;
	_ =	sdelay $0x4  }
0x41: {  	v7 =	vor.u32 s11, v0  }
0x42: {  	[tilespmem:v6+s24+$0x0] =	vst.idx.msk vm1, v7  }
0x43: {  	s5 =	rddreg [dreg:$0x5];
	s0 =	simm.s32 $0x80;
	s12 =	simm.s32 $0x400;
	[tilespmem:v6+s25+$0x0] =	vst.idx.msk vm1, v5  }
0x44: {  	[hbm4b:s5+s0] =	stream.strided.scatter [tilespmem:s24], [sflag:$0x2], $0x200, s12, s0, $0x38;
	[tilespmem:$0x11480] =	vst v63  }
0x45: {  	_ =	swait.ge [sflag:s22], $0x200  }
0x46: {  	[sflag:s22] =	ssyncset.done $0x0  }
0x47: {  	s10 =	rddreg [dreg:$0x6];
	[sflag:s22] =	ssyncadd.s32 $0xFFFFFE00  }
0x48: {  	[hbm4b:s10+s0] =	stream.strided.scatter [tilespmem:s25], [sflag:$0x2], $0x200, s12, s0, $0x38;
	[tilespmem:$0x11480] =	vst v63  }
0x49: {  	_ =	swait.ge [sflag:s22], $0x200  }
0x4a: {  	[sflag:s22] =	ssyncset.done $0x0  }
0x4b: {  	[sflag:s22] =	ssyncadd.s32 $0xFFFFFE00  }
0x4c: {  	v5 =	vld [tilespmem:$0x1080];
	_ =	sdelay $0x4  }
0x4d: {  	v6 =	vshll.u32 v5, $0x3  }
0x4e: {  	v5 =	vand.u32 $0x7, v5;
	v6 =	vand.u32 $0xFFFFFFC0, v6  }
0x4f: {  	v5 =	vor.u32 v5, v6  }
0x50: {  	v6 =	vperm.xlane v5, v2;
	_ =	sdelay $0x1  }
0x51: {  	v6 =	vadd.s32 v3, v6;
	_ =	sdelay $0x4  }
0x52: {  	[tilespmem:s26], [sflag:$0x1] =	stream.indirect_vreg.gather [hbm4b:s2+s3], $0x80, v6, vm0, $0xb8;
	[tilespmem:$0x11480] =	vst v63  }
0x53: {  	s12 =	simm.s32 $0x1C80;
	v5 =	vperm.xlane v5, v4  }
0x54: {  	[tilespmem:s12], [sflag:$0x1] =	stream.indirect_vreg.gather [hbm4b:s7+s3], $0x80, v6, vm0, $0xb8;
	[tilespmem:$0x11480] =	vst v63  }
0x55: {  	s13 =	simm.s32 $0x2480;
	v5 =	vadd.s32 v3, v5  }
0x56: {  	[tilespmem:s13], [sflag:$0x1] =	stream.indirect_vreg.gather [hbm4b:s8+s3], $0x80, v6, vm0, $0xb8;
	[tilespmem:$0x11480] =	vst v63  }
0x57: {  	s14 =	simm.s32 $0x2C80  }
0x58: {  	[tilespmem:s14], [sflag:$0x1] =	stream.indirect_vreg.gather [hbm4b:s9+s3], $0x80, v6, vm0, $0xb8;
	[tilespmem:$0x11480] =	vst v63  }
0x59: {  	s15 =	simm.s32 $0x3480  }
0x5a: {  	[tilespmem:s15], [sflag:$0x1] =	stream.indirect_vreg.gather [hbm4b:s2+s3], $0x80, v5, vm0, $0xb8;
	[tilespmem:$0x11480] =	vst v63  }
0x5b: {  	s16 =	simm.s32 $0x3C80  }
0x5c: {  	[tilespmem:s16], [sflag:$0x1] =	stream.indirect_vreg.gather [hbm4b:s7+s3], $0x80, v5, vm0, $0xb8;
	[tilespmem:$0x11480] =	vst v63  }
0x5d: {  	s17 =	simm.s32 $0x4480  }
0x5e: {  	[tilespmem:s17], [sflag:$0x1] =	stream.indirect_vreg.gather [hbm4b:s8+s3], $0x80, v5, vm0, $0xb8;
	[tilespmem:$0x11480] =	vst v63  }
0x5f: {  	s18 =	simm.s32 $0x4C80  }
0x60: {  	[tilespmem:s18], [sflag:$0x1] =	stream.indirect_vreg.gather [hbm4b:s9+s3], $0x80, v5, vm0, $0xb8;
	[tilespmem:$0x11480] =	vst v63  }
0x61: {  	v5 =	vld [tilespmem:$0x1090];
	_ =	sdelay $0x4  }
0x62: {  	v6 =	vshll.u32 v5, $0x3  }
0x63: {  	v5 =	vand.u32 $0x7, v5;
	v6 =	vand.u32 $0xFFFFFFC0, v6  }
0x64: {  	v5 =	vor.u32 v5, v6  }
0x65: {  	v6 =	vperm.xlane v5, v2;
	_ =	sdelay $0x1  }
0x66: {  	v6 =	vadd.s32 v3, v6;
	_ =	sdelay $0x3  }
0x67: {  	s20 =	simm.s32 $0x5480  }
0x68: {  	[tilespmem:s20], [sflag:$0x1] =	stream.indirect_vreg.gather [hbm4b:s2+s3], $0x80, v6, vm0, $0xb8;
	[tilespmem:$0x11480] =	vst v63  }
0x69: {  	s21 =	simm.s32 $0x5C80;
	v5 =	vperm.xlane v5, v4  }
0x6a: {  	[tilespmem:s21], [sflag:$0x1] =	stream.indirect_vreg.gather [hbm4b:s7+s3], $0x80, v6, vm0, $0xb8;
	[tilespmem:$0x11480] =	vst v63  }
0x6b: {  	s23 =	simm.s32 $0x6480;
	v5 =	vadd.s32 v3, v5  }
0x6c: {  	[tilespmem:s23], [sflag:$0x1] =	stream.indirect_vreg.gather [hbm4b:s8+s3], $0x80, v6, vm0, $0xb8;
	[tilespmem:$0x11480] =	vst v63  }
0x6d: {  	s28 =	simm.s32 $0x6C80  }
0x6e: {  	[tilespmem:s28], [sflag:$0x1] =	stream.indirect_vreg.gather [hbm4b:s9+s3], $0x80, v6, vm0, $0xb8;
	[tilespmem:$0x11480] =	vst v63  }
0x6f: {  	s31 =	simm.s32 $0x7480  }
0x70: {  	[tilespmem:s31], [sflag:$0x1] =	stream.indirect_vreg.gather [hbm4b:s2+s3], $0x80, v5, vm0, $0xb8;
	[tilespmem:$0x11480] =	vst v63  }
0x71: {  	s5 =	simm.s32 $0x7C80  }
0x72: {  	[tilespmem:s5], [sflag:$0x1] =	stream.indirect_vreg.gather [hbm4b:s7+s3], $0x80, v5, vm0, $0xb8;
	[tilespmem:$0x11480] =	vst v63  }
0x73: {  	s11 =	simm.s32 $0x8480  }
0x74: {  	[tilespmem:s11], [sflag:$0x1] =	stream.indirect_vreg.gather [hbm4b:s8+s3], $0x80, v5, vm0, $0xb8;
	[tilespmem:$0x11480] =	vst v63  }
0x75: {  	s12 =	simm.s32 $0x8C80  }
0x76: {  	[tilespmem:s12], [sflag:$0x1] =	stream.indirect_vreg.gather [hbm4b:s9+s3], $0x80, v5, vm0, $0xb8;
	[tilespmem:$0x11480] =	vst v63  }
0x77: {  	v5 =	vld [tilespmem:$0x10A0];
	_ =	sdelay $0x4  }
0x78: {  	v6 =	vshll.u32 v5, $0x3  }
0x79: {  	v5 =	vand.u32 $0x7, v5;
	v6 =	vand.u32 $0xFFFFFFC0, v6  }
0x7a: {  	v5 =	vor.u32 v5, v6  }
0x7b: {  	v6 =	vperm.xlane v5, v2;
	_ =	sdelay $0x1  }
0x7c: {  	v6 =	vadd.s32 v3, v6;
	_ =	sdelay $0x3  }
0x7d: {  	s13 =	simm.s32 $0x9480  }
0x7e: {  	[tilespmem:s13], [sflag:$0x1] =	stream.indirect_vreg.gather [hbm4b:s2+s3], $0x80, v6, vm0, $0xb8;
	[tilespmem:$0x11480] =	vst v63  }
0x7f: {  	s14 =	simm.s32 $0x9C80;
	v5 =	vperm.xlane v5, v4  }
0x80: {  	[tilespmem:s14], [sflag:$0x1] =	stream.indirect_vreg.gather [hbm4b:s7+s3], $0x80, v6, vm0, $0xb8;
	[tilespmem:$0x11480] =	vst v63  }
0x81: {  	s15 =	simm.s32 $0xA480;
	v5 =	vadd.s32 v3, v5  }
0x82: {  	[tilespmem:s15], [sflag:$0x1] =	stream.indirect_vreg.gather [hbm4b:s8+s3], $0x80, v6, vm0, $0xb8;
	[tilespmem:$0x11480] =	vst v63  }
0x83: {  	s16 =	simm.s32 $0xAC80  }
0x84: {  	[tilespmem:s16], [sflag:$0x1] =	stream.indirect_vreg.gather [hbm4b:s9+s3], $0x80, v6, vm0, $0xb8;
	[tilespmem:$0x11480] =	vst v63  }
0x85: {  	s17 =	simm.s32 $0xB480  }
0x86: {  	[tilespmem:s17], [sflag:$0x1] =	stream.indirect_vreg.gather [hbm4b:s2+s3], $0x80, v5, vm0, $0xb8;
	[tilespmem:$0x11480] =	vst v63  }
0x87: {  	s18 =	simm.s32 $0xBC80  }
0x88: {  	[tilespmem:s18], [sflag:$0x1] =	stream.indirect_vreg.gather [hbm4b:s7+s3], $0x80, v5, vm0, $0xb8;
	[tilespmem:$0x11480] =	vst v63  }
0x89: {  	s21 =	simm.s32 $0xC480  }
0x8a: {  	[tilespmem:s21], [sflag:$0x1] =	stream.indirect_vreg.gather [hbm4b:s8+s3], $0x80, v5, vm0, $0xb8;
	[tilespmem:$0x11480] =	vst v63  }
0x8b: {  	s23 =	simm.s32 $0xCC80  }
0x8c: {  	[tilespmem:s23], [sflag:$0x1] =	stream.indirect_vreg.gather [hbm4b:s9+s3], $0x80, v5, vm0, $0xb8;
	[tilespmem:$0x11480] =	vst v63  }
0x8d: {  	v5 =	vld [tilespmem:$0x10B0];
	_ =	sdelay $0x4  }
0x8e: {  	v6 =	vshll.u32 v5, $0x3  }
0x8f: {  	v5 =	vand.u32 $0x7, v5;
	v6 =	vand.u32 $0xFFFFFFC0, v6  }
0x90: {  	v5 =	vor.u32 v5, v6  }
0x91: {  	v6 =	vperm.xlane v5, v2;
	_ =	sdelay $0x1  }
0x92: {  	v6 =	vadd.s32 v3, v6;
	_ =	sdelay $0x3  }
0x93: {  	s28 =	simm.s32 $0xD480  }
0x94: {  	[tilespmem:s28], [sflag:$0x1] =	stream.indirect_vreg.gather [hbm4b:s2+s3], $0x80, v6, vm0, $0xb8;
	[tilespmem:$0x11480] =	vst v63  }
0x95: {  	s31 =	simm.s32 $0xDC80;
	v5 =	vperm.xlane v5, v4  }
0x96: {  	[tilespmem:s31], [sflag:$0x1] =	stream.indirect_vreg.gather [hbm4b:s7+s3], $0x80, v6, vm0, $0xb8;
	[tilespmem:$0x11480] =	vst v63  }
0x97: {  	s0 =	simm.s32 $0xE480;
	v5 =	vadd.s32 v3, v5  }
0x98: {  	[tilespmem:s0], [sflag:$0x1] =	stream.indirect_vreg.gather [hbm4b:s8+s3], $0x80, v6, vm0, $0xb8;
	[tilespmem:$0x11480] =	vst v63  }
0x99: {  	s5 =	simm.s32 $0xEC80  }
0x9a: {  	[tilespmem:s5], [sflag:$0x1] =	stream.indirect_vreg.gather [hbm4b:s9+s3], $0x80, v6, vm0, $0xb8;
	[tilespmem:$0x11480] =	vst v63  }
0x9b: {  	s21 =	simm.s32 $0xF480  }
0x9c: {  	[tilespmem:s21], [sflag:$0x1] =	stream.indirect_vreg.gather [hbm4b:s2+s3], $0x80, v5, vm0, $0xb8;
	[tilespmem:$0x11480] =	vst v63  }
0x9d: {  	s23 =	simm.s32 $0xFC80  }
0x9e: {  	[tilespmem:s23], [sflag:$0x1] =	stream.indirect_vreg.gather [hbm4b:s7+s3], $0x80, v5, vm0, $0xb8;
	[tilespmem:$0x11480] =	vst v63  }
0x9f: {  	s28 =	simm.s32 $0x10480  }
0xa0: {  	[tilespmem:s28], [sflag:$0x1] =	stream.indirect_vreg.gather [hbm4b:s8+s3], $0x80, v5, vm0, $0xb8;
	[tilespmem:$0x11480] =	vst v63  }
0xa1: {  	s31 =	simm.s32 $0x10C80  }
0xa2: {  	[tilespmem:s31], [sflag:$0x1] =	stream.indirect_vreg.gather [hbm4b:s9+s3], $0x80, v5, vm0, $0xb8;
	[tilespmem:$0x11480] =	vst v63  }
0xa3: {  	_ =	swait.ge [sflag:s6], $0x10000  }
0xa4: {  	[sflag:s6] =	ssyncset.done $0x0  }
0xa5: {  	s0 =	rddreg [dreg:$0x7];
	[sflag:s6] =	ssyncadd.s32 $0xFFFF0000  }
0xa6: {  	[hbm4b:s0+s3] =	stream.linear.scatter [tilespmem:s26], [sflag:$0x2], $0x10000, $0x38;
	[tilespmem:$0x11480] =	vst v63  }
0xa7: {  	_ =	swait.ge [sflag:s22], $0x10000  }
0xa8: {  	[sflag:s22] =	ssyncset.done $0x0  }
0xa9: {  	[sflag:s22] =	ssyncadd.s32 $0xFFFF0000  }
0xaa: {  	v5 =	vld [tilespmem:$0x10C0];
	_ =	sdelay $0x4  }
0xab: {  	v6 =	vshll.u32 v5, $0x3  }
0xac: {  	v5 =	vand.u32 $0x7, v5;
	v6 =	vand.u32 $0xFFFFFFC0, v6  }
0xad: {  	v5 =	vor.u32 v5, v6  }
0xae: {  	v6 =	vperm.xlane v5, v2;
	_ =	sdelay $0x1  }
0xaf: {  	v6 =	vadd.s32 v3, v6;
	_ =	sdelay $0x4  }
0xb0: {  	[tilespmem:s26], [sflag:$0x1] =	stream.indirect_vreg.gather [hbm4b:s2+s3], $0x80, v6, vm0, $0xb8;
	[tilespmem:$0x11480] =	vst v63  }
0xb1: {  	s4 =	simm.s32 $0x1C80;
	v5 =	vperm.xlane v5, v4  }
0xb2: {  	[tilespmem:s4], [sflag:$0x1] =	stream.indirect_vreg.gather [hbm4b:s7+s3], $0x80, v6, vm0, $0xb8;
	[tilespmem:$0x11480] =	vst v63  }
0xb3: {  	s10 =	simm.s32 $0x2480;
	v5 =	vadd.s32 v3, v5  }
0xb4: {  	[tilespmem:s10], [sflag:$0x1] =	stream.indirect_vreg.gather [hbm4b:s8+s3], $0x80, v6, vm0, $0xb8;
	[tilespmem:$0x11480] =	vst v63  }
0xb5: {  	s19 =	simm.s32 $0x2C80  }
0xb6: {  	[tilespmem:s19], [sflag:$0x1] =	stream.indirect_vreg.gather [hbm4b:s9+s3], $0x80, v6, vm0, $0xb8;
	[tilespmem:$0x11480] =	vst v63  }
0xb7: {  	s21 =	simm.s32 $0x3480  }
0xb8: {  	[tilespmem:s21], [sflag:$0x1] =	stream.indirect_vreg.gather [hbm4b:s2+s3], $0x80, v5, vm0, $0xb8;
	[tilespmem:$0x11480] =	vst v63  }
0xb9: {  	s23 =	simm.s32 $0x3C80  }
0xba: {  	[tilespmem:s23], [sflag:$0x1] =	stream.indirect_vreg.gather [hbm4b:s7+s3], $0x80, v5, vm0, $0xb8;
	[tilespmem:$0x11480] =	vst v63  }
0xbb: {  	s28 =	simm.s32 $0x4480  }
0xbc: {  	[tilespmem:s28], [sflag:$0x1] =	stream.indirect_vreg.gather [hbm4b:s8+s3], $0x80, v5, vm0, $0xb8;
	[tilespmem:$0x11480] =	vst v63  }
0xbd: {  	s1 =	simm.s32 $0x4C80  }
0xbe: {  	[tilespmem:s1], [sflag:$0x1] =	stream.indirect_vreg.gather [hbm4b:s9+s3], $0x80, v5, vm0, $0xb8;
	[tilespmem:$0x11480] =	vst v63  }
0xbf: {  	v5 =	vld [tilespmem:$0x10D0];
	_ =	sdelay $0x4  }
0xc0: {  	v6 =	vshll.u32 v5, $0x3  }
0xc1: {  	v5 =	vand.u32 $0x7, v5;
	v6 =	vand.u32 $0xFFFFFFC0, v6  }
0xc2: {  	v5 =	vor.u32 v5, v6  }
0xc3: {  	v6 =	vperm.xlane v5, v2;
	_ =	sdelay $0x1  }
0xc4: {  	v6 =	vadd.s32 v3, v6;
	_ =	sdelay $0x3  }
0xc5: {  	s29 =	simm.s32 $0x5480  }
0xc6: {  	[tilespmem:s29], [sflag:$0x1] =	stream.indirect_vreg.gather [hbm4b:s2+s3], $0x80, v6, vm0, $0xb8;
	[tilespmem:$0x11480] =	vst v63  }
0xc7: {  	s30 =	simm.s32 $0x5C80;
	v5 =	vperm.xlane v5, v4  }
0xc8: {  	[tilespmem:s30], [sflag:$0x1] =	stream.indirect_vreg.gather [hbm4b:s7+s3], $0x80, v6, vm0, $0xb8;
	[tilespmem:$0x11480] =	vst v63  }
0xc9: {  	v5 =	vadd.s32 v3, v5;
	s29 =	simm.s32 $0x6480  }
0xca: {  	[tilespmem:s29], [sflag:$0x1] =	stream.indirect_vreg.gather [hbm4b:s8+s3], $0x80, v6, vm0, $0xb8;
	[tilespmem:$0x11480] =	vst v63  }
0xcb: {  	s30 =	simm.s32 $0x6C80  }
0xcc: {  	[tilespmem:s30], [sflag:$0x1] =	stream.indirect_vreg.gather [hbm4b:s9+s3], $0x80, v6, vm0, $0xb8;
	[tilespmem:$0x11480] =	vst v63  }
0xcd: {  	s31 =	simm.s32 $0x7480  }
0xce: {  	[tilespmem:s31], [sflag:$0x1] =	stream.indirect_vreg.gather [hbm4b:s2+s3], $0x80, v5, vm0, $0xb8;
	[tilespmem:$0x11480] =	vst v63  }
0xcf: {  	s10 =	simm.s32 $0x7C80  }
0xd0: {  	[tilespmem:s10], [sflag:$0x1] =	stream.indirect_vreg.gather [hbm4b:s7+s3], $0x80, v5, vm0, $0xb8;
	[tilespmem:$0x11480] =	vst v63  }
0xd1: {  	s19 =	simm.s32 $0x8480  }
0xd2: {  	[tilespmem:s19], [sflag:$0x1] =	stream.indirect_vreg.gather [hbm4b:s8+s3], $0x80, v5, vm0, $0xb8;
	[tilespmem:$0x11480] =	vst v63  }
0xd3: {  	s0 =	simm.s32 $0x8C80  }
0xd4: {  	[tilespmem:s0], [sflag:$0x1] =	stream.indirect_vreg.gather [hbm4b:s9+s3], $0x80, v5, vm0, $0xb8;
	[tilespmem:$0x11480] =	vst v63  }
0xd5: {  	v5 =	vld [tilespmem:$0x10E0];
	_ =	sdelay $0x4  }
0xd6: {  	v6 =	vshll.u32 v5, $0x3  }
0xd7: {  	v5 =	vand.u32 $0x7, v5;
	v6 =	vand.u32 $0xFFFFFFC0, v6  }
0xd8: {  	v5 =	vor.u32 v5, v6  }
0xd9: {  	v6 =	vperm.xlane v5, v2;
	_ =	sdelay $0x1  }
0xda: {  	v6 =	vadd.s32 v3, v6;
	_ =	sdelay $0x3  }
0xdb: {  	s4 =	simm.s32 $0x9480  }
0xdc: {  	[tilespmem:s4], [sflag:$0x1] =	stream.indirect_vreg.gather [hbm4b:s2+s3], $0x80, v6, vm0, $0xb8;
	[tilespmem:$0x11480] =	vst v63  }
0xdd: {  	s1 =	simm.s32 $0x9C80;
	v5 =	vperm.xlane v5, v4  }
0xde: {  	[tilespmem:s1], [sflag:$0x1] =	stream.indirect_vreg.gather [hbm4b:s7+s3], $0x80, v6, vm0, $0xb8;
	[tilespmem:$0x11480] =	vst v63  }
0xdf: {  	s20 =	simm.s32 $0xA480;
	v5 =	vadd.s32 v3, v5  }
0xe0: {  	[tilespmem:s20], [sflag:$0x1] =	stream.indirect_vreg.gather [hbm4b:s8+s3], $0x80, v6, vm0, $0xb8;
	[tilespmem:$0x11480] =	vst v63  }
0xe1: {  	s15 =	simm.s32 $0xAC80  }
0xe2: {  	[tilespmem:s15], [sflag:$0x1] =	stream.indirect_vreg.gather [hbm4b:s9+s3], $0x80, v6, vm0, $0xb8;
	[tilespmem:$0x11480] =	vst v63  }
0xe3: {  	s16 =	simm.s32 $0xB480  }
0xe4: {  	[tilespmem:s16], [sflag:$0x1] =	stream.indirect_vreg.gather [hbm4b:s2+s3], $0x80, v5, vm0, $0xb8;
	[tilespmem:$0x11480] =	vst v63  }
0xe5: {  	s17 =	simm.s32 $0xBC80  }
0xe6: {  	[tilespmem:s17], [sflag:$0x1] =	stream.indirect_vreg.gather [hbm4b:s7+s3], $0x80, v5, vm0, $0xb8;
	[tilespmem:$0x11480] =	vst v63  }
0xe7: {  	s18 =	simm.s32 $0xC480  }
0xe8: {  	[tilespmem:s18], [sflag:$0x1] =	stream.indirect_vreg.gather [hbm4b:s8+s3], $0x80, v5, vm0, $0xb8;
	[tilespmem:$0x11480] =	vst v63  }
0xe9: {  	s12 =	simm.s32 $0xCC80  }
0xea: {  	[tilespmem:s12], [sflag:$0x1] =	stream.indirect_vreg.gather [hbm4b:s9+s3], $0x80, v5, vm0, $0xb8;
	[tilespmem:$0x11480] =	vst v63  }
0xeb: {  	v5 =	vld [tilespmem:$0x10F0];
	_ =	sdelay $0x4  }
0xec: {  	v6 =	vshll.u32 v5, $0x3  }
0xed: {  	v5 =	vand.u32 $0x7, v5;
	v6 =	vand.u32 $0xFFFFFFC0, v6  }
0xee: {  	v5 =	vor.u32 v5, v6  }
0xef: {  	v6 =	vperm.xlane v5, v2;
	_ =	sdelay $0x1  }
0xf0: {  	v6 =	vadd.s32 v3, v6;
	_ =	sdelay $0x3  }
0xf1: {  	s13 =	simm.s32 $0xD480  }
0xf2: {  	[tilespmem:s13], [sflag:$0x1] =	stream.indirect_vreg.gather [hbm4b:s2+s3], $0x80, v6, vm0, $0xb8;
	[tilespmem:$0x11480] =	vst v63  }
0xf3: {  	s14 =	simm.s32 $0xDC80;
	v5 =	vperm.xlane v5, v4  }
0xf4: {  	[tilespmem:s14], [sflag:$0x1] =	stream.indirect_vreg.gather [hbm4b:s7+s3], $0x80, v6, vm0, $0xb8;
	[tilespmem:$0x11480] =	vst v63  }
0xf5: {  	v5 =	vadd.s32 v3, v5;
	s14 =	simm.s32 $0xE480  }
0xf6: {  	[tilespmem:s14], [sflag:$0x1] =	stream.indirect_vreg.gather [hbm4b:s8+s3], $0x80, v6, vm0, $0xb8;
	[tilespmem:$0x11480] =	vst v63  }
0xf7: {  	s18 =	simm.s32 $0xEC80  }
0xf8: {  	[tilespmem:s18], [sflag:$0x1] =	stream.indirect_vreg.gather [hbm4b:s9+s3], $0x80, v6, vm0, $0xb8;
	[tilespmem:$0x11480] =	vst v63  }
0xf9: {  	s13 =	simm.s32 $0xF480  }
0xfa: {  	[tilespmem:s13], [sflag:$0x1] =	stream.indirect_vreg.gather [hbm4b:s2+s3], $0x80, v5, vm0, $0xb8;
	[tilespmem:$0x11480] =	vst v63  }
0xfb: {  	s18 =	simm.s32 $0xFC80  }
0xfc: {  	[tilespmem:s18], [sflag:$0x1] =	stream.indirect_vreg.gather [hbm4b:s7+s3], $0x80, v5, vm0, $0xb8;
	[tilespmem:$0x11480] =	vst v63  }
0xfd: {  	s11 =	simm.s32 $0x10480  }
0xfe: {  	[tilespmem:s11], [sflag:$0x1] =	stream.indirect_vreg.gather [hbm4b:s8+s3], $0x80, v5, vm0, $0xb8;
	[tilespmem:$0x11480] =	vst v63  }
0xff: {  	s5 =	simm.s32 $0x10C80  }
0x100: {  	[tilespmem:s5], [sflag:$0x1] =	stream.indirect_vreg.gather [hbm4b:s9+s3], $0x80, v5, vm0, $0xb8;
	[tilespmem:$0x11480] =	vst v63  }
0x101: {  	_ =	swait.ge [sflag:s6], $0x10000  }
0x102: {  	[sflag:s6] =	ssyncset.done $0x0  }
0x103: {  	s11 =	rddreg [dreg:$0x8];
	[sflag:s6] =	ssyncadd.s32 $0xFFFF0000  }
0x104: {  	[hbm4b:s11+s3] =	stream.linear.scatter [tilespmem:s26], [sflag:$0x2], $0x10000, $0x38;
	[tilespmem:$0x11480] =	vst v63  }
0x105: {  	_ =	swait.ge [sflag:s22], $0x10000  }
0x106: {  	[sflag:s22] =	ssyncset.done $0x0  }
0x107: {  	[sflag:s22] =	ssyncadd.s32 $0xFFFF0000  }
0x108: {  	v5 =	vld [tilespmem:$0x1100];
	_ =	sdelay $0x4  }
0x109: {  	v6 =	vshll.u32 v5, $0x3  }
0x10a: {  	v5 =	vand.u32 $0x7, v5;
	v6 =	vand.u32 $0xFFFFFFC0, v6  }
0x10b: {  	v5 =	vor.u32 v5, v6  }
0x10c: {  	v6 =	vperm.xlane v5, v2;
	_ =	sdelay $0x1  }
0x10d: {  	v6 =	vadd.s32 v3, v6;
	_ =	sdelay $0x4  }
0x10e: {  	[tilespmem:s26], [sflag:$0x1] =	stream.indirect_vreg.gather [hbm4b:s2+s3], $0x80, v6, vm0, $0xb8;
	[tilespmem:$0x11480] =	vst v63  }
0x10f: {  	s11 =	simm.s32 $0x1C80;
	v5 =	vperm.xlane v5, v4  }
0x110: {  	[tilespmem:s11], [sflag:$0x1] =	stream.indirect_vreg.gather [hbm4b:s7+s3], $0x80, v6, vm0, $0xb8;
	[tilespmem:$0x11480] =	vst v63  }
0x111: {  	v5 =	vadd.s32 v3, v5;
	s11 =	simm.s32 $0x2480  }
0x112: {  	[tilespmem:s11], [sflag:$0x1] =	stream.indirect_vreg.gather [hbm4b:s8+s3], $0x80, v6, vm0, $0xb8;
	[tilespmem:$0x11480] =	vst v63  }
0x113: {  	s11 =	simm.s32 $0x2C80  }
0x114: {  	[tilespmem:s11], [sflag:$0x1] =	stream.indirect_vreg.gather [hbm4b:s9+s3], $0x80, v6, vm0, $0xb8;
	[tilespmem:$0x11480] =	vst v63  }
0x115: {  	_ = 	snop  }
0x116: {  	[tilespmem:s21], [sflag:$0x1] =	stream.indirect_vreg.gather [hbm4b:s2+s3], $0x80, v5, vm0, $0xb8;
	[tilespmem:$0x11480] =	vst v63  }
0x117: {  	_ = 	snop  }
0x118: {  	[tilespmem:s23], [sflag:$0x1] =	stream.indirect_vreg.gather [hbm4b:s7+s3], $0x80, v5, vm0, $0xb8;
	[tilespmem:$0x11480] =	vst v63  }
0x119: {  	_ = 	snop  }
0x11a: {  	[tilespmem:s28], [sflag:$0x1] =	stream.indirect_vreg.gather [hbm4b:s8+s3], $0x80, v5, vm0, $0xb8;
	[tilespmem:$0x11480] =	vst v63  }
0x11b: {  	s11 =	simm.s32 $0x4C80  }
0x11c: {  	[tilespmem:s11], [sflag:$0x1] =	stream.indirect_vreg.gather [hbm4b:s9+s3], $0x80, v5, vm0, $0xb8;
	[tilespmem:$0x11480] =	vst v63  }
0x11d: {  	v5 =	vld [tilespmem:$0x1110];
	_ =	sdelay $0x4  }
0x11e: {  	v6 =	vshll.u32 v5, $0x3  }
0x11f: {  	v5 =	vand.u32 $0x7, v5;
	v6 =	vand.u32 $0xFFFFFFC0, v6  }
0x120: {  	v5 =	vor.u32 v5, v6  }
0x121: {  	v6 =	vperm.xlane v5, v2;
	_ =	sdelay $0x1  }
0x122: {  	v6 =	vadd.s32 v3, v6;
	_ =	sdelay $0x3  }
0x123: {  	s11 =	simm.s32 $0x5480  }
0x124: {  	[tilespmem:s11], [sflag:$0x1] =	stream.indirect_vreg.gather [hbm4b:s2+s3], $0x80, v6, vm0, $0xb8;
	[tilespmem:$0x11480] =	vst v63  }
0x125: {  	v5 =	vperm.xlane v5, v4;
	s11 =	simm.s32 $0x5C80  }
0x126: {  	[tilespmem:s11], [sflag:$0x1] =	stream.indirect_vreg.gather [hbm4b:s7+s3], $0x80, v6, vm0, $0xb8;
	[tilespmem:$0x11480] =	vst v63  }
0x127: {  	v5 =	vadd.s32 v3, v5  }
0x128: {  	[tilespmem:s29], [sflag:$0x1] =	stream.indirect_vreg.gather [hbm4b:s8+s3], $0x80, v6, vm0, $0xb8;
	[tilespmem:$0x11480] =	vst v63  }
0x129: {  	_ = 	snop  }
0x12a: {  	[tilespmem:s30], [sflag:$0x1] =	stream.indirect_vreg.gather [hbm4b:s9+s3], $0x80, v6, vm0, $0xb8;
	[tilespmem:$0x11480] =	vst v63  }
0x12b: {  	_ = 	snop  }
0x12c: {  	[tilespmem:s31], [sflag:$0x1] =	stream.indirect_vreg.gather [hbm4b:s2+s3], $0x80, v5, vm0, $0xb8;
	[tilespmem:$0x11480] =	vst v63  }
0x12d: {  	_ = 	snop  }
0x12e: {  	[tilespmem:s10], [sflag:$0x1] =	stream.indirect_vreg.gather [hbm4b:s7+s3], $0x80, v5, vm0, $0xb8;
	[tilespmem:$0x11480] =	vst v63  }
0x12f: {  	_ = 	snop  }
0x130: {  	[tilespmem:s19], [sflag:$0x1] =	stream.indirect_vreg.gather [hbm4b:s8+s3], $0x80, v5, vm0, $0xb8;
	[tilespmem:$0x11480] =	vst v63  }
0x131: {  	_ = 	snop  }
0x132: {  	[tilespmem:s0], [sflag:$0x1] =	stream.indirect_vreg.gather [hbm4b:s9+s3], $0x80, v5, vm0, $0xb8;
	[tilespmem:$0x11480] =	vst v63  }
0x133: {  	v5 =	vld [tilespmem:$0x1120];
	_ =	sdelay $0x4  }
0x134: {  	v6 =	vshll.u32 v5, $0x3  }
0x135: {  	v5 =	vand.u32 $0x7, v5;
	v6 =	vand.u32 $0xFFFFFFC0, v6  }
0x136: {  	v5 =	vor.u32 v5, v6  }
0x137: {  	v6 =	vperm.xlane v5, v2;
	_ =	sdelay $0x1  }
0x138: {  	v6 =	vadd.s32 v3, v6;
	_ =	sdelay $0x4  }
0x139: {  	[tilespmem:s4], [sflag:$0x1] =	stream.indirect_vreg.gather [hbm4b:s2+s3], $0x80, v6, vm0, $0xb8;
	[tilespmem:$0x11480] =	vst v63  }
0x13a: {  	v5 =	vperm.xlane v5, v4  }
0x13b: {  	[tilespmem:s1], [sflag:$0x1] =	stream.indirect_vreg.gather [hbm4b:s7+s3], $0x80, v6, vm0, $0xb8;
	[tilespmem:$0x11480] =	vst v63  }
0x13c: {  	s19 =	simm.s32 $0xA480;
	v5 =	vadd.s32 v3, v5  }
0x13d: {  	[tilespmem:s19], [sflag:$0x1] =	stream.indirect_vreg.gather [hbm4b:s8+s3], $0x80, v6, vm0, $0xb8;
	[tilespmem:$0x11480] =	vst v63  }
0x13e: {  	s20 =	simm.s32 $0xAC80  }
0x13f: {  	[tilespmem:s20], [sflag:$0x1] =	stream.indirect_vreg.gather [hbm4b:s9+s3], $0x80, v6, vm0, $0xb8;
	[tilespmem:$0x11480] =	vst v63  }
0x140: {  	s15 =	simm.s32 $0xB480  }
0x141: {  	[tilespmem:s15], [sflag:$0x1] =	stream.indirect_vreg.gather [hbm4b:s2+s3], $0x80, v5, vm0, $0xb8;
	[tilespmem:$0x11480] =	vst v63  }
0x142: {  	s16 =	simm.s32 $0xBC80  }
0x143: {  	[tilespmem:s16], [sflag:$0x1] =	stream.indirect_vreg.gather [hbm4b:s7+s3], $0x80, v5, vm0, $0xb8;
	[tilespmem:$0x11480] =	vst v63  }
0x144: {  	s17 =	simm.s32 $0xC480  }
0x145: {  	[tilespmem:s17], [sflag:$0x1] =	stream.indirect_vreg.gather [hbm4b:s8+s3], $0x80, v5, vm0, $0xb8;
	[tilespmem:$0x11480] =	vst v63  }
0x146: {  	s20 =	simm.s32 $0xCC80  }
0x147: {  	[tilespmem:s20], [sflag:$0x1] =	stream.indirect_vreg.gather [hbm4b:s9+s3], $0x80, v5, vm0, $0xb8;
	[tilespmem:$0x11480] =	vst v63  }
0x148: {  	v5 =	vld [tilespmem:$0x1130];
	_ =	sdelay $0x4  }
0x149: {  	v6 =	vshll.u32 v5, $0x3  }
0x14a: {  	v5 =	vand.u32 $0x7, v5;
	v6 =	vand.u32 $0xFFFFFFC0, v6  }
0x14b: {  	v5 =	vor.u32 v5, v6  }
0x14c: {  	v6 =	vperm.xlane v5, v2;
	_ =	sdelay $0x1  }
0x14d: {  	v6 =	vadd.s32 v3, v6;
	_ =	sdelay $0x3  }
0x14e: {  	s20 =	simm.s32 $0xD480  }
0x14f: {  	[tilespmem:s20], [sflag:$0x1] =	stream.indirect_vreg.gather [hbm4b:s2+s3], $0x80, v6, vm0, $0xb8;
	[tilespmem:$0x11480] =	vst v63  }
0x150: {  	v5 =	vperm.xlane v5, v4;
	s20 =	simm.s32 $0xDC80  }
0x151: {  	[tilespmem:s20], [sflag:$0x1] =	stream.indirect_vreg.gather [hbm4b:s7+s3], $0x80, v6, vm0, $0xb8;
	[tilespmem:$0x11480] =	vst v63  }
0x152: {  	s12 =	simm.s32 $0xE480;
	v5 =	vadd.s32 v3, v5  }
0x153: {  	[tilespmem:s12], [sflag:$0x1] =	stream.indirect_vreg.gather [hbm4b:s8+s3], $0x80, v6, vm0, $0xb8;
	[tilespmem:$0x11480] =	vst v63  }
0x154: {  	s14 =	simm.s32 $0xEC80  }
0x155: {  	[tilespmem:s14], [sflag:$0x1] =	stream.indirect_vreg.gather [hbm4b:s9+s3], $0x80, v6, vm0, $0xb8;
	[tilespmem:$0x11480] =	vst v63  }
0x156: {  	s13 =	simm.s32 $0xF480  }
0x157: {  	[tilespmem:s13], [sflag:$0x1] =	stream.indirect_vreg.gather [hbm4b:s2+s3], $0x80, v5, vm0, $0xb8;
	[tilespmem:$0x11480] =	vst v63  }
0x158: {  	s18 =	simm.s32 $0xFC80  }
0x159: {  	[tilespmem:s18], [sflag:$0x1] =	stream.indirect_vreg.gather [hbm4b:s7+s3], $0x80, v5, vm0, $0xb8;
	[tilespmem:$0x11480] =	vst v63  }
0x15a: {  	s20 =	simm.s32 $0x10480  }
0x15b: {  	[tilespmem:s20], [sflag:$0x1] =	stream.indirect_vreg.gather [hbm4b:s8+s3], $0x80, v5, vm0, $0xb8;
	[tilespmem:$0x11480] =	vst v63  }
0x15c: {  	s5 =	simm.s32 $0x10C80  }
0x15d: {  	[tilespmem:s5], [sflag:$0x1] =	stream.indirect_vreg.gather [hbm4b:s9+s3], $0x80, v5, vm0, $0xb8;
	[tilespmem:$0x11480] =	vst v63  }
0x15e: {  	_ =	swait.ge [sflag:s6], $0x10000  }
0x15f: {  	[sflag:s6] =	ssyncset.done $0x0  }
0x160: {  	s11 =	rddreg [dreg:$0x9];
	[sflag:s6] =	ssyncadd.s32 $0xFFFF0000  }
0x161: {  	[hbm4b:s11+s3] =	stream.linear.scatter [tilespmem:s26], [sflag:$0x2], $0x10000, $0x38;
	[tilespmem:$0x11480] =	vst v63  }
0x162: {  	_ =	swait.ge [sflag:s22], $0x10000  }
0x163: {  	[sflag:s22] =	ssyncset.done $0x0  }
0x164: {  	[sflag:s22] =	ssyncadd.s32 $0xFFFF0000  }
0x165: {  	v5 =	vld [tilespmem:$0x1140];
	_ =	sdelay $0x4  }
0x166: {  	v6 =	vshll.u32 v5, $0x3  }
0x167: {  	v5 =	vand.u32 $0x7, v5;
	v6 =	vand.u32 $0xFFFFFFC0, v6  }
0x168: {  	v5 =	vor.u32 v5, v6  }
0x169: {  	v6 =	vperm.xlane v5, v2;
	_ =	sdelay $0x1  }
0x16a: {  	v6 =	vadd.s32 v3, v6;
	_ =	sdelay $0x4  }
0x16b: {  	[tilespmem:s26], [sflag:$0x1] =	stream.indirect_vreg.gather [hbm4b:s2+s3], $0x80, v6, vm0, $0xb8;
	[tilespmem:$0x11480] =	vst v63  }
0x16c: {  	s11 =	simm.s32 $0x1C80;
	v5 =	vperm.xlane v5, v4  }
0x16d: {  	[tilespmem:s11], [sflag:$0x1] =	stream.indirect_vreg.gather [hbm4b:s7+s3], $0x80, v6, vm0, $0xb8;
	[tilespmem:$0x11480] =	vst v63  }
0x16e: {  	v5 =	vadd.s32 v3, v5;
	s11 =	simm.s32 $0x2480  }
0x16f: {  	[tilespmem:s11], [sflag:$0x1] =	stream.indirect_vreg.gather [hbm4b:s8+s3], $0x80, v6, vm0, $0xb8;
	[tilespmem:$0x11480] =	vst v63  }
0x170: {  	s11 =	simm.s32 $0x2C80  }
0x171: {  	[tilespmem:s11], [sflag:$0x1] =	stream.indirect_vreg.gather [hbm4b:s9+s3], $0x80, v6, vm0, $0xb8;
	[tilespmem:$0x11480] =	vst v63  }
0x172: {  	s21 =	simm.s32 $0x3480  }
0x173: {  	[tilespmem:s21], [sflag:$0x1] =	stream.indirect_vreg.gather [hbm4b:s2+s3], $0x80, v5, vm0, $0xb8;
	[tilespmem:$0x11480] =	vst v63  }
0x174: {  	s23 =	simm.s32 $0x3C80  }
0x175: {  	[tilespmem:s23], [sflag:$0x1] =	stream.indirect_vreg.gather [hbm4b:s7+s3], $0x80, v5, vm0, $0xb8;
	[tilespmem:$0x11480] =	vst v63  }
0x176: {  	s28 =	simm.s32 $0x4480  }
0x177: {  	[tilespmem:s28], [sflag:$0x1] =	stream.indirect_vreg.gather [hbm4b:s8+s3], $0x80, v5, vm0, $0xb8;
	[tilespmem:$0x11480] =	vst v63  }
0x178: {  	s11 =	simm.s32 $0x4C80  }
0x179: {  	[tilespmem:s11], [sflag:$0x1] =	stream.indirect_vreg.gather [hbm4b:s9+s3], $0x80, v5, vm0, $0xb8;
	[tilespmem:$0x11480] =	vst v63  }
0x17a: {  	v5 =	vld [tilespmem:$0x1150];
	_ =	sdelay $0x4  }
0x17b: {  	v6 =	vshll.u32 v5, $0x3  }
0x17c: {  	v5 =	vand.u32 $0x7, v5;
	v6 =	vand.u32 $0xFFFFFFC0, v6  }
0x17d: {  	v5 =	vor.u32 v5, v6  }
0x17e: {  	v6 =	vperm.xlane v5, v2;
	_ =	sdelay $0x1  }
0x17f: {  	v6 =	vadd.s32 v3, v6;
	_ =	sdelay $0x3  }
0x180: {  	s11 =	simm.s32 $0x5480  }
0x181: {  	[tilespmem:s11], [sflag:$0x1] =	stream.indirect_vreg.gather [hbm4b:s2+s3], $0x80, v6, vm0, $0xb8;
	[tilespmem:$0x11480] =	vst v63  }
0x182: {  	v5 =	vperm.xlane v5, v4;
	s11 =	simm.s32 $0x5C80  }
0x183: {  	[tilespmem:s11], [sflag:$0x1] =	stream.indirect_vreg.gather [hbm4b:s7+s3], $0x80, v6, vm0, $0xb8;
	[tilespmem:$0x11480] =	vst v63  }
0x184: {  	s29 =	simm.s32 $0x6480;
	v5 =	vadd.s32 v3, v5  }
0x185: {  	[tilespmem:s29], [sflag:$0x1] =	stream.indirect_vreg.gather [hbm4b:s8+s3], $0x80, v6, vm0, $0xb8;
	[tilespmem:$0x11480] =	vst v63  }
0x186: {  	s30 =	simm.s32 $0x6C80  }
0x187: {  	[tilespmem:s30], [sflag:$0x1] =	stream.indirect_vreg.gather [hbm4b:s9+s3], $0x80, v6, vm0, $0xb8;
	[tilespmem:$0x11480] =	vst v63  }
0x188: {  	s31 =	simm.s32 $0x7480  }
0x189: {  	[tilespmem:s31], [sflag:$0x1] =	stream.indirect_vreg.gather [hbm4b:s2+s3], $0x80, v5, vm0, $0xb8;
	[tilespmem:$0x11480] =	vst v63  }
0x18a: {  	s11 =	simm.s32 $0x7C80  }
0x18b: {  	[tilespmem:s11], [sflag:$0x1] =	stream.indirect_vreg.gather [hbm4b:s7+s3], $0x80, v5, vm0, $0xb8;
	[tilespmem:$0x11480] =	vst v63  }
0x18c: {  	s10 =	simm.s32 $0x8480  }
0x18d: {  	[tilespmem:s10], [sflag:$0x1] =	stream.indirect_vreg.gather [hbm4b:s8+s3], $0x80, v5, vm0, $0xb8;
	[tilespmem:$0x11480] =	vst v63  }
0x18e: {  	s0 =	simm.s32 $0x8C80  }
0x18f: {  	[tilespmem:s0], [sflag:$0x1] =	stream.indirect_vreg.gather [hbm4b:s9+s3], $0x80, v5, vm0, $0xb8;
	[tilespmem:$0x11480] =	vst v63  }
0x190: {  	v5 =	vld [tilespmem:$0x1160];
	_ =	sdelay $0x4  }
0x191: {  	v6 =	vshll.u32 v5, $0x3  }
0x192: {  	v5 =	vand.u32 $0x7, v5;
	v6 =	vand.u32 $0xFFFFFFC0, v6  }
0x193: {  	v5 =	vor.u32 v5, v6  }
0x194: {  	v6 =	vperm.xlane v5, v2;
	_ =	sdelay $0x1  }
0x195: {  	v6 =	vadd.s32 v3, v6;
	_ =	sdelay $0x3  }
0x196: {  	s4 =	simm.s32 $0x9480  }
0x197: {  	[tilespmem:s4], [sflag:$0x1] =	stream.indirect_vreg.gather [hbm4b:s2+s3], $0x80, v6, vm0, $0xb8;
	[tilespmem:$0x11480] =	vst v63  }
0x198: {  	s1 =	simm.s32 $0x9C80;
	v5 =	vperm.xlane v5, v4  }
0x199: {  	[tilespmem:s1], [sflag:$0x1] =	stream.indirect_vreg.gather [hbm4b:s7+s3], $0x80, v6, vm0, $0xb8;
	[tilespmem:$0x11480] =	vst v63  }
0x19a: {  	s11 =	simm.s32 $0xA480;
	v5 =	vadd.s32 v3, v5  }
0x19b: {  	[tilespmem:s11], [sflag:$0x1] =	stream.indirect_vreg.gather [hbm4b:s8+s3], $0x80, v6, vm0, $0xb8;
	[tilespmem:$0x11480] =	vst v63  }
0x19c: {  	s19 =	simm.s32 $0xAC80  }
0x19d: {  	[tilespmem:s19], [sflag:$0x1] =	stream.indirect_vreg.gather [hbm4b:s9+s3], $0x80, v6, vm0, $0xb8;
	[tilespmem:$0x11480] =	vst v63  }
0x19e: {  	s15 =	simm.s32 $0xB480  }
0x19f: {  	[tilespmem:s15], [sflag:$0x1] =	stream.indirect_vreg.gather [hbm4b:s2+s3], $0x80, v5, vm0, $0xb8;
	[tilespmem:$0x11480] =	vst v63  }
0x1a0: {  	s16 =	simm.s32 $0xBC80  }
0x1a1: {  	[tilespmem:s16], [sflag:$0x1] =	stream.indirect_vreg.gather [hbm4b:s7+s3], $0x80, v5, vm0, $0xb8;
	[tilespmem:$0x11480] =	vst v63  }
0x1a2: {  	s17 =	simm.s32 $0xC480  }
0x1a3: {  	[tilespmem:s17], [sflag:$0x1] =	stream.indirect_vreg.gather [hbm4b:s8+s3], $0x80, v5, vm0, $0xb8;
	[tilespmem:$0x11480] =	vst v63  }
0x1a4: {  	s11 =	simm.s32 $0xCC80  }
0x1a5: {  	[tilespmem:s11], [sflag:$0x1] =	stream.indirect_vreg.gather [hbm4b:s9+s3], $0x80, v5, vm0, $0xb8;
	[tilespmem:$0x11480] =	vst v63  }
0x1a6: {  	v5 =	vld [tilespmem:$0x1170];
	_ =	sdelay $0x4  }
0x1a7: {  	v6 =	vshll.u32 v5, $0x3  }
0x1a8: {  	v5 =	vand.u32 $0x7, v5;
	v6 =	vand.u32 $0xFFFFFFC0, v6  }
0x1a9: {  	v5 =	vor.u32 v5, v6  }
0x1aa: {  	v6 =	vperm.xlane v5, v2;
	_ =	sdelay $0x1  }
0x1ab: {  	v6 =	vadd.s32 v3, v6;
	_ =	sdelay $0x3  }
0x1ac: {  	s11 =	simm.s32 $0xD480  }
0x1ad: {  	[tilespmem:s11], [sflag:$0x1] =	stream.indirect_vreg.gather [hbm4b:s2+s3], $0x80, v6, vm0, $0xb8;
	[tilespmem:$0x11480] =	vst v63  }
0x1ae: {  	v5 =	vperm.xlane v5, v4;
	s11 =	simm.s32 $0xDC80  }
0x1af: {  	[tilespmem:s11], [sflag:$0x1] =	stream.indirect_vreg.gather [hbm4b:s7+s3], $0x80, v6, vm0, $0xb8;
	[tilespmem:$0x11480] =	vst v63  }
0x1b0: {  	s12 =	simm.s32 $0xE480;
	v5 =	vadd.s32 v3, v5  }
0x1b1: {  	[tilespmem:s12], [sflag:$0x1] =	stream.indirect_vreg.gather [hbm4b:s8+s3], $0x80, v6, vm0, $0xb8;
	[tilespmem:$0x11480] =	vst v63  }
0x1b2: {  	s14 =	simm.s32 $0xEC80  }
0x1b3: {  	[tilespmem:s14], [sflag:$0x1] =	stream.indirect_vreg.gather [hbm4b:s9+s3], $0x80, v6, vm0, $0xb8;
	[tilespmem:$0x11480] =	vst v63  }
0x1b4: {  	s13 =	simm.s32 $0xF480  }
0x1b5: {  	[tilespmem:s13], [sflag:$0x1] =	stream.indirect_vreg.gather [hbm4b:s2+s3], $0x80, v5, vm0, $0xb8;
	[tilespmem:$0x11480] =	vst v63  }
0x1b6: {  	s18 =	simm.s32 $0xFC80  }
0x1b7: {  	[tilespmem:s18], [sflag:$0x1] =	stream.indirect_vreg.gather [hbm4b:s7+s3], $0x80, v5, vm0, $0xb8;
	[tilespmem:$0x11480] =	vst v63  }
0x1b8: {  	s20 =	simm.s32 $0x10480  }
0x1b9: {  	[tilespmem:s20], [sflag:$0x1] =	stream.indirect_vreg.gather [hbm4b:s8+s3], $0x80, v5, vm0, $0xb8;
	[tilespmem:$0x11480] =	vst v63  }
0x1ba: {  	s5 =	simm.s32 $0x10C80  }
0x1bb: {  	[tilespmem:s5], [sflag:$0x1] =	stream.indirect_vreg.gather [hbm4b:s9+s3], $0x80, v5, vm0, $0xb8;
	[tilespmem:$0x11480] =	vst v63  }
0x1bc: {  	_ =	swait.ge [sflag:s6], $0x10000  }
0x1bd: {  	[sflag:s6] =	ssyncset.done $0x0  }
0x1be: {  	s11 =	rddreg [dreg:$0xa];
	[sflag:s6] =	ssyncadd.s32 $0xFFFF0000  }
0x1bf: {  	[hbm4b:s11+s3] =	stream.linear.scatter [tilespmem:s26], [sflag:$0x2], $0x10000, $0x38;
	[tilespmem:$0x11480] =	vst v63  }
0x1c0: {  	_ =	swait.ge [sflag:s22], $0x10000  }
0x1c1: {  	[sflag:s22] =	ssyncset.done $0x0  }
0x1c2: {  	[sflag:s22] =	ssyncadd.s32 $0xFFFF0000  }
0x1c3: {  	v5 =	vld [tilespmem:$0x1180];
	_ =	sdelay $0x4  }
0x1c4: {  	v6 =	vshll.u32 v5, $0x3  }
0x1c5: {  	v5 =	vand.u32 $0x7, v5;
	v6 =	vand.u32 $0xFFFFFFC0, v6  }
0x1c6: {  	v5 =	vor.u32 v5, v6  }
0x1c7: {  	v6 =	vperm.xlane v5, v2;
	_ =	sdelay $0x1  }
0x1c8: {  	v6 =	vadd.s32 v3, v6;
	_ =	sdelay $0x4  }
0x1c9: {  	[tilespmem:s26], [sflag:$0x1] =	stream.indirect_vreg.gather [hbm4b:s2+s3], $0x80, v6, vm0, $0xb8;
	[tilespmem:$0x11480] =	vst v63  }
0x1ca: {  	s11 =	simm.s32 $0x1C80;
	v5 =	vperm.xlane v5, v4  }
0x1cb: {  	[tilespmem:s11], [sflag:$0x1] =	stream.indirect_vreg.gather [hbm4b:s7+s3], $0x80, v6, vm0, $0xb8;
	[tilespmem:$0x11480] =	vst v63  }
0x1cc: {  	v5 =	vadd.s32 v3, v5;
	s11 =	simm.s32 $0x2480  }
0x1cd: {  	[tilespmem:s11], [sflag:$0x1] =	stream.indirect_vreg.gather [hbm4b:s8+s3], $0x80, v6, vm0, $0xb8;
	[tilespmem:$0x11480] =	vst v63  }
0x1ce: {  	s11 =	simm.s32 $0x2C80  }
0x1cf: {  	[tilespmem:s11], [sflag:$0x1] =	stream.indirect_vreg.gather [hbm4b:s9+s3], $0x80, v6, vm0, $0xb8;
	[tilespmem:$0x11480] =	vst v63  }
0x1d0: {  	s21 =	simm.s32 $0x3480  }
0x1d1: {  	[tilespmem:s21], [sflag:$0x1] =	stream.indirect_vreg.gather [hbm4b:s2+s3], $0x80, v5, vm0, $0xb8;
	[tilespmem:$0x11480] =	vst v63  }
0x1d2: {  	s23 =	simm.s32 $0x3C80  }
0x1d3: {  	[tilespmem:s23], [sflag:$0x1] =	stream.indirect_vreg.gather [hbm4b:s7+s3], $0x80, v5, vm0, $0xb8;
	[tilespmem:$0x11480] =	vst v63  }
0x1d4: {  	s28 =	simm.s32 $0x4480  }
0x1d5: {  	[tilespmem:s28], [sflag:$0x1] =	stream.indirect_vreg.gather [hbm4b:s8+s3], $0x80, v5, vm0, $0xb8;
	[tilespmem:$0x11480] =	vst v63  }
0x1d6: {  	s11 =	simm.s32 $0x4C80  }
0x1d7: {  	[tilespmem:s11], [sflag:$0x1] =	stream.indirect_vreg.gather [hbm4b:s9+s3], $0x80, v5, vm0, $0xb8;
	[tilespmem:$0x11480] =	vst v63  }
0x1d8: {  	v5 =	vld [tilespmem:$0x1190];
	_ =	sdelay $0x4  }
0x1d9: {  	v6 =	vshll.u32 v5, $0x3  }
0x1da: {  	v5 =	vand.u32 $0x7, v5;
	v6 =	vand.u32 $0xFFFFFFC0, v6  }
0x1db: {  	v5 =	vor.u32 v5, v6  }
0x1dc: {  	v6 =	vperm.xlane v5, v2;
	_ =	sdelay $0x1  }
0x1dd: {  	v6 =	vadd.s32 v3, v6;
	_ =	sdelay $0x3  }
0x1de: {  	s11 =	simm.s32 $0x5480  }
0x1df: {  	[tilespmem:s11], [sflag:$0x1] =	stream.indirect_vreg.gather [hbm4b:s2+s3], $0x80, v6, vm0, $0xb8;
	[tilespmem:$0x11480] =	vst v63  }
0x1e0: {  	v5 =	vperm.xlane v5, v4;
	s11 =	simm.s32 $0x5C80  }
0x1e1: {  	[tilespmem:s11], [sflag:$0x1] =	stream.indirect_vreg.gather [hbm4b:s7+s3], $0x80, v6, vm0, $0xb8;
	[tilespmem:$0x11480] =	vst v63  }
0x1e2: {  	s29 =	simm.s32 $0x6480;
	v5 =	vadd.s32 v3, v5  }
0x1e3: {  	[tilespmem:s29], [sflag:$0x1] =	stream.indirect_vreg.gather [hbm4b:s8+s3], $0x80, v6, vm0, $0xb8;
	[tilespmem:$0x11480] =	vst v63  }
0x1e4: {  	s30 =	simm.s32 $0x6C80  }
0x1e5: {  	[tilespmem:s30], [sflag:$0x1] =	stream.indirect_vreg.gather [hbm4b:s9+s3], $0x80, v6, vm0, $0xb8;
	[tilespmem:$0x11480] =	vst v63  }
0x1e6: {  	s31 =	simm.s32 $0x7480  }
0x1e7: {  	[tilespmem:s31], [sflag:$0x1] =	stream.indirect_vreg.gather [hbm4b:s2+s3], $0x80, v5, vm0, $0xb8;
	[tilespmem:$0x11480] =	vst v63  }
0x1e8: {  	s11 =	simm.s32 $0x7C80  }
0x1e9: {  	[tilespmem:s11], [sflag:$0x1] =	stream.indirect_vreg.gather [hbm4b:s7+s3], $0x80, v5, vm0, $0xb8;
	[tilespmem:$0x11480] =	vst v63  }
0x1ea: {  	s10 =	simm.s32 $0x8480  }
0x1eb: {  	[tilespmem:s10], [sflag:$0x1] =	stream.indirect_vreg.gather [hbm4b:s8+s3], $0x80, v5, vm0, $0xb8;
	[tilespmem:$0x11480] =	vst v63  }
0x1ec: {  	s0 =	simm.s32 $0x8C80  }
0x1ed: {  	[tilespmem:s0], [sflag:$0x1] =	stream.indirect_vreg.gather [hbm4b:s9+s3], $0x80, v5, vm0, $0xb8;
	[tilespmem:$0x11480] =	vst v63  }
0x1ee: {  	v5 =	vld [tilespmem:$0x11A0];
	_ =	sdelay $0x4  }
0x1ef: {  	v6 =	vshll.u32 v5, $0x3  }
0x1f0: {  	v5 =	vand.u32 $0x7, v5;
	v6 =	vand.u32 $0xFFFFFFC0, v6  }
0x1f1: {  	v5 =	vor.u32 v5, v6  }
0x1f2: {  	v6 =	vperm.xlane v5, v2;
	_ =	sdelay $0x1  }
0x1f3: {  	v6 =	vadd.s32 v3, v6;
	_ =	sdelay $0x3  }
0x1f4: {  	s4 =	simm.s32 $0x9480  }
0x1f5: {  	[tilespmem:s4], [sflag:$0x1] =	stream.indirect_vreg.gather [hbm4b:s2+s3], $0x80, v6, vm0, $0xb8;
	[tilespmem:$0x11480] =	vst v63  }
0x1f6: {  	s1 =	simm.s32 $0x9C80;
	v5 =	vperm.xlane v5, v4  }
0x1f7: {  	[tilespmem:s1], [sflag:$0x1] =	stream.indirect_vreg.gather [hbm4b:s7+s3], $0x80, v6, vm0, $0xb8;
	[tilespmem:$0x11480] =	vst v63  }
0x1f8: {  	s11 =	simm.s32 $0xA480;
	v5 =	vadd.s32 v3, v5  }
0x1f9: {  	[tilespmem:s11], [sflag:$0x1] =	stream.indirect_vreg.gather [hbm4b:s8+s3], $0x80, v6, vm0, $0xb8;
	[tilespmem:$0x11480] =	vst v63  }
0x1fa: {  	s19 =	simm.s32 $0xAC80  }
0x1fb: {  	[tilespmem:s19], [sflag:$0x1] =	stream.indirect_vreg.gather [hbm4b:s9+s3], $0x80, v6, vm0, $0xb8;
	[tilespmem:$0x11480] =	vst v63  }
0x1fc: {  	s15 =	simm.s32 $0xB480  }
0x1fd: {  	[tilespmem:s15], [sflag:$0x1] =	stream.indirect_vreg.gather [hbm4b:s2+s3], $0x80, v5, vm0, $0xb8;
	[tilespmem:$0x11480] =	vst v63  }
0x1fe: {  	s16 =	simm.s32 $0xBC80  }
0x1ff: {  	[tilespmem:s16], [sflag:$0x1] =	stream.indirect_vreg.gather [hbm4b:s7+s3], $0x80, v5, vm0, $0xb8;
	[tilespmem:$0x11480] =	vst v63  }
0x200: {  	s17 =	simm.s32 $0xC480  }
0x201: {  	[tilespmem:s17], [sflag:$0x1] =	stream.indirect_vreg.gather [hbm4b:s8+s3], $0x80, v5, vm0, $0xb8;
	[tilespmem:$0x11480] =	vst v63  }
0x202: {  	s11 =	simm.s32 $0xCC80  }
0x203: {  	[tilespmem:s11], [sflag:$0x1] =	stream.indirect_vreg.gather [hbm4b:s9+s3], $0x80, v5, vm0, $0xb8;
	[tilespmem:$0x11480] =	vst v63  }
0x204: {  	v5 =	vld [tilespmem:$0x11B0];
	_ =	sdelay $0x4  }
0x205: {  	v6 =	vshll.u32 v5, $0x3  }
0x206: {  	v5 =	vand.u32 $0x7, v5;
	v6 =	vand.u32 $0xFFFFFFC0, v6  }
0x207: {  	v5 =	vor.u32 v5, v6  }
0x208: {  	v6 =	vperm.xlane v5, v2;
	_ =	sdelay $0x1  }
0x209: {  	v6 =	vadd.s32 v3, v6;
	_ =	sdelay $0x3  }
0x20a: {  	s11 =	simm.s32 $0xD480  }
0x20b: {  	[tilespmem:s11], [sflag:$0x1] =	stream.indirect_vreg.gather [hbm4b:s2+s3], $0x80, v6, vm0, $0xb8;
	[tilespmem:$0x11480] =	vst v63  }
0x20c: {  	v5 =	vperm.xlane v5, v4;
	s11 =	simm.s32 $0xDC80  }
0x20d: {  	[tilespmem:s11], [sflag:$0x1] =	stream.indirect_vreg.gather [hbm4b:s7+s3], $0x80, v6, vm0, $0xb8;
	[tilespmem:$0x11480] =	vst v63  }
0x20e: {  	s12 =	simm.s32 $0xE480;
	v5 =	vadd.s32 v3, v5  }
0x20f: {  	[tilespmem:s12], [sflag:$0x1] =	stream.indirect_vreg.gather [hbm4b:s8+s3], $0x80, v6, vm0, $0xb8;
	[tilespmem:$0x11480] =	vst v63  }
0x210: {  	s14 =	simm.s32 $0xEC80  }
0x211: {  	[tilespmem:s14], [sflag:$0x1] =	stream.indirect_vreg.gather [hbm4b:s9+s3], $0x80, v6, vm0, $0xb8;
	[tilespmem:$0x11480] =	vst v63  }
0x212: {  	s13 =	simm.s32 $0xF480  }
0x213: {  	[tilespmem:s13], [sflag:$0x1] =	stream.indirect_vreg.gather [hbm4b:s2+s3], $0x80, v5, vm0, $0xb8;
	[tilespmem:$0x11480] =	vst v63  }
0x214: {  	s18 =	simm.s32 $0xFC80  }
0x215: {  	[tilespmem:s18], [sflag:$0x1] =	stream.indirect_vreg.gather [hbm4b:s7+s3], $0x80, v5, vm0, $0xb8;
	[tilespmem:$0x11480] =	vst v63  }
0x216: {  	s20 =	simm.s32 $0x10480  }
0x217: {  	[tilespmem:s20], [sflag:$0x1] =	stream.indirect_vreg.gather [hbm4b:s8+s3], $0x80, v5, vm0, $0xb8;
	[tilespmem:$0x11480] =	vst v63  }
0x218: {  	s5 =	simm.s32 $0x10C80  }
0x219: {  	[tilespmem:s5], [sflag:$0x1] =	stream.indirect_vreg.gather [hbm4b:s9+s3], $0x80, v5, vm0, $0xb8;
	[tilespmem:$0x11480] =	vst v63  }
0x21a: {  	_ =	swait.ge [sflag:s6], $0x10000  }
0x21b: {  	[sflag:s6] =	ssyncset.done $0x0  }
0x21c: {  	s11 =	rddreg [dreg:$0xb];
	[sflag:s6] =	ssyncadd.s32 $0xFFFF0000  }
0x21d: {  	[hbm4b:s11+s3] =	stream.linear.scatter [tilespmem:s26], [sflag:$0x2], $0x10000, $0x38;
	[tilespmem:$0x11480] =	vst v63  }
0x21e: {  	_ =	swait.ge [sflag:s22], $0x10000  }
0x21f: {  	[sflag:s22] =	ssyncset.done $0x0  }
0x220: {  	[sflag:s22] =	ssyncadd.s32 $0xFFFF0000  }
0x221: {  	v5 =	vld [tilespmem:$0x11C0];
	_ =	sdelay $0x4  }
0x222: {  	v6 =	vshll.u32 v5, $0x3  }
0x223: {  	v5 =	vand.u32 $0x7, v5;
	v6 =	vand.u32 $0xFFFFFFC0, v6  }
0x224: {  	v5 =	vor.u32 v5, v6  }
0x225: {  	v6 =	vperm.xlane v5, v2;
	_ =	sdelay $0x1  }
0x226: {  	v6 =	vadd.s32 v3, v6;
	_ =	sdelay $0x4  }
0x227: {  	[tilespmem:s26], [sflag:$0x1] =	stream.indirect_vreg.gather [hbm4b:s2+s3], $0x80, v6, vm0, $0xb8;
	[tilespmem:$0x11480] =	vst v63  }
0x228: {  	s11 =	simm.s32 $0x1C80;
	v5 =	vperm.xlane v5, v4  }
0x229: {  	[tilespmem:s11], [sflag:$0x1] =	stream.indirect_vreg.gather [hbm4b:s7+s3], $0x80, v6, vm0, $0xb8;
	[tilespmem:$0x11480] =	vst v63  }
0x22a: {  	v5 =	vadd.s32 v3, v5;
	s11 =	simm.s32 $0x2480  }
0x22b: {  	[tilespmem:s11], [sflag:$0x1] =	stream.indirect_vreg.gather [hbm4b:s8+s3], $0x80, v6, vm0, $0xb8;
	[tilespmem:$0x11480] =	vst v63  }
0x22c: {  	s11 =	simm.s32 $0x2C80  }
0x22d: {  	[tilespmem:s11], [sflag:$0x1] =	stream.indirect_vreg.gather [hbm4b:s9+s3], $0x80, v6, vm0, $0xb8;
	[tilespmem:$0x11480] =	vst v63  }
0x22e: {  	s21 =	simm.s32 $0x3480  }
0x22f: {  	[tilespmem:s21], [sflag:$0x1] =	stream.indirect_vreg.gather [hbm4b:s2+s3], $0x80, v5, vm0, $0xb8;
	[tilespmem:$0x11480] =	vst v63  }
0x230: {  	s23 =	simm.s32 $0x3C80  }
0x231: {  	[tilespmem:s23], [sflag:$0x1] =	stream.indirect_vreg.gather [hbm4b:s7+s3], $0x80, v5, vm0, $0xb8;
	[tilespmem:$0x11480] =	vst v63  }
0x232: {  	s28 =	simm.s32 $0x4480  }
0x233: {  	[tilespmem:s28], [sflag:$0x1] =	stream.indirect_vreg.gather [hbm4b:s8+s3], $0x80, v5, vm0, $0xb8;
	[tilespmem:$0x11480] =	vst v63  }
0x234: {  	s11 =	simm.s32 $0x4C80  }
0x235: {  	[tilespmem:s11], [sflag:$0x1] =	stream.indirect_vreg.gather [hbm4b:s9+s3], $0x80, v5, vm0, $0xb8;
	[tilespmem:$0x11480] =	vst v63  }
0x236: {  	v5 =	vld [tilespmem:$0x11D0];
	_ =	sdelay $0x4  }
0x237: {  	v6 =	vshll.u32 v5, $0x3  }
0x238: {  	v5 =	vand.u32 $0x7, v5;
	v6 =	vand.u32 $0xFFFFFFC0, v6  }
0x239: {  	v5 =	vor.u32 v5, v6  }
0x23a: {  	v6 =	vperm.xlane v5, v2;
	_ =	sdelay $0x1  }
0x23b: {  	v6 =	vadd.s32 v3, v6;
	_ =	sdelay $0x3  }
0x23c: {  	s11 =	simm.s32 $0x5480  }
0x23d: {  	[tilespmem:s11], [sflag:$0x1] =	stream.indirect_vreg.gather [hbm4b:s2+s3], $0x80, v6, vm0, $0xb8;
	[tilespmem:$0x11480] =	vst v63  }
0x23e: {  	v5 =	vperm.xlane v5, v4;
	s11 =	simm.s32 $0x5C80  }
0x23f: {  	[tilespmem:s11], [sflag:$0x1] =	stream.indirect_vreg.gather [hbm4b:s7+s3], $0x80, v6, vm0, $0xb8;
	[tilespmem:$0x11480] =	vst v63  }
0x240: {  	s29 =	simm.s32 $0x6480;
	v5 =	vadd.s32 v3, v5  }
0x241: {  	[tilespmem:s29], [sflag:$0x1] =	stream.indirect_vreg.gather [hbm4b:s8+s3], $0x80, v6, vm0, $0xb8;
	[tilespmem:$0x11480] =	vst v63  }
0x242: {  	s30 =	simm.s32 $0x6C80  }
0x243: {  	[tilespmem:s30], [sflag:$0x1] =	stream.indirect_vreg.gather [hbm4b:s9+s3], $0x80, v6, vm0, $0xb8;
	[tilespmem:$0x11480] =	vst v63  }
0x244: {  	s31 =	simm.s32 $0x7480  }
0x245: {  	[tilespmem:s31], [sflag:$0x1] =	stream.indirect_vreg.gather [hbm4b:s2+s3], $0x80, v5, vm0, $0xb8;
	[tilespmem:$0x11480] =	vst v63  }
0x246: {  	s11 =	simm.s32 $0x7C80  }
0x247: {  	[tilespmem:s11], [sflag:$0x1] =	stream.indirect_vreg.gather [hbm4b:s7+s3], $0x80, v5, vm0, $0xb8;
	[tilespmem:$0x11480] =	vst v63  }
0x248: {  	s10 =	simm.s32 $0x8480  }
0x249: {  	[tilespmem:s10], [sflag:$0x1] =	stream.indirect_vreg.gather [hbm4b:s8+s3], $0x80, v5, vm0, $0xb8;
	[tilespmem:$0x11480] =	vst v63  }
0x24a: {  	s0 =	simm.s32 $0x8C80  }
0x24b: {  	[tilespmem:s0], [sflag:$0x1] =	stream.indirect_vreg.gather [hbm4b:s9+s3], $0x80, v5, vm0, $0xb8;
	[tilespmem:$0x11480] =	vst v63  }
0x24c: {  	v5 =	vld [tilespmem:$0x11E0];
	_ =	sdelay $0x4  }
0x24d: {  	v6 =	vshll.u32 v5, $0x3  }
0x24e: {  	v5 =	vand.u32 $0x7, v5;
	v6 =	vand.u32 $0xFFFFFFC0, v6  }
0x24f: {  	v5 =	vor.u32 v5, v6  }
0x250: {  	v6 =	vperm.xlane v5, v2;
	_ =	sdelay $0x1  }
0x251: {  	v6 =	vadd.s32 v3, v6;
	_ =	sdelay $0x3  }
0x252: {  	s4 =	simm.s32 $0x9480  }
0x253: {  	[tilespmem:s4], [sflag:$0x1] =	stream.indirect_vreg.gather [hbm4b:s2+s3], $0x80, v6, vm0, $0xb8;
	[tilespmem:$0x11480] =	vst v63  }
0x254: {  	s1 =	simm.s32 $0x9C80;
	v5 =	vperm.xlane v5, v4  }
0x255: {  	[tilespmem:s1], [sflag:$0x1] =	stream.indirect_vreg.gather [hbm4b:s7+s3], $0x80, v6, vm0, $0xb8;
	[tilespmem:$0x11480] =	vst v63  }
0x256: {  	s11 =	simm.s32 $0xA480;
	v5 =	vadd.s32 v3, v5  }
0x257: {  	[tilespmem:s11], [sflag:$0x1] =	stream.indirect_vreg.gather [hbm4b:s8+s3], $0x80, v6, vm0, $0xb8;
	[tilespmem:$0x11480] =	vst v63  }
0x258: {  	s19 =	simm.s32 $0xAC80  }
0x259: {  	[tilespmem:s19], [sflag:$0x1] =	stream.indirect_vreg.gather [hbm4b:s9+s3], $0x80, v6, vm0, $0xb8;
	[tilespmem:$0x11480] =	vst v63  }
0x25a: {  	s15 =	simm.s32 $0xB480  }
0x25b: {  	[tilespmem:s15], [sflag:$0x1] =	stream.indirect_vreg.gather [hbm4b:s2+s3], $0x80, v5, vm0, $0xb8;
	[tilespmem:$0x11480] =	vst v63  }
0x25c: {  	s16 =	simm.s32 $0xBC80  }
0x25d: {  	[tilespmem:s16], [sflag:$0x1] =	stream.indirect_vreg.gather [hbm4b:s7+s3], $0x80, v5, vm0, $0xb8;
	[tilespmem:$0x11480] =	vst v63  }
0x25e: {  	s17 =	simm.s32 $0xC480  }
0x25f: {  	[tilespmem:s17], [sflag:$0x1] =	stream.indirect_vreg.gather [hbm4b:s8+s3], $0x80, v5, vm0, $0xb8;
	[tilespmem:$0x11480] =	vst v63  }
0x260: {  	s11 =	simm.s32 $0xCC80  }
0x261: {  	[tilespmem:s11], [sflag:$0x1] =	stream.indirect_vreg.gather [hbm4b:s9+s3], $0x80, v5, vm0, $0xb8;
	[tilespmem:$0x11480] =	vst v63  }
0x262: {  	v5 =	vld [tilespmem:$0x11F0];
	_ =	sdelay $0x4  }
0x263: {  	v6 =	vshll.u32 v5, $0x3  }
0x264: {  	v5 =	vand.u32 $0x7, v5;
	v6 =	vand.u32 $0xFFFFFFC0, v6  }
0x265: {  	v5 =	vor.u32 v5, v6  }
0x266: {  	v6 =	vperm.xlane v5, v2;
	_ =	sdelay $0x1  }
0x267: {  	v6 =	vadd.s32 v3, v6;
	_ =	sdelay $0x3  }
0x268: {  	s11 =	simm.s32 $0xD480  }
0x269: {  	[tilespmem:s11], [sflag:$0x1] =	stream.indirect_vreg.gather [hbm4b:s2+s3], $0x80, v6, vm0, $0xb8;
	[tilespmem:$0x11480] =	vst v63  }
0x26a: {  	v5 =	vperm.xlane v5, v4;
	s11 =	simm.s32 $0xDC80  }
0x26b: {  	[tilespmem:s11], [sflag:$0x1] =	stream.indirect_vreg.gather [hbm4b:s7+s3], $0x80, v6, vm0, $0xb8;
	[tilespmem:$0x11480] =	vst v63  }
0x26c: {  	s12 =	simm.s32 $0xE480;
	v5 =	vadd.s32 v3, v5  }
0x26d: {  	[tilespmem:s12], [sflag:$0x1] =	stream.indirect_vreg.gather [hbm4b:s8+s3], $0x80, v6, vm0, $0xb8;
	[tilespmem:$0x11480] =	vst v63  }
0x26e: {  	s14 =	simm.s32 $0xEC80  }
0x26f: {  	[tilespmem:s14], [sflag:$0x1] =	stream.indirect_vreg.gather [hbm4b:s9+s3], $0x80, v6, vm0, $0xb8;
	[tilespmem:$0x11480] =	vst v63  }
0x270: {  	s13 =	simm.s32 $0xF480  }
0x271: {  	[tilespmem:s13], [sflag:$0x1] =	stream.indirect_vreg.gather [hbm4b:s2+s3], $0x80, v5, vm0, $0xb8;
	[tilespmem:$0x11480] =	vst v63  }
0x272: {  	s18 =	simm.s32 $0xFC80  }
0x273: {  	[tilespmem:s18], [sflag:$0x1] =	stream.indirect_vreg.gather [hbm4b:s7+s3], $0x80, v5, vm0, $0xb8;
	[tilespmem:$0x11480] =	vst v63  }
0x274: {  	s20 =	simm.s32 $0x10480  }
0x275: {  	[tilespmem:s20], [sflag:$0x1] =	stream.indirect_vreg.gather [hbm4b:s8+s3], $0x80, v5, vm0, $0xb8;
	[tilespmem:$0x11480] =	vst v63  }
0x276: {  	s5 =	simm.s32 $0x10C80  }
0x277: {  	[tilespmem:s5], [sflag:$0x1] =	stream.indirect_vreg.gather [hbm4b:s9+s3], $0x80, v5, vm0, $0xb8;
	[tilespmem:$0x11480] =	vst v63  }
0x278: {  	_ =	swait.ge [sflag:s6], $0x10000  }
0x279: {  	[sflag:s6] =	ssyncset.done $0x0  }
0x27a: {  	s5 =	rddreg [dreg:$0xc];
	[sflag:s6] =	ssyncadd.s32 $0xFFFF0000  }
0x27b: {  	[hbm4b:s5+s3] =	stream.linear.scatter [tilespmem:s26], [sflag:$0x2], $0x10000, $0x38;
	[tilespmem:$0x11480] =	vst v63  }
0x27c: {  	_ =	swait.ge [sflag:s22], $0x10000  }
0x27d: {  	[sflag:s22] =	ssyncset.done $0x0  }
0x27e: {  	[sflag:s22] =	ssyncadd.s32 $0xFFFF0000  }
0x27f: {  	v5 =	vld [tilespmem:$0x1200];
	_ =	sdelay $0x4  }
0x280: {  	v6 =	vshll.u32 v5, $0x3  }
0x281: {  	v5 =	vand.u32 $0x7, v5;
	v6 =	vand.u32 $0xFFFFFFC0, v6  }
0x282: {  	v5 =	vor.u32 v5, v6  }
0x283: {  	v6 =	vperm.xlane v5, v2;
	_ =	sdelay $0x1  }
0x284: {  	v6 =	vadd.s32 v3, v6;
	_ =	sdelay $0x4  }
0x285: {  	[tilespmem:s26], [sflag:$0x1] =	stream.indirect_vreg.gather [hbm4b:s2+s3], $0x80, v6, vm0, $0xb8;
	[tilespmem:$0x11480] =	vst v63  }
0x286: {  	s20 =	simm.s32 $0x1C80;
	v5 =	vperm.xlane v5, v4  }
0x287: {  	[tilespmem:s20], [sflag:$0x1] =	stream.indirect_vreg.gather [hbm4b:s7+s3], $0x80, v6, vm0, $0xb8;
	[tilespmem:$0x11480] =	vst v63  }
0x288: {  	s11 =	simm.s32 $0x2480;
	v5 =	vadd.s32 v3, v5  }
0x289: {  	[tilespmem:s11], [sflag:$0x1] =	stream.indirect_vreg.gather [hbm4b:s8+s3], $0x80, v6, vm0, $0xb8;
	[tilespmem:$0x11480] =	vst v63  }
0x28a: {  	s20 =	simm.s32 $0x2C80  }
0x28b: {  	[tilespmem:s20], [sflag:$0x1] =	stream.indirect_vreg.gather [hbm4b:s9+s3], $0x80, v6, vm0, $0xb8;
	[tilespmem:$0x11480] =	vst v63  }
0x28c: {  	s21 =	simm.s32 $0x3480  }
0x28d: {  	[tilespmem:s21], [sflag:$0x1] =	stream.indirect_vreg.gather [hbm4b:s2+s3], $0x80, v5, vm0, $0xb8;
	[tilespmem:$0x11480] =	vst v63  }
0x28e: {  	s23 =	simm.s32 $0x3C80  }
0x28f: {  	[tilespmem:s23], [sflag:$0x1] =	stream.indirect_vreg.gather [hbm4b:s7+s3], $0x80, v5, vm0, $0xb8;
	[tilespmem:$0x11480] =	vst v63  }
0x290: {  	s28 =	simm.s32 $0x4480  }
0x291: {  	[tilespmem:s28], [sflag:$0x1] =	stream.indirect_vreg.gather [hbm4b:s8+s3], $0x80, v5, vm0, $0xb8;
	[tilespmem:$0x11480] =	vst v63  }
0x292: {  	s28 =	simm.s32 $0x4C80  }
0x293: {  	[tilespmem:s28], [sflag:$0x1] =	stream.indirect_vreg.gather [hbm4b:s9+s3], $0x80, v5, vm0, $0xb8;
	[tilespmem:$0x11480] =	vst v63  }
0x294: {  	v5 =	vld [tilespmem:$0x1210];
	_ =	sdelay $0x4  }
0x295: {  	v6 =	vshll.u32 v5, $0x3  }
0x296: {  	v5 =	vand.u32 $0x7, v5;
	v6 =	vand.u32 $0xFFFFFFC0, v6  }
0x297: {  	v5 =	vor.u32 v5, v6  }
0x298: {  	v6 =	vperm.xlane v5, v2;
	_ =	sdelay $0x1  }
0x299: {  	v6 =	vadd.s32 v3, v6;
	_ =	sdelay $0x3  }
0x29a: {  	s11 =	simm.s32 $0x5480  }
0x29b: {  	[tilespmem:s11], [sflag:$0x1] =	stream.indirect_vreg.gather [hbm4b:s2+s3], $0x80, v6, vm0, $0xb8;
	[tilespmem:$0x11480] =	vst v63  }
0x29c: {  	s28 =	simm.s32 $0x5C80;
	v5 =	vperm.xlane v5, v4  }
0x29d: {  	[tilespmem:s28], [sflag:$0x1] =	stream.indirect_vreg.gather [hbm4b:s7+s3], $0x80, v6, vm0, $0xb8;
	[tilespmem:$0x11480] =	vst v63  }
0x29e: {  	s29 =	simm.s32 $0x6480;
	v5 =	vadd.s32 v3, v5  }
0x29f: {  	[tilespmem:s29], [sflag:$0x1] =	stream.indirect_vreg.gather [hbm4b:s8+s3], $0x80, v6, vm0, $0xb8;
	[tilespmem:$0x11480] =	vst v63  }
0x2a0: {  	s30 =	simm.s32 $0x6C80  }
0x2a1: {  	[tilespmem:s30], [sflag:$0x1] =	stream.indirect_vreg.gather [hbm4b:s9+s3], $0x80, v6, vm0, $0xb8;
	[tilespmem:$0x11480] =	vst v63  }
0x2a2: {  	s31 =	simm.s32 $0x7480  }
0x2a3: {  	[tilespmem:s31], [sflag:$0x1] =	stream.indirect_vreg.gather [hbm4b:s2+s3], $0x80, v5, vm0, $0xb8;
	[tilespmem:$0x11480] =	vst v63  }
0x2a4: {  	s31 =	simm.s32 $0x7C80  }
0x2a5: {  	[tilespmem:s31], [sflag:$0x1] =	stream.indirect_vreg.gather [hbm4b:s7+s3], $0x80, v5, vm0, $0xb8;
	[tilespmem:$0x11480] =	vst v63  }
0x2a6: {  	s10 =	simm.s32 $0x8480  }
0x2a7: {  	[tilespmem:s10], [sflag:$0x1] =	stream.indirect_vreg.gather [hbm4b:s8+s3], $0x80, v5, vm0, $0xb8;
	[tilespmem:$0x11480] =	vst v63  }
0x2a8: {  	s0 =	simm.s32 $0x8C80  }
0x2a9: {  	[tilespmem:s0], [sflag:$0x1] =	stream.indirect_vreg.gather [hbm4b:s9+s3], $0x80, v5, vm0, $0xb8;
	[tilespmem:$0x11480] =	vst v63  }
0x2aa: {  	v5 =	vld [tilespmem:$0x1220];
	_ =	sdelay $0x4  }
0x2ab: {  	v6 =	vshll.u32 v5, $0x3  }
0x2ac: {  	v5 =	vand.u32 $0x7, v5;
	v6 =	vand.u32 $0xFFFFFFC0, v6  }
0x2ad: {  	v5 =	vor.u32 v5, v6  }
0x2ae: {  	v6 =	vperm.xlane v5, v2;
	_ =	sdelay $0x1  }
0x2af: {  	v6 =	vadd.s32 v3, v6;
	_ =	sdelay $0x3  }
0x2b0: {  	s4 =	simm.s32 $0x9480  }
0x2b1: {  	[tilespmem:s4], [sflag:$0x1] =	stream.indirect_vreg.gather [hbm4b:s2+s3], $0x80, v6, vm0, $0xb8;
	[tilespmem:$0x11480] =	vst v63  }
0x2b2: {  	s1 =	simm.s32 $0x9C80;
	v5 =	vperm.xlane v5, v4  }
0x2b3: {  	[tilespmem:s1], [sflag:$0x1] =	stream.indirect_vreg.gather [hbm4b:s7+s3], $0x80, v6, vm0, $0xb8;
	[tilespmem:$0x11480] =	vst v63  }
0x2b4: {  	s11 =	simm.s32 $0xA480;
	v5 =	vadd.s32 v3, v5  }
0x2b5: {  	[tilespmem:s11], [sflag:$0x1] =	stream.indirect_vreg.gather [hbm4b:s8+s3], $0x80, v6, vm0, $0xb8;
	[tilespmem:$0x11480] =	vst v63  }
0x2b6: {  	s19 =	simm.s32 $0xAC80  }
0x2b7: {  	[tilespmem:s19], [sflag:$0x1] =	stream.indirect_vreg.gather [hbm4b:s9+s3], $0x80, v6, vm0, $0xb8;
	[tilespmem:$0x11480] =	vst v63  }
0x2b8: {  	s15 =	simm.s32 $0xB480  }
0x2b9: {  	[tilespmem:s15], [sflag:$0x1] =	stream.indirect_vreg.gather [hbm4b:s2+s3], $0x80, v5, vm0, $0xb8;
	[tilespmem:$0x11480] =	vst v63  }
0x2ba: {  	s16 =	simm.s32 $0xBC80  }
0x2bb: {  	[tilespmem:s16], [sflag:$0x1] =	stream.indirect_vreg.gather [hbm4b:s7+s3], $0x80, v5, vm0, $0xb8;
	[tilespmem:$0x11480] =	vst v63  }
0x2bc: {  	s17 =	simm.s32 $0xC480  }
0x2bd: {  	[tilespmem:s17], [sflag:$0x1] =	stream.indirect_vreg.gather [hbm4b:s8+s3], $0x80, v5, vm0, $0xb8;
	[tilespmem:$0x11480] =	vst v63  }
0x2be: {  	s17 =	simm.s32 $0xCC80  }
0x2bf: {  	[tilespmem:s17], [sflag:$0x1] =	stream.indirect_vreg.gather [hbm4b:s9+s3], $0x80, v5, vm0, $0xb8;
	[tilespmem:$0x11480] =	vst v63  }
0x2c0: {  	v5 =	vld [tilespmem:$0x1230];
	_ =	sdelay $0x4  }
0x2c1: {  	v6 =	vshll.u32 v5, $0x3  }
0x2c2: {  	v5 =	vand.u32 $0x7, v5;
	v6 =	vand.u32 $0xFFFFFFC0, v6  }
0x2c3: {  	v5 =	vor.u32 v5, v6  }
0x2c4: {  	v6 =	vperm.xlane v5, v2;
	_ =	sdelay $0x1  }
0x2c5: {  	v6 =	vadd.s32 v3, v6;
	_ =	sdelay $0x3  }
0x2c6: {  	s17 =	simm.s32 $0xD480  }
0x2c7: {  	[tilespmem:s17], [sflag:$0x1] =	stream.indirect_vreg.gather [hbm4b:s2+s3], $0x80, v6, vm0, $0xb8;
	[tilespmem:$0x11480] =	vst v63  }
0x2c8: {  	v5 =	vperm.xlane v5, v4;
	s17 =	simm.s32 $0xDC80  }
0x2c9: {  	[tilespmem:s17], [sflag:$0x1] =	stream.indirect_vreg.gather [hbm4b:s7+s3], $0x80, v6, vm0, $0xb8;
	[tilespmem:$0x11480] =	vst v63  }
0x2ca: {  	s12 =	simm.s32 $0xE480;
	v5 =	vadd.s32 v3, v5  }
0x2cb: {  	[tilespmem:s12], [sflag:$0x1] =	stream.indirect_vreg.gather [hbm4b:s8+s3], $0x80, v6, vm0, $0xb8;
	[tilespmem:$0x11480] =	vst v63  }
0x2cc: {  	s14 =	simm.s32 $0xEC80  }
0x2cd: {  	[tilespmem:s14], [sflag:$0x1] =	stream.indirect_vreg.gather [hbm4b:s9+s3], $0x80, v6, vm0, $0xb8;
	[tilespmem:$0x11480] =	vst v63  }
0x2ce: {  	s13 =	simm.s32 $0xF480  }
0x2cf: {  	[tilespmem:s13], [sflag:$0x1] =	stream.indirect_vreg.gather [hbm4b:s2+s3], $0x80, v5, vm0, $0xb8;
	[tilespmem:$0x11480] =	vst v63  }
0x2d0: {  	s18 =	simm.s32 $0xFC80  }
0x2d1: {  	[tilespmem:s18], [sflag:$0x1] =	stream.indirect_vreg.gather [hbm4b:s7+s3], $0x80, v5, vm0, $0xb8;
	[tilespmem:$0x11480] =	vst v63  }
0x2d2: {  	s18 =	simm.s32 $0x10480  }
0x2d3: {  	[tilespmem:s18], [sflag:$0x1] =	stream.indirect_vreg.gather [hbm4b:s8+s3], $0x80, v5, vm0, $0xb8;
	[tilespmem:$0x11480] =	vst v63  }
0x2d4: {  	s11 =	simm.s32 $0x10C80  }
0x2d5: {  	[tilespmem:s11], [sflag:$0x1] =	stream.indirect_vreg.gather [hbm4b:s9+s3], $0x80, v5, vm0, $0xb8;
	[tilespmem:$0x11480] =	vst v63  }
0x2d6: {  	_ =	swait.ge [sflag:s6], $0x10000  }
0x2d7: {  	[sflag:s6] =	ssyncset.done $0x0  }
0x2d8: {  	s11 =	rddreg [dreg:$0xd];
	[sflag:s6] =	ssyncadd.s32 $0xFFFF0000  }
0x2d9: {  	[hbm4b:s11+s3] =	stream.linear.scatter [tilespmem:s26], [sflag:$0x2], $0x10000, $0x38;
	[tilespmem:$0x11480] =	vst v63  }
0x2da: {  	_ =	swait.ge [sflag:s22], $0x10000  }
0x2db: {  	[sflag:s22] =	ssyncset.done $0x0  }
0x2dc: {  	[sflag:s22] =	ssyncadd.s32 $0xFFFF0000  }
0x2dd: {  	v5 =	vld [tilespmem:$0x1240];
	_ =	sdelay $0x4  }
0x2de: {  	v6 =	vshll.u32 v5, $0x3  }
0x2df: {  	v5 =	vand.u32 $0x7, v5;
	v6 =	vand.u32 $0xFFFFFFC0, v6  }
0x2e0: {  	v5 =	vor.u32 v5, v6  }
0x2e1: {  	v6 =	vperm.xlane v5, v2;
	_ =	sdelay $0x1  }
0x2e2: {  	v6 =	vadd.s32 v3, v6;
	_ =	sdelay $0x4  }
0x2e3: {  	[tilespmem:s26], [sflag:$0x1] =	stream.indirect_vreg.gather [hbm4b:s2+s3], $0x80, v6, vm0, $0xb8;
	[tilespmem:$0x11480] =	vst v63  }
0x2e4: {  	s11 =	simm.s32 $0x1C80;
	v5 =	vperm.xlane v5, v4  }
0x2e5: {  	[tilespmem:s11], [sflag:$0x1] =	stream.indirect_vreg.gather [hbm4b:s7+s3], $0x80, v6, vm0, $0xb8;
	[tilespmem:$0x11480] =	vst v63  }
0x2e6: {  	v5 =	vadd.s32 v3, v5;
	s11 =	simm.s32 $0x2480  }
0x2e7: {  	[tilespmem:s11], [sflag:$0x1] =	stream.indirect_vreg.gather [hbm4b:s8+s3], $0x80, v6, vm0, $0xb8;
	[tilespmem:$0x11480] =	vst v63  }
0x2e8: {  	s11 =	simm.s32 $0x2C80  }
0x2e9: {  	[tilespmem:s11], [sflag:$0x1] =	stream.indirect_vreg.gather [hbm4b:s9+s3], $0x80, v6, vm0, $0xb8;
	[tilespmem:$0x11480] =	vst v63  }
0x2ea: {  	s20 =	simm.s32 $0x3480  }
0x2eb: {  	[tilespmem:s20], [sflag:$0x1] =	stream.indirect_vreg.gather [hbm4b:s2+s3], $0x80, v5, vm0, $0xb8;
	[tilespmem:$0x11480] =	vst v63  }
0x2ec: {  	s21 =	simm.s32 $0x3C80  }
0x2ed: {  	[tilespmem:s21], [sflag:$0x1] =	stream.indirect_vreg.gather [hbm4b:s7+s3], $0x80, v5, vm0, $0xb8;
	[tilespmem:$0x11480] =	vst v63  }
0x2ee: {  	s23 =	simm.s32 $0x4480  }
0x2ef: {  	[tilespmem:s23], [sflag:$0x1] =	stream.indirect_vreg.gather [hbm4b:s8+s3], $0x80, v5, vm0, $0xb8;
	[tilespmem:$0x11480] =	vst v63  }
0x2f0: {  	s20 =	simm.s32 $0x4C80  }
0x2f1: {  	[tilespmem:s20], [sflag:$0x1] =	stream.indirect_vreg.gather [hbm4b:s9+s3], $0x80, v5, vm0, $0xb8;
	[tilespmem:$0x11480] =	vst v63  }
0x2f2: {  	v5 =	vld [tilespmem:$0x1250];
	_ =	sdelay $0x4  }
0x2f3: {  	v6 =	vshll.u32 v5, $0x3  }
0x2f4: {  	v5 =	vand.u32 $0x7, v5;
	v6 =	vand.u32 $0xFFFFFFC0, v6  }
0x2f5: {  	v5 =	vor.u32 v5, v6  }
0x2f6: {  	v6 =	vperm.xlane v5, v2;
	_ =	sdelay $0x1  }
0x2f7: {  	v6 =	vadd.s32 v3, v6;
	_ =	sdelay $0x3  }
0x2f8: {  	s21 =	simm.s32 $0x5480  }
0x2f9: {  	[tilespmem:s21], [sflag:$0x1] =	stream.indirect_vreg.gather [hbm4b:s2+s3], $0x80, v6, vm0, $0xb8;
	[tilespmem:$0x11480] =	vst v63  }
0x2fa: {  	s23 =	simm.s32 $0x5C80;
	v5 =	vperm.xlane v5, v4  }
0x2fb: {  	[tilespmem:s23], [sflag:$0x1] =	stream.indirect_vreg.gather [hbm4b:s7+s3], $0x80, v6, vm0, $0xb8;
	[tilespmem:$0x11480] =	vst v63  }
0x2fc: {  	s28 =	simm.s32 $0x6480;
	v5 =	vadd.s32 v3, v5  }
0x2fd: {  	[tilespmem:s28], [sflag:$0x1] =	stream.indirect_vreg.gather [hbm4b:s8+s3], $0x80, v6, vm0, $0xb8;
	[tilespmem:$0x11480] =	vst v63  }
0x2fe: {  	s29 =	simm.s32 $0x6C80  }
0x2ff: {  	[tilespmem:s29], [sflag:$0x1] =	stream.indirect_vreg.gather [hbm4b:s9+s3], $0x80, v6, vm0, $0xb8;
	[tilespmem:$0x11480] =	vst v63  }
0x300: {  	s30 =	simm.s32 $0x7480  }
0x301: {  	[tilespmem:s30], [sflag:$0x1] =	stream.indirect_vreg.gather [hbm4b:s2+s3], $0x80, v5, vm0, $0xb8;
	[tilespmem:$0x11480] =	vst v63  }
0x302: {  	s31 =	simm.s32 $0x7C80  }
0x303: {  	[tilespmem:s31], [sflag:$0x1] =	stream.indirect_vreg.gather [hbm4b:s7+s3], $0x80, v5, vm0, $0xb8;
	[tilespmem:$0x11480] =	vst v63  }
0x304: {  	s5 =	simm.s32 $0x8480  }
0x305: {  	[tilespmem:s5], [sflag:$0x1] =	stream.indirect_vreg.gather [hbm4b:s8+s3], $0x80, v5, vm0, $0xb8;
	[tilespmem:$0x11480] =	vst v63  }
0x306: {  	s10 =	simm.s32 $0x8C80  }
0x307: {  	[tilespmem:s10], [sflag:$0x1] =	stream.indirect_vreg.gather [hbm4b:s9+s3], $0x80, v5, vm0, $0xb8;
	[tilespmem:$0x11480] =	vst v63  }
0x308: {  	v5 =	vld [tilespmem:$0x1260];
	_ =	sdelay $0x4  }
0x309: {  	v6 =	vshll.u32 v5, $0x3  }
0x30a: {  	v5 =	vand.u32 $0x7, v5;
	v6 =	vand.u32 $0xFFFFFFC0, v6  }
0x30b: {  	v5 =	vor.u32 v5, v6  }
0x30c: {  	v6 =	vperm.xlane v5, v2;
	_ =	sdelay $0x1  }
0x30d: {  	v6 =	vadd.s32 v3, v6;
	_ =	sdelay $0x3  }
0x30e: {  	s4 =	simm.s32 $0x9480  }
0x30f: {  	[tilespmem:s4], [sflag:$0x1] =	stream.indirect_vreg.gather [hbm4b:s2+s3], $0x80, v6, vm0, $0xb8;
	[tilespmem:$0x11480] =	vst v63  }
0x310: {  	s0 =	simm.s32 $0x9C80;
	v5 =	vperm.xlane v5, v4  }
0x311: {  	[tilespmem:s0], [sflag:$0x1] =	stream.indirect_vreg.gather [hbm4b:s7+s3], $0x80, v6, vm0, $0xb8;
	[tilespmem:$0x11480] =	vst v63  }
0x312: {  	s11 =	simm.s32 $0xA480;
	v5 =	vadd.s32 v3, v5  }
0x313: {  	[tilespmem:s11], [sflag:$0x1] =	stream.indirect_vreg.gather [hbm4b:s8+s3], $0x80, v6, vm0, $0xb8;
	[tilespmem:$0x11480] =	vst v63  }
0x314: {  	s1 =	simm.s32 $0xAC80  }
0x315: {  	[tilespmem:s1], [sflag:$0x1] =	stream.indirect_vreg.gather [hbm4b:s9+s3], $0x80, v6, vm0, $0xb8;
	[tilespmem:$0x11480] =	vst v63  }
0x316: {  	s19 =	simm.s32 $0xB480  }
0x317: {  	[tilespmem:s19], [sflag:$0x1] =	stream.indirect_vreg.gather [hbm4b:s2+s3], $0x80, v5, vm0, $0xb8;
	[tilespmem:$0x11480] =	vst v63  }
0x318: {  	s15 =	simm.s32 $0xBC80  }
0x319: {  	[tilespmem:s15], [sflag:$0x1] =	stream.indirect_vreg.gather [hbm4b:s7+s3], $0x80, v5, vm0, $0xb8;
	[tilespmem:$0x11480] =	vst v63  }
0x31a: {  	s16 =	simm.s32 $0xC480  }
0x31b: {  	[tilespmem:s16], [sflag:$0x1] =	stream.indirect_vreg.gather [hbm4b:s8+s3], $0x80, v5, vm0, $0xb8;
	[tilespmem:$0x11480] =	vst v63  }
0x31c: {  	s20 =	simm.s32 $0xCC80  }
0x31d: {  	[tilespmem:s20], [sflag:$0x1] =	stream.indirect_vreg.gather [hbm4b:s9+s3], $0x80, v5, vm0, $0xb8;
	[tilespmem:$0x11480] =	vst v63  }
0x31e: {  	v5 =	vld [tilespmem:$0x1270];
	_ =	sdelay $0x4  }
0x31f: {  	v6 =	vshll.u32 v5, $0x3  }
0x320: {  	v5 =	vand.u32 $0x7, v5;
	v6 =	vand.u32 $0xFFFFFFC0, v6  }
0x321: {  	v5 =	vor.u32 v5, v6  }
0x322: {  	v6 =	vperm.xlane v5, v2;
	_ =	sdelay $0x1  }
0x323: {  	v6 =	vadd.s32 v3, v6;
	_ =	sdelay $0x3  }
0x324: {  	s21 =	simm.s32 $0xD480  }
0x325: {  	[tilespmem:s21], [sflag:$0x1] =	stream.indirect_vreg.gather [hbm4b:s2+s3], $0x80, v6, vm0, $0xb8;
	[tilespmem:$0x11480] =	vst v63  }
0x326: {  	s23 =	simm.s32 $0xDC80;
	v5 =	vperm.xlane v5, v4  }
0x327: {  	[tilespmem:s23], [sflag:$0x1] =	stream.indirect_vreg.gather [hbm4b:s7+s3], $0x80, v6, vm0, $0xb8;
	[tilespmem:$0x11480] =	vst v63  }
0x328: {  	s17 =	simm.s32 $0xE480;
	v5 =	vadd.s32 v3, v5  }
0x329: {  	[tilespmem:s17], [sflag:$0x1] =	stream.indirect_vreg.gather [hbm4b:s8+s3], $0x80, v6, vm0, $0xb8;
	[tilespmem:$0x11480] =	vst v63  }
0x32a: {  	s14 =	simm.s32 $0xEC80  }
0x32b: {  	[tilespmem:s14], [sflag:$0x1] =	stream.indirect_vreg.gather [hbm4b:s9+s3], $0x80, v6, vm0, $0xb8;
	[tilespmem:$0x11480] =	vst v63  }
0x32c: {  	s12 =	simm.s32 $0xF480  }
0x32d: {  	[tilespmem:s12], [sflag:$0x1] =	stream.indirect_vreg.gather [hbm4b:s2+s3], $0x80, v5, vm0, $0xb8;
	[tilespmem:$0x11480] =	vst v63  }
0x32e: {  	s13 =	simm.s32 $0xFC80  }
0x32f: {  	[tilespmem:s13], [sflag:$0x1] =	stream.indirect_vreg.gather [hbm4b:s7+s3], $0x80, v5, vm0, $0xb8;
	[tilespmem:$0x11480] =	vst v63  }
0x330: {  	s18 =	simm.s32 $0x10480  }
0x331: {  	[tilespmem:s18], [sflag:$0x1] =	stream.indirect_vreg.gather [hbm4b:s8+s3], $0x80, v5, vm0, $0xb8;
	[tilespmem:$0x11480] =	vst v63  }
0x332: {  	s28 =	simm.s32 $0x10C80  }
0x333: {  	[tilespmem:s28], [sflag:$0x1] =	stream.indirect_vreg.gather [hbm4b:s9+s3], $0x80, v5, vm0, $0xb8;
	[tilespmem:$0x11480] =	vst v63  }
0x334: {  	_ =	swait.ge [sflag:s6], $0x10000  }
0x335: {  	[sflag:s6] =	ssyncset.done $0x0  }
0x336: {  	s29 =	rddreg [dreg:$0xe];
	[sflag:s6] =	ssyncadd.s32 $0xFFFF0000  }
0x337: {  	[hbm4b:s29+s3] =	stream.linear.scatter [tilespmem:s26], [sflag:$0x2], $0x10000, $0x38;
	[tilespmem:$0x11480] =	vst v63  }
0x338: {  	_ =	swait.ge [sflag:s22], $0x10000  }
0x339: {  	s30 =	rddreg [dreg:$0x11]  }
0x33a: {  	s31 =	rddreg [dreg:$0x10];
	s1 =	sadd.s32 $0x1, s30  }
0x33b: {  	p0 =	sne.s32 s1, s31  }
.Ltmp2:
0x33c: {  	_ = 	snop;
	(pc) =	sbr.rel @p0 .LBB2_2-.Ltmp2, $3  }
0x33d: {  	_ =	sdelay $0x1  }
0x33e: {  	[sflag:s22] =	ssyncset.done $0x0  }
0x33f: {  	s0 =	simm.s32 $0x80;
	[sflag:s22] =	ssyncadd.s32 $0xFFFF0000  }
.LBB2_5:
0x340: {  	_ =	sfence.sel $0x180000  }
0x341: {  	[bflag:$0x0] =	sbarrier.arrive $0xFFFF  }
0x342: {  	_ =	strace $0x90000047  }
0x343: {  	s0 =	stileid.u32;
	[bflag:$0x2] =	sbarrier.arrive $0xFFFF  }
0x344: {  	p0 =	sne.s32 s0, $0x0;
	s0 =	rddreg [dreg:$0x3]  }
0x345: {  	s0 =	sadd.s32 @!p0 $0x100000, s0  }
0x346: {  	[sflag:s0] =	ssyncadd.tile.s32 @!p0 $0x1;
	_ =	shalt  }
.Lfunc_end2:
_tile_overlayer_lowered:
.L_overlay_start_2:
0x347: {  	(tag) =	ssettag $0x2  }
0x348: {  	s0 =	rddreg [dreg:$0x0];
	s2 =	stileid.u32  }
0x349: {  	s1 =	rddreg [dreg:$0x1];
	p0 =	sne.s32 s2, $0x0  }
0x34a: {  	s3 =	rddreg [dreg:$0x2];
	[bflag:$0x3] =	sbarrier.arrive $0xFFFF;
	s2 =	simm.s32 @!p0 $0x1C02  }
0x34b: {  	[timem:s3], [sflag:s2] =	dma.local @!p0 [hbm:s0], s1  }
0x34c: {  	s0 =	simm.s32 @!p0 $0x2  }
0x34d: {  	_ =	swait.ge @!p0 [sflag:s0], s1  }
0x34e: {  	s1 =	ssub.s32 @!p0 $0x0, s1;
	[sflag:s0] =	ssyncset.done @!p0 $0x0  }
0x34f: {  	[sflag:s0] =	ssyncadd.s32 @!p0 s1  }
0x350: {  	[bflag:$0x3] =	sbarrier.arrive $0xFFFF  }
0x351: {  	_ =	shalt  }

// kernel: sparse-core-data-format-call.cloned.1.call-start
scs
called_computation_lowered:
.L_overlay_start_0:
0x0: {  	s1 =	sld [smem:$0x3FD9]  }
0x1: {  	s2 =	sld [smem:$0x3FFE];
	_ =	sdelay $0x1  }
0x2: {  	s3 =	srdreg.scid  }
0x3: {  	s0 =	sand.u32 $0x1, s3  }
0x4: {  	s17 =	sshll.u32 s0, $0xA;
	s1 =	sadd.s32 s2, s1  }
0x5: {  	s1 =	sadd.s32 s1, s17  }
0x6: {  	[smem:$0x3FC0] =	sst s1  }
0x7: {  	_ = 	snop  }
0x8: {  	(tm) =	ssettm $0x1  }
0x9: {  	s18 =	sld [smem:$0x3FFB];
	_ =	sdelay $0x3  }
0xa: {  	_ =	strace s18  }
0xb: {  	s1 =	sld [smem:$0x3FFC];
	_ =	sdelay $0x3  }
0xc: {  	_ =	strace s1  }
0xd: {  	s1 =	sld [smem:$0x3FFD];
	_ =	sdelay $0x3  }
0xe: {  	_ =	strace s1  }
0xf: {  	_ =	strace $0x8FFFFFFF  }
0x10: {  	s19 =	sld [smem:$0x3FDB];
	_ =	sdelay $0x1  }
0x11: {  	s20 =	simm.s32 $_scs_section_size  }
0x12: {  	s4 =	simm.s32 $_size__tile_overlayer_lowered;
	s5 =	simm.s32 $_tile_overlayer_lowered  }
0x13: {  	s23 =	simm.s32 $0x1BFF;
	s22 =	sshll.u32 s5, $0x1;
	s1 =	sadd.s32 s20, s19  }
0x14: {  	s6 =	simm.s32 $0x0;
	s21 =	sshll.u32 s4, $0x1;
	s4 =	sadd.s32 s22, s1  }
0x15: {  	[timem:s6], [sflag:s23] =	dma.local [hbm:s4], s21  }
0x16: {  	_ =	swait.ge [sflag:s23], s21  }
0x17: {  	s2 =	ssub.s32 $0x0, s21;
	[sflag:s23] =	ssyncset.done $0x0  }
0x18: {  	[sflag:s23] =	ssyncadd.s32 s2;
	_ =	sdelay $0x1  }
0x19: {  	s24 =	simm.s32 $0x1B8B  }
0x1a: {  	_ =	swait.ge [sflag:s24], $0x1  }
0x1b: {  	[sflag:s24] =	ssyncset.done $0x0  }
0x1c: {  	s26 =	simm.s32 $0x1B8E;
	s25 =	sld [smem:$0x3FFE];
	[sflag:s24] =	ssyncadd.s32 $0xFFFFFFFF  }
0x1d: {  	s27 =	simm.s32 $execute0_lowered;
	[smem:$0x3FD2] =	sst s26  }
0x1e: {  	s4 =	sshll.u32 s27, $0x1;
	_ =	strace $0x80000049;
	[dreg:$0x1] =	wrdreg $0xFFFFFFFF  }
0x1f: {  	s28 =	simm.s32 $_size_execute0_lowered;
	s1 =	sadd.s32 s1, s4;
	[dreg:$0x0] =	wrdreg $0x0  }
0x20: {  	s4 =	sshll.u32 s28, $0x1;
	[dreg:$0x2] =	wrdreg s1  }
0x21: {  	[dreg:$0x3] =	wrdreg s4  }
0x22: {  	[dreg:$0x4] =	wrdreg $0xC0  }
0x23: {  	_ =	task [dreg:s6], $0x5FFFF  }
0x24: {  	[dreg:$0x1] =	wrdreg $0xFFFFFFFF  }
0x25: {  	[dreg:$0x0] =	wrdreg $0x60  }
0x26: {  	[dreg:$0x2] =	wrdreg s25  }
0x27: {  	[dreg:$0x3] =	wrdreg $0x9  }
0x28: {  	_ =	task.clear_ibuf [dreg:s6], $0x4FFFF;
	_ =	strace $0x90000049  }
0x29: {  	s29 =	simm.s32 $0x9;
	_ =	strace $0x8000004B  }
0x2a: {  	_ =	swait.ge [sflag:s29], $0x1  }
0x2b: {  	[sflag:s29] =	ssyncadd.s32 $0xFFFFFFFF  }
0x2c: {  	_ =	strace $0x9000004B  }
0x2d: {  	_ =	sfence  }
0x2e: {  	s30 =	sld [smem:$0x0];
	_ =	sdelay $0x2  }
0x2f: {  	s31 =	sshll.u32 s3, $0xD;
	s3 =	sshrl.u32 s3, $0x2  }
0x30: {  	s2 =	sand.u32 $0x4000, s31;
	s1 =	sadd.s32 s3, s30  }
0x31: {  	s0 =	sor.u32 s2, s0;
	s1 =	sshll.u32 s1, $0x11  }
0x32: {  	s0 =	sor.u32 s1, s0  }
0x33: {  	s0 =	sadd.s32 $0x8F2B, s0  }
0x34: {  	[sflag:s0] =	ssyncadd.remote.s32 $0x1  }
0x35: {  	_ =	sfence.sel $0xFFFF  }
0x36: {  	[dreg:$0x0] =	wrdreg $0xFFFFFFFF;
	(pc) =	sbr.abs _section_cstart, $3  }
0x37: {  	[dreg:$0x1] =	wrdreg $0xFFFFFFFF  }
0x38: {  	_ =	task.clear_ibuf [dreg:s6], $0x2FFFF;
	_ =	strace $0x9FFFFFFF  }
0x39: {  	(tm) =	ssettm $0x7FFFFFFF  }
tec
execute0_lowered:
.L_overlay_start_1:
0x0: {  	(tag) =	ssettag $0x1  }
0x1: {  	s0 =	srdreg.scid  }
0x2: {  	s1 =	sshll.u32 s0, $0x4  }
0x3: {  	s4 =	rddreg [dreg:$0x0];
	s0 =	stileid.u32;
	s1 =	sand.u32 $0x10, s1  }
0x4: {  	s7 =	simm.s32 $0x1;
	s8 =	simm.s32 $0x2;
	s2 =	sor.u32 s0, s1  }
0x5: {  	s9 =	simm.s32 $0x0;
	s12 =	simm.s32 $0x0;
	s2 =	sshll.u32 s2, $0x1  }
0x6: {  	s11 =	simm.s32 $0x0;
	s3 =	sadd.s32 $0x102A00, s4;
	s6 =	ssub.s32 $0x400, s2  }
.Ltmp0:
0x7: {  	s4 =	sadd.s32 $0x2000, s4;
	s5 =	sand.u32 $0x3E, s6;
	(pc) =	sbr.rel .LBB1_1-.Ltmp0, $4  }
0x8: {  	s1 =	rddreg [dreg:$0x1];
	_ =	strace $0x8000004A;
	p0 =	sne.s32 s5, $0x0  }
0x9: {  	s6 =	sshrl.u32 s6, $0x6;
	s5 =	simm.s32 $0x1;
	s7 =	simm.s32 @!p0 $0x0  }
0xa: {  	s10 =	smov.u32 s2;
	[sflag:s5] =	ssyncpa.u1 $0x0;
	s6 =	sadd.s32 s7, s6  }
0xb: {  	[sflag:s8] =	ssyncpa.u1 $0x0;
	s8 =	simm.s32 $0x0;
	s7 =	sadd.s32 $0x1, s6  }
.LBB1_9:
0xc: {  	s14 =	sadd.s32 $0x40, s10  }
0xd: {  	p1 =	sgt.s32 s14, $0x3FF  }
0xe: {  	s14 =	smov.u32 @p1 s2;
	p1 =	sne.s32 s11, s7  }
.Ltmp1:
0xf: {  	p0 =	slt.u32 s11, $0x2;
	(pc) =	sbr.rel @!p1 .LBB1_10-.Ltmp1, $4  }
0x10: {  	s13 =	simm.s32 @!p0 $0x2  }
0x11: {  	s15 =	sadd.s32 $0x1, s11;
	_ =	swait.ge @!p0 [sflag:s13], $0x4000  }
0x12: {  	s12 =	smov.u32 s10;
	s9 =	sadd.s32 $0x4000, s9;
	[sflag:s13] =	ssyncset.done @!p0 $0x0  }
0x13: {  	s11 =	smov.u32 s15;
	s10 =	smov.u32 s14;
	[sflag:s13] =	ssyncadd.s32 @!p0 $0xFFFFC000  }
.LBB1_1:
0x14: {  	p0 =	sge.u32 s11, s6  }
0x15: {  	s13 =	sxor.u32 @!p0 $0xFFFFFFFF, s11  }
0x16: {  	s31 =	sadd.s32 $0xFFFFFFFF, s11;
	s14 =	sshll.u32 @!p0 s10, $0xA;
	s13 =	sshll.u32 @!p0 s13, $0xE  }
0x17: {  	s15 =	simm.s32 @!p0 $0x0;
	s14 =	sadd.s32 @!p0 s3, s14;
	s13 =	sand.u32 @!p0 $0x4000, s13  }
0x18: {  	[tilespmem:s13], [sflag:$0x1] =	stream.linear.gather @!p0 [hbm4b:s14+s15], $0x4000, $0x38;
	[tilespmem:$0x10000] =	vst v63  }
0x19: {  	p0 =	sge.u32 s31, s6  }
.Ltmp2:
0x1a: {  	_ = 	snop;
	(pc) =	sbr.rel @p0 .LBB1_9-.Ltmp2, $1  }
0x1b: {  	_ =	sdelay $0x3  }
0x1c: {  	s13 =	sshll.u32 s9, $0x2  }
0x1d: {  	_ =	swait.ge [sflag:s5], $0x4000;
	s14 =	sshll.u32 s11, $0xE;
	s16 =	simm.s32 $0x0  }
0x1e: {  	p1 =	por $0x1, $0x1;
	s13 =	sand.u32 $0x10000, s13;
	[sflag:s5] =	ssyncset.done $0x0  }
0x1f: {  	s14 =	sand.u32 $0x4000, s14;
	s15 =	sshrl.u32 s13, $0x2;
	[sflag:s5] =	ssyncadd.s32 $0xFFFFC000  }
0x20: {  	s13 =	sor.u32 $0x8000, s14;
	s14 =	sadd.s32 $0x8040, s15;
	s15 =	sadd.s32 $0x40, s15  }
.LBB1_3:
0x21: {  	s16 =	sshll.u32 s16, $0x2  }
0x22: {  	p0 =	por p1, p1;
	s17 =	sshra.s32 s16, $0x2  }
0x23: {  	s18 =	simm.s32 $0x0;
	s16 =	sadd.s32 s17, s14;
	s17 =	sadd.s32 s17, s15  }
.LBB1_4:
0x24: {  	v0 =	vmov s17;
	_ =	sdelay $0x3  }
0x25: {  	s20 =	simm.s32 $0x0  }
0x26: {  	v6 =	vld.idx.msk [tilespmem:v0+s20+$0x30 ss:$0x1], $0xffff  }
0x27: {  	v7 =	vld.idx.msk [tilespmem:v0+s20+$0xFFFFFFC0 ss:$0x1], $0xffff  }
0x28: {  	v5 =	vld.idx.msk [tilespmem:v0+s20+$0xFFFFFFD0 ss:$0x1], $0xffff  }
0x29: {  	v4 =	vld.idx.msk [tilespmem:v0+s20+$0xFFFFFFE0 ss:$0x1], $0xffff  }
0x2a: {  	v3 =	vld.idx.msk [tilespmem:v0+s20+$0xFFFFFFF0 ss:$0x1], $0xffff  }
0x2b: {  	v1 =	vld.idx.msk [tilespmem:v0+s20+$0x0 ss:$0x1], $0xffff  }
0x2c: {  	v2 =	vld.idx.msk [tilespmem:v0+s20+$0x10 ss:$0x1], $0xffff;
	[tilespmem:s16+$0x30] =	vst v6  }
0x2d: {  	s19 =	simm.s32 $0x80;
	s21 =	simm.s32 $0x400;
	[tilespmem:s16+$0xFFFFFFC0] =	vst v7;
	v6 =	vld.idx.msk [tilespmem:v0+s20+$0x20 ss:$0x1], $0xffff;
	s20 =	smov.u32 s16  }
.LBB1_5:
0x2e: {  	p1 =	sne.s32 s21, $0xE00;
	v7 =	vld.idx.msk [tilespmem:v0+s19+$0x30 ss:$0x1], $0xffff;
	[tilespmem:s20+$0xFFFFFFD0] =	vst v5  }
0x2f: {  	v8 =	vld.idx.msk [tilespmem:v0+s19+$0xFFFFFFC0 ss:$0x1], $0xffff;
	[tilespmem:s20+$0xFFFFFFE0] =	vst v4  }
0x30: {  	v5 =	vld.idx.msk [tilespmem:v0+s19+$0xFFFFFFD0 ss:$0x1], $0xffff;
	[tilespmem:s20+$0xFFFFFFF0] =	vst v3  }
.Ltmp3:
0x31: {  	v4 =	vld.idx.msk [tilespmem:v0+s19+$0xFFFFFFE0 ss:$0x1], $0xffff;
	[tilespmem:s20+$0x0] =	vst v1;
	(pc) =	sbr.rel @p1 .LBB1_5-.Ltmp3, $4  }
0x32: {  	v3 =	vld.idx.msk [tilespmem:v0+s19+$0xFFFFFFF0 ss:$0x1], $0xffff;
	[tilespmem:s20+$0x10] =	vst v2  }
0x33: {  	v1 =	vld.idx.msk [tilespmem:v0+s19+$0x0 ss:$0x1], $0xffff;
	[tilespmem:s20+$0x20] =	vst v6;
	s20 =	sadd.s32 $0x400, s20  }
0x34: {  	v2 =	vld.idx.msk [tilespmem:v0+s19+$0x10 ss:$0x1], $0xffff;
	[tilespmem:s20+$0x30] =	vst v7  }
0x35: {  	[tilespmem:s20+$0xFFFFFFC0] =	vst v8;
	v6 =	vld.idx.msk [tilespmem:v0+s19+$0x20 ss:$0x1], $0xffff;
	s19 =	sshra.s32 s21, $0x2;
	s21 =	sadd.s32 $0x200, s21  }
0x36: {  	_ =	sdelay $0x2  }
0x37: {  	[tilespmem:s20+$0xFFFFFFD0] =	vst v5  }
0x38: {  	v56 =	vld.idx.msk [tilespmem:v0+s19+$0x30 ss:$0x1], $0xffff;
	[tilespmem:s20+$0xFFFFFFE0] =	vst v4  }
0x39: {  	v57 =	vld.idx.msk [tilespmem:v0+s19+$0xFFFFFFC0 ss:$0x1], $0xffff;
	[tilespmem:s20+$0xFFFFFFF0] =	vst v3  }
0x3a: {  	v58 =	vld.idx.msk [tilespmem:v0+s19+$0xFFFFFFD0 ss:$0x1], $0xffff;
	[tilespmem:s20+$0x0] =	vst v1  }
0x3b: {  	v59 =	vld.idx.msk [tilespmem:v0+s19+$0xFFFFFFE0 ss:$0x1], $0xffff;
	[tilespmem:s20+$0x10] =	vst v2  }
0x3c: {  	v60 =	vld.idx.msk [tilespmem:v0+s19+$0xFFFFFFF0 ss:$0x1], $0xffff;
	s31 =	sadd.s32 $0x400, s20;
	[tilespmem:s20+$0x20] =	vst v6  }
0x3d: {  	v61 =	vld.idx.msk [tilespmem:v0+s19+$0x0 ss:$0x1], $0xffff;
	[tilespmem:s31+$0x30] =	vst v56  }
0x3e: {  	v62 =	vld.idx.msk [tilespmem:v0+s19+$0x10 ss:$0x1], $0xffff;
	s18 =	sadd.s32 $0x1, s18;
	[tilespmem:s31+$0xFFFFFFC0] =	vst v57  }
0x3f: {  	v63 =	vld.idx.msk [tilespmem:v0+s19+$0x20 ss:$0x1], $0xffff;
	p1 =	sne.s32 s18, $0x8;
	[tilespmem:s31+$0xFFFFFFD0] =	vst v58  }
.Ltmp4:
0x40: {  	[tilespmem:s31+$0xFFFFFFE0] =	vst v59;
	(pc) =	sbr.rel @p1 .LBB1_4-.Ltmp4, $4  }
0x41: {  	[tilespmem:s31+$0xFFFFFFF0] =	vst v60  }
0x42: {  	[tilespmem:s31+$0x0] =	vst v61  }
0x43: {  	[tilespmem:s31+$0x10] =	vst v62  }
0x44: {  	s16 =	sadd.s32 $0x80, s16;
	s17 =	sadd.s32 $0x400, s17;
	[tilespmem:s31+$0x20] =	vst v63  }
.Ltmp5:
0x45: {  	(pc) =	sbr.rel @p0 .LBB1_3-.Ltmp5, $2  }
0x46: {  	_ =	sdelay $0x2  }
0x47: {  	s16 =	simm.s32 $0x2000;
	p1 =	por $0x0, $0x0  }
.Ltmp6:
0x48: {  	(pc) =	sbr.rel .LBB1_9-.Ltmp6, $4  }
0x49: {  	_ = 	snop  }
0x4a: {  	s12 =	sshll.u32 s12, $0xA  }
0x4b: {  	s12 =	sadd.s32 s4, s12  }
0x4c: {  	[hbm4b:s12+s8] =	stream.linear.scatter [tilespmem:s13], [sflag:$0x2], $0x4000, $0x38;
	[tilespmem:$0x10000] =	vst v63  }
.LBB1_10:
0x4d: {  	_ =	sfence.sel $0x180000  }
0x4e: {  	s2 =	simm.s32 $0x1;
	[bflag:$0x0] =	sbarrier.arrive $0xFFFF  }
0x4f: {  	s31 =	simm.s32 $0x2;
	[sflag:s2] =	ssyncpa.u1 $0x1  }
0x50: {  	[sflag:s31] =	ssyncpa.u1 $0x1  }
0x51: {  	p0 =	sne.s32 s0, $0x0;
	_ =	strace $0x9000004A  }
0x52: {  	s0 =	sadd.s32 @!p0 $0x100000, s1;
	[bflag:$0x2] =	sbarrier.arrive $0xFFFF  }
0x53: {  	[sflag:s0] =	ssyncadd.tile.s32 @!p0 $0x1;
	_ =	shalt  }
.Lfunc_end1:
_tile_overlayer_lowered:
.L_overlay_start_2:
0x54: {  	(tag) =	ssettag $0x2  }
0x55: {  	s0 =	rddreg [dreg:$0x0];
	s2 =	stileid.u32  }
0x56: {  	s1 =	rddreg [dreg:$0x1];
	p0 =	sne.s32 s2, $0x0  }
0x57: {  	s3 =	rddreg [dreg:$0x2];
	[bflag:$0x3] =	sbarrier.arrive $0xFFFF;
	s2 =	simm.s32 @!p0 $0x1C01  }
0x58: {  	[timem:s3], [sflag:s2] =	dma.local @!p0 [hbm:s0], s1  }
0x59: {  	s0 =	simm.s32 @!p0 $0x1  }
0x5a: {  	_ =	swait.ge @!p0 [sflag:s0], s1  }
0x5b: {  	s1 =	ssub.s32 @!p0 $0x0, s1;
	[sflag:s0] =	ssyncset.done @!p0 $0x0  }
0x5c: {  	[sflag:s0] =	ssyncadd.s32 @!p0 s1  }
0x5d: {  	[bflag:$0x3] =	sbarrier.arrive $0xFFFF  }
0x5e: {  	_ =	shalt  }

</sc_bundles>
